<compile_context>
chip_gen: v7x
topology: tpu7x:2x2x1
jax: 0.10.2.dev20260603
libtpu: 0.0.44.dev20260713+nightly
codegen_flags: <defaults>
</compile_context>

<pallas_src>
import functools

import jax
import jax.numpy as jnp
from jax import lax
from jax.experimental import pallas as pl
from jax.experimental.pallas import tpu as pltpu
from jax.experimental.pallas import tpu_sc as plsc


N_LEVELS = 4
_BB = 256


def _level_body(r_ref, q_ref, w_ref, idx_ref, rout_ref, wsq_ref):
    D = r_ref.shape[1]
    r = r_ref[...] - q_ref[:, :D]
    _dist_argmin(r, w_ref, idx_ref, rout_ref, wsq_ref)


def _level0_body(r_ref, w_ref, idx_ref, rout_ref, wsq_ref):
    _dist_argmin(r_ref[...], w_ref, idx_ref, rout_ref, wsq_ref)


def _dist_argmin(r, w_ref, idx_ref, rout_ref, wsq_ref):
    bB, D = r.shape
    K = w_ref.shape[0]
    iota_k = jax.lax.broadcasted_iota(jnp.int32, (1, K), 1)

    @pl.when(pl.program_id(0) == 0)
    def _prep():
        W = w_ref[...]
        wsq_ref[...] = jnp.sum(W * W, axis=1)

    W = w_ref[...]
    w_sq = wsq_ref[...][None, :]
    r_sq = jnp.sum(r * r, axis=1, keepdims=True)
    s = jax.lax.dot_general(r, W, (((1,), (1,)), ((), ())),
                            preferred_element_type=jnp.float32)
    dist = r_sq - 2.0 * s + w_sq
    m = jnp.min(dist, axis=1, keepdims=True)
    idx = jnp.min(jnp.where(dist == m, iota_k, K), axis=1)
    idx_ref[...] = idx
    rout_ref[...] = r


def _tc_level(r, q, W, lvl):
    B, D = r.shape
    K = W.shape[0]
    bB = _BB
    grid = (B // bB,)
    out_shapes = (
        jax.ShapeDtypeStruct((B,), jnp.int32),
        jax.ShapeDtypeStruct((B, D), jnp.float32),
    )
    out_specs = (
        pl.BlockSpec((bB,), lambda i: (i,)),
        pl.BlockSpec((bB, D), lambda i: (i, 0)),
    )
    rq_spec = pl.BlockSpec((bB, D), lambda i: (i, 0))
    qpad_spec = pl.BlockSpec((bB, 2 * D), lambda i: (i, 0))
    cb_spec = pl.BlockSpec((K, D), lambda i: (0, 0))
    scratch = [pltpu.VMEM((K,), jnp.float32)]
    if lvl == 0:
        return pl.pallas_call(
            _level0_body, grid=grid,
            in_specs=[rq_spec, cb_spec],
            out_specs=out_specs, out_shape=out_shapes,
            scratch_shapes=scratch,
        )(r, W)
    return pl.pallas_call(
        _level_body, grid=grid,
        in_specs=[rq_spec, qpad_spec, cb_spec],
        out_specs=out_specs, out_shape=out_shapes,
        scratch_shapes=scratch,
    )(r, q, W)


def _make_sc_gather(K, D, B):
    info = plsc.get_sparse_core_info()
    NW = info.num_cores * info.num_subcores
    b_per_w = B // NW
    n_idx = 128
    chunks = b_per_w // n_idx
    n_outer = 2
    rows_per_outer = b_per_w // n_outer
    g_per_outer = rows_per_outer // n_idx
    mesh = plsc.VectorSubcoreMesh(core_axis_name="c", subcore_axis_name="s")

    @functools.partial(
        pl.kernel, mesh=mesh,
        out_type=jax.ShapeDtypeStruct((B, 2 * D), jnp.float32),
        scratch_types=[
            pltpu.VMEM((chunks, n_idx), jnp.int32),
            pltpu.VMEM((rows_per_outer, 2 * D), jnp.float32),
            pltpu.SemaphoreType.DMA,
        ],
    )
    def _gather(table_hbm, idx_hbm, out_hbm, idx_v, rows_v, sem):
        wid = lax.axis_index("s") * info.num_cores + lax.axis_index("c")
        base = wid * b_per_w
        pltpu.sync_copy(idx_hbm.at[pl.ds(wid * chunks, chunks)], idx_v)
        for o in range(n_outer):
            copies = [
                pltpu.async_copy(
                    table_hbm.at[idx_v.at[o * g_per_outer + j]],
                    rows_v.at[pl.ds(j * n_idx, n_idx)], sem)
                for j in range(g_per_outer)]
            for c in copies:
                c.wait()
            pltpu.sync_copy(
                rows_v,
                out_hbm.at[pl.ds(base + o * rows_per_outer, rows_per_outer)])

    return _gather


def _zq_body(q0_ref, q1_ref, q2_ref, q3_ref, zq_ref):
    D = zq_ref.shape[1]
    zq_ref[...] = ((q0_ref[:, :D] + q1_ref[:, :D]) + q2_ref[:, :D]) + q3_ref[:, :D]


def _zq(q0, q1, q2, q3):
    B, D2 = q0.shape
    D = D2 // 2
    bB = 1024
    qspec = pl.BlockSpec((bB, D2), lambda i: (i, 0))
    return pl.pallas_call(
        _zq_body, grid=(B // bB,),
        in_specs=[qspec] * 4,
        out_specs=pl.BlockSpec((bB, D), lambda i: (i, 0)),
        out_shape=jax.ShapeDtypeStruct((B, D), jnp.float32),
    )(q0, q1, q2, q3)


def kernel(h, cb0, cb1, cb2, cb3):
    B, D = h.shape
    K = cb0.shape[0]
    gather = _make_sc_gather(K, D, B)
    cbs = (cb0, cb1, cb2, cb3)
    rs, qs, idxs = [], [], []
    r, q = h, None
    for lvl in range(N_LEVELS):
        idx, r = _tc_level(r, q, cbs[lvl], lvl)
        wpad = jnp.pad(cbs[lvl], ((0, 0), (0, D)))
        q = gather(wpad, idx.reshape(B // 128, 128))
        rs.append(r)
        qs.append(q)
        idxs.append(idx)
    z_q = _zq(*qs)
    sids = jnp.stack(idxs, axis=1)
    residuals = jnp.stack(rs, axis=1)
    quantized = jnp.stack([q[:, :D] for q in qs], axis=1)
    active_mask = jnp.ones((N_LEVELS,), dtype=h.dtype)
    return (z_q, sids, residuals, quantized, active_mask)

# --- scband reference (transcript-rebuilt; emitter-appended) ---
"""Pipeline reference for scband-residual-quantizer-89850715833213 (READ-ONLY COPY).

The authoritative reference and input builder live on the scoring server;
editing this copy changes nothing except your own understanding.
"""

import jax, jax.numpy as jnp
import numpy as np

N_LEVELS = 4
K = 1024
D = 64
B = 32768

def setup_inputs(seed: int = 0) -> dict:
    key = jax.random.key(seed)
    k_h, k_cb = jax.random.split(key)
    h = jax.random.normal(k_h, (B, D), dtype=jnp.float32)
    cbs = {}
    for i in range(N_LEVELS):
        cbs[f"cb{i}"] = 0.02 * jax.random.normal(jax.random.fold_in(k_cb, i), (K, D), dtype=jnp.float32)
    return {"h": h, **cbs}

def reference(h, cb0, cb1, cb2, cb3):
    codebooks = [cb0, cb1, cb2, cb3]
    residual = h
    all_quantized = []
    all_residuals = []
    all_sids = []
    for W in codebooks:
        distances = (jnp.sum(residual ** 2, axis=1, keepdims=True)
                     - 2.0 * residual @ W.T
                     + jnp.sum(W ** 2, axis=1)[None, :])
        idx = jnp.argmin(distances, axis=1)
        q = jnp.take(W, idx, axis=0)
        all_residuals.append(residual)
        all_quantized.append(q)
        all_sids.append(idx)
        residual = residual - q
    quantized = jnp.stack(all_quantized, axis=1)
    residuals = jnp.stack(all_residuals, axis=1)
    sids = jnp.stack(all_sids, axis=1)
    active_mask = jnp.zeros((N_LEVELS,), dtype=h.dtype).at[:N_LEVELS].set(1.0)
    z_q = (quantized * active_mask.reshape(1, -1, 1)).sum(axis=1)
    return (z_q, sids, residuals, quantized, active_mask)

if __name__ == "__main__":
    import jax
    _d = setup_inputs()
    print(jax.jit(kernel)(*tuple(_d.values())))

</pallas_src>

<mosaic_0001>
#map = affine_map<(d0, d1) -> (0, 0)>
module attributes {stable_mosaic.version = 14 : i64} {
  func.func @_gather(%arg0: i32, %arg1: i32, %arg2: memref<1024x128xf32, #tpu.memory_space<hbm>>, %arg3: memref<256x128xi32, #tpu.memory_space<hbm>>, %arg4: memref<32768x128xf32, #tpu.memory_space<hbm>>, %arg5: memref<8x128xi32, #tpu.memory_space<vmem>>, %arg6: memref<512x128xf32, #tpu.memory_space<vmem>>, %arg7: memref<!tpu.dma_semaphore, #tpu.memory_space<semaphore_mem>>) attributes {dimension_semantics = [#tpu.dimension_semantics<core_parallel>, #tpu.dimension_semantics<subcore_parallel>], iteration_bounds = array<i64: 2, 16>, scalar_prefetch = 0 : i64, scratch_operands = 3 : i64, tpu.core_type = #tpu.core_type<sc_vector_subcore>, window_params = [{transform_indices = #map}, {transform_indices = #map}, {transform_indices = #map}]} {
    %mul3A = arith.constant 2 : i32
    %mul3A_0 = arith.muli %arg1, %mul3A : i32
    %add3A = arith.addi %mul3A_0, %arg0 : i32
    %mul3A_1 = arith.constant 1024 : i32
    %mul3A_2 = arith.muli %add3A, %mul3A_1 : i32
    %mul3A_3 = arith.constant 8 : i32
    %mul3A_4 = arith.muli %add3A, %mul3A_3 : i32
    "tpu.region"() ({
      %run_scoped3A = tpu.sem_alloc : memref<!tpu.dma_semaphore, #tpu.memory_space<semaphore_mem>>
      %dma_start3A_167 = arith.constant 0 : i32
      %dma_start3A_168 = tpu.memref_slice %arg3[%mul3A_4, %dma_start3A_167] : memref<256x128xi32, #tpu.memory_space<hbm>> -> memref<8x128xi32, #tpu.memory_space<hbm>>
      %dma_start3A_169 = arith.constant 0 : i32
      %dma_start3A_170 = tpu.memref_slice %arg3[%mul3A_4, %dma_start3A_169] : memref<256x128xi32, #tpu.memory_space<hbm>> -> memref<8x128xi32, #tpu.memory_space<hbm>>
      tpu.enqueue_dma source(%dma_start3A_170 : memref<8x128xi32, #tpu.memory_space<hbm>>) target(%arg5 : memref<8x128xi32, #tpu.memory_space<vmem>>) target_semaphore(%run_scoped3A : memref<!tpu.dma_semaphore, #tpu.memory_space<semaphore_mem>>)
      %dma_wait3A_171 = arith.constant 0 : i32
      %dma_wait3A_172 = tpu.memref_slice %arg3[%mul3A_4, %dma_wait3A_171] : memref<256x128xi32, #tpu.memory_space<hbm>> -> memref<8x128xi32, #tpu.memory_space<hbm>>
      %dma_wait3A_173 = arith.constant 0 : i32
      %dma_wait3A_174 = tpu.memref_slice %arg3[%mul3A_4, %dma_wait3A_173] : memref<256x128xi32, #tpu.memory_space<hbm>> -> memref<8x128xi32, #tpu.memory_space<hbm>>
      tpu.wait_dma2 semaphore(%run_scoped3A : memref<!tpu.dma_semaphore, #tpu.memory_space<semaphore_mem>>) src(%dma_wait3A_174 : memref<8x128xi32, #tpu.memory_space<hbm>>) dst(%arg5 : memref<8x128xi32, #tpu.memory_space<vmem>>)
      tpu.yield
    }) : () -> ()
    %dma_start3A = arith.constant 0 : i32
    %dma_start3A_5 = arith.constant 0 : i32
    %dma_start3A_6 = arith.constant 0 : i32
    %dma_start3A_7 = tpu.memref_slice %arg6[%dma_start3A_5, %dma_start3A_6] : memref<512x128xf32, #tpu.memory_space<vmem>> -> memref<128x128xf32, #tpu.memory_space<vmem>>
    %dma_start3A_8 = arith.constant 0 : i32
    %dma_start3A_9 = tpu.memref_slice %arg5[%dma_start3A, %dma_start3A_8] : memref<8x128xi32, #tpu.memory_space<vmem>> -> memref<1x128xi32, #tpu.memory_space<vmem>>
    %dma_start3A_10 = tpu.memref_squeeze %dma_start3A_9 : memref<1x128xi32, #tpu.memory_space<vmem>> -> memref<128xi32, #tpu.memory_space<vmem>>
    %dma_start3A_11 = arith.constant 0 : i32
    %dma_start3A_12 = arith.constant 0 : i32
    %dma_start3A_13 = tpu.memref_slice %arg2[%dma_start3A_11, %dma_start3A_12] : memref<1024x128xf32, #tpu.memory_space<hbm>> -> memref<1024x128xf32, #tpu.memory_space<hbm>>
    tpu.enqueue_indirect_dma source(%dma_start3A_13 : memref<1024x128xf32, #tpu.memory_space<hbm>>) target(%dma_start3A_7 : memref<128x128xf32, #tpu.memory_space<vmem>>) offsets(%dma_start3A_10 : memref<128xi32, #tpu.memory_space<vmem>>) semaphore(%arg7 : memref<!tpu.dma_semaphore, #tpu.memory_space<semaphore_mem>>)
    %dma_start3A_14 = arith.constant 1 : i32
    %dma_start3A_15 = arith.constant 128 : i32
    %dma_start3A_16 = arith.constant 0 : i32
    %dma_start3A_17 = tpu.memref_slice %arg6[%dma_start3A_15, %dma_start3A_16] : memref<512x128xf32, #tpu.memory_space<vmem>> -> memref<128x128xf32, #tpu.memory_space<vmem>>
    %dma_start3A_18 = arith.constant 0 : i32
    %dma_start3A_19 = tpu.memref_slice %arg5[%dma_start3A_14, %dma_start3A_18] : memref<8x128xi32, #tpu.memory_space<vmem>> -> memref<1x128xi32, #tpu.memory_space<vmem>>
    %dma_start3A_20 = tpu.memref_squeeze %dma_start3A_19 : memref<1x128xi32, #tpu.memory_space<vmem>> -> memref<128xi32, #tpu.memory_space<vmem>>
    %dma_start3A_21 = arith.constant 0 : i32
    %dma_start3A_22 = arith.constant 0 : i32
    %dma_start3A_23 = tpu.memref_slice %arg2[%dma_start3A_21, %dma_start3A_22] : memref<1024x128xf32, #tpu.memory_space<hbm>> -> memref<1024x128xf32, #tpu.memory_space<hbm>>
    tpu.enqueue_indirect_dma source(%dma_start3A_23 : memref<1024x128xf32, #tpu.memory_space<hbm>>) target(%dma_start3A_17 : memref<128x128xf32, #tpu.memory_space<vmem>>) offsets(%dma_start3A_20 : memref<128xi32, #tpu.memory_space<vmem>>) semaphore(%arg7 : memref<!tpu.dma_semaphore, #tpu.memory_space<semaphore_mem>>)
    %dma_start3A_24 = arith.constant 2 : i32
    %dma_start3A_25 = arith.constant 256 : i32
    %dma_start3A_26 = arith.constant 0 : i32
    %dma_start3A_27 = tpu.memref_slice %arg6[%dma_start3A_25, %dma_start3A_26] : memref<512x128xf32, #tpu.memory_space<vmem>> -> memref<128x128xf32, #tpu.memory_space<vmem>>
    %dma_start3A_28 = arith.constant 0 : i32
    %dma_start3A_29 = tpu.memref_slice %arg5[%dma_start3A_24, %dma_start3A_28] : memref<8x128xi32, #tpu.memory_space<vmem>> -> memref<1x128xi32, #tpu.memory_space<vmem>>
    %dma_start3A_30 = tpu.memref_squeeze %dma_start3A_29 : memref<1x128xi32, #tpu.memory_space<vmem>> -> memref<128xi32, #tpu.memory_space<vmem>>
    %dma_start3A_31 = arith.constant 0 : i32
    %dma_start3A_32 = arith.constant 0 : i32
    %dma_start3A_33 = tpu.memref_slice %arg2[%dma_start3A_31, %dma_start3A_32] : memref<1024x128xf32, #tpu.memory_space<hbm>> -> memref<1024x128xf32, #tpu.memory_space<hbm>>
    tpu.enqueue_indirect_dma source(%dma_start3A_33 : memref<1024x128xf32, #tpu.memory_space<hbm>>) target(%dma_start3A_27 : memref<128x128xf32, #tpu.memory_space<vmem>>) offsets(%dma_start3A_30 : memref<128xi32, #tpu.memory_space<vmem>>) semaphore(%arg7 : memref<!tpu.dma_semaphore, #tpu.memory_space<semaphore_mem>>)
    %dma_start3A_34 = arith.constant 3 : i32
    %dma_start3A_35 = arith.constant 384 : i32
    %dma_start3A_36 = arith.constant 0 : i32
    %dma_start3A_37 = tpu.memref_slice %arg6[%dma_start3A_35, %dma_start3A_36] : memref<512x128xf32, #tpu.memory_space<vmem>> -> memref<128x128xf32, #tpu.memory_space<vmem>>
    %dma_start3A_38 = arith.constant 0 : i32
    %dma_start3A_39 = tpu.memref_slice %arg5[%dma_start3A_34, %dma_start3A_38] : memref<8x128xi32, #tpu.memory_space<vmem>> -> memref<1x128xi32, #tpu.memory_space<vmem>>
    %dma_start3A_40 = tpu.memref_squeeze %dma_start3A_39 : memref<1x128xi32, #tpu.memory_space<vmem>> -> memref<128xi32, #tpu.memory_space<vmem>>
    %dma_start3A_41 = arith.constant 0 : i32
    %dma_start3A_42 = arith.constant 0 : i32
    %dma_start3A_43 = tpu.memref_slice %arg2[%dma_start3A_41, %dma_start3A_42] : memref<1024x128xf32, #tpu.memory_space<hbm>> -> memref<1024x128xf32, #tpu.memory_space<hbm>>
    tpu.enqueue_indirect_dma source(%dma_start3A_43 : memref<1024x128xf32, #tpu.memory_space<hbm>>) target(%dma_start3A_37 : memref<128x128xf32, #tpu.memory_space<vmem>>) offsets(%dma_start3A_40 : memref<128xi32, #tpu.memory_space<vmem>>) semaphore(%arg7 : memref<!tpu.dma_semaphore, #tpu.memory_space<semaphore_mem>>)
    %dma_wait3A = arith.constant 0 : i32
    %dma_wait3A_44 = arith.constant 0 : i32
    %dma_wait3A_45 = arith.constant 0 : i32
    %dma_wait3A_46 = tpu.memref_slice %arg6[%dma_wait3A_44, %dma_wait3A_45] : memref<512x128xf32, #tpu.memory_space<vmem>> -> memref<128x128xf32, #tpu.memory_space<vmem>>
    %dma_wait3A_47 = arith.constant 0 : i32
    %dma_wait3A_48 = tpu.memref_slice %arg5[%dma_wait3A, %dma_wait3A_47] : memref<8x128xi32, #tpu.memory_space<vmem>> -> memref<1x128xi32, #tpu.memory_space<vmem>>
    %dma_wait3A_49 = tpu.memref_squeeze %dma_wait3A_48 : memref<1x128xi32, #tpu.memory_space<vmem>> -> memref<128xi32, #tpu.memory_space<vmem>>
    %dma_wait3A_50 = arith.constant 0 : i32
    %dma_wait3A_51 = arith.constant 0 : i32
    %dma_wait3A_52 = tpu.memref_slice %arg2[%dma_wait3A_50, %dma_wait3A_51] : memref<1024x128xf32, #tpu.memory_space<hbm>> -> memref<1024x128xf32, #tpu.memory_space<hbm>>
    tpu.wait_indirect_dma semaphore(%arg7 : memref<!tpu.dma_semaphore, #tpu.memory_space<semaphore_mem>>) src(%dma_wait3A_52 : memref<1024x128xf32, #tpu.memory_space<hbm>>) dst(%dma_wait3A_46 : memref<128x128xf32, #tpu.memory_space<vmem>>)
    %dma_wait3A_53 = arith.constant 1 : i32
    %dma_wait3A_54 = arith.constant 128 : i32
    %dma_wait3A_55 = arith.constant 0 : i32
    %dma_wait3A_56 = tpu.memref_slice %arg6[%dma_wait3A_54, %dma_wait3A_55] : memref<512x128xf32, #tpu.memory_space<vmem>> -> memref<128x128xf32, #tpu.memory_space<vmem>>
    %dma_wait3A_57 = arith.constant 0 : i32
    %dma_wait3A_58 = tpu.memref_slice %arg5[%dma_wait3A_53, %dma_wait3A_57] : memref<8x128xi32, #tpu.memory_space<vmem>> -> memref<1x128xi32, #tpu.memory_space<vmem>>
    %dma_wait3A_59 = tpu.memref_squeeze %dma_wait3A_58 : memref<1x128xi32, #tpu.memory_space<vmem>> -> memref<128xi32, #tpu.memory_space<vmem>>
    %dma_wait3A_60 = arith.constant 0 : i32
    %dma_wait3A_61 = arith.constant 0 : i32
    %dma_wait3A_62 = tpu.memref_slice %arg2[%dma_wait3A_60, %dma_wait3A_61] : memref<1024x128xf32, #tpu.memory_space<hbm>> -> memref<1024x128xf32, #tpu.memory_space<hbm>>
    tpu.wait_indirect_dma semaphore(%arg7 : memref<!tpu.dma_semaphore, #tpu.memory_space<semaphore_mem>>) src(%dma_wait3A_62 : memref<1024x128xf32, #tpu.memory_space<hbm>>) dst(%dma_wait3A_56 : memref<128x128xf32, #tpu.memory_space<vmem>>)
    %dma_wait3A_63 = arith.constant 2 : i32
    %dma_wait3A_64 = arith.constant 256 : i32
    %dma_wait3A_65 = arith.constant 0 : i32
    %dma_wait3A_66 = tpu.memref_slice %arg6[%dma_wait3A_64, %dma_wait3A_65] : memref<512x128xf32, #tpu.memory_space<vmem>> -> memref<128x128xf32, #tpu.memory_space<vmem>>
    %dma_wait3A_67 = arith.constant 0 : i32
    %dma_wait3A_68 = tpu.memref_slice %arg5[%dma_wait3A_63, %dma_wait3A_67] : memref<8x128xi32, #tpu.memory_space<vmem>> -> memref<1x128xi32, #tpu.memory_space<vmem>>
    %dma_wait3A_69 = tpu.memref_squeeze %dma_wait3A_68 : memref<1x128xi32, #tpu.memory_space<vmem>> -> memref<128xi32, #tpu.memory_space<vmem>>
    %dma_wait3A_70 = arith.constant 0 : i32
    %dma_wait3A_71 = arith.constant 0 : i32
    %dma_wait3A_72 = tpu.memref_slice %arg2[%dma_wait3A_70, %dma_wait3A_71] : memref<1024x128xf32, #tpu.memory_space<hbm>> -> memref<1024x128xf32, #tpu.memory_space<hbm>>
    tpu.wait_indirect_dma semaphore(%arg7 : memref<!tpu.dma_semaphore, #tpu.memory_space<semaphore_mem>>) src(%dma_wait3A_72 : memref<1024x128xf32, #tpu.memory_space<hbm>>) dst(%dma_wait3A_66 : memref<128x128xf32, #tpu.memory_space<vmem>>)
    %dma_wait3A_73 = arith.constant 3 : i32
    %dma_wait3A_74 = arith.constant 384 : i32
    %dma_wait3A_75 = arith.constant 0 : i32
    %dma_wait3A_76 = tpu.memref_slice %arg6[%dma_wait3A_74, %dma_wait3A_75] : memref<512x128xf32, #tpu.memory_space<vmem>> -> memref<128x128xf32, #tpu.memory_space<vmem>>
    %dma_wait3A_77 = arith.constant 0 : i32
    %dma_wait3A_78 = tpu.memref_slice %arg5[%dma_wait3A_73, %dma_wait3A_77] : memref<8x128xi32, #tpu.memory_space<vmem>> -> memref<1x128xi32, #tpu.memory_space<vmem>>
    %dma_wait3A_79 = tpu.memref_squeeze %dma_wait3A_78 : memref<1x128xi32, #tpu.memory_space<vmem>> -> memref<128xi32, #tpu.memory_space<vmem>>
    %dma_wait3A_80 = arith.constant 0 : i32
    %dma_wait3A_81 = arith.constant 0 : i32
    %dma_wait3A_82 = tpu.memref_slice %arg2[%dma_wait3A_80, %dma_wait3A_81] : memref<1024x128xf32, #tpu.memory_space<hbm>> -> memref<1024x128xf32, #tpu.memory_space<hbm>>
    tpu.wait_indirect_dma semaphore(%arg7 : memref<!tpu.dma_semaphore, #tpu.memory_space<semaphore_mem>>) src(%dma_wait3A_82 : memref<1024x128xf32, #tpu.memory_space<hbm>>) dst(%dma_wait3A_76 : memref<128x128xf32, #tpu.memory_space<vmem>>)
    %add3A_83 = arith.constant 0 : i32
    %add3A_84 = arith.addi %mul3A_2, %add3A_83 : i32
    "tpu.region"() ({
      %run_scoped3A = tpu.sem_alloc : memref<!tpu.dma_semaphore, #tpu.memory_space<semaphore_mem>>
      %dma_start3A_167 = arith.constant 0 : i32
      %dma_start3A_168 = tpu.memref_slice %arg4[%add3A_84, %dma_start3A_167] : memref<32768x128xf32, #tpu.memory_space<hbm>> -> memref<512x128xf32, #tpu.memory_space<hbm>>
      %dma_start3A_169 = arith.constant 0 : i32
      %dma_start3A_170 = tpu.memref_slice %arg4[%add3A_84, %dma_start3A_169] : memref<32768x128xf32, #tpu.memory_space<hbm>> -> memref<512x128xf32, #tpu.memory_space<hbm>>
      tpu.enqueue_dma source(%arg6 : memref<512x128xf32, #tpu.memory_space<vmem>>) target(%dma_start3A_170 : memref<512x128xf32, #tpu.memory_space<hbm>>) target_semaphore(%run_scoped3A : memref<!tpu.dma_semaphore, #tpu.memory_space<semaphore_mem>>)
      %dma_wait3A_171 = arith.constant 0 : i32
      %dma_wait3A_172 = tpu.memref_slice %arg4[%add3A_84, %dma_wait3A_171] : memref<32768x128xf32, #tpu.memory_space<hbm>> -> memref<512x128xf32, #tpu.memory_space<hbm>>
      %dma_wait3A_173 = arith.constant 0 : i32
      %dma_wait3A_174 = tpu.memref_slice %arg4[%add3A_84, %dma_wait3A_173] : memref<32768x128xf32, #tpu.memory_space<hbm>> -> memref<512x128xf32, #tpu.memory_space<hbm>>
      tpu.wait_dma2 semaphore(%run_scoped3A : memref<!tpu.dma_semaphore, #tpu.memory_space<semaphore_mem>>) src(%arg6 : memref<512x128xf32, #tpu.memory_space<vmem>>) dst(%dma_wait3A_174 : memref<512x128xf32, #tpu.memory_space<hbm>>)
      tpu.yield
    }) : () -> ()
    %dma_start3A_85 = arith.constant 4 : i32
    %dma_start3A_86 = arith.constant 0 : i32
    %dma_start3A_87 = arith.constant 0 : i32
    %dma_start3A_88 = tpu.memref_slice %arg6[%dma_start3A_86, %dma_start3A_87] : memref<512x128xf32, #tpu.memory_space<vmem>> -> memref<128x128xf32, #tpu.memory_space<vmem>>
    %dma_start3A_89 = arith.constant 0 : i32
    %dma_start3A_90 = tpu.memref_slice %arg5[%dma_start3A_85, %dma_start3A_89] : memref<8x128xi32, #tpu.memory_space<vmem>> -> memref<1x128xi32, #tpu.memory_space<vmem>>
    %dma_start3A_91 = tpu.memref_squeeze %dma_start3A_90 : memref<1x128xi32, #tpu.memory_space<vmem>> -> memref<128xi32, #tpu.memory_space<vmem>>
    %dma_start3A_92 = arith.constant 0 : i32
    %dma_start3A_93 = arith.constant 0 : i32
    %dma_start3A_94 = tpu.memref_slice %arg2[%dma_start3A_92, %dma_start3A_93] : memref<1024x128xf32, #tpu.memory_space<hbm>> -> memref<1024x128xf32, #tpu.memory_space<hbm>>
    tpu.enqueue_indirect_dma source(%dma_start3A_94 : memref<1024x128xf32, #tpu.memory_space<hbm>>) target(%dma_start3A_88 : memref<128x128xf32, #tpu.memory_space<vmem>>) offsets(%dma_start3A_91 : memref<128xi32, #tpu.memory_space<vmem>>) semaphore(%arg7 : memref<!tpu.dma_semaphore, #tpu.memory_space<semaphore_mem>>)
    %dma_start3A_95 = arith.constant 5 : i32
    %dma_start3A_96 = arith.constant 128 : i32
    %dma_start3A_97 = arith.constant 0 : i32
    %dma_start3A_98 = tpu.memref_slice %arg6[%dma_start3A_96, %dma_start3A_97] : memref<512x128xf32, #tpu.memory_space<vmem>> -> memref<128x128xf32, #tpu.memory_space<vmem>>
    %dma_start3A_99 = arith.constant 0 : i32
    %dma_start3A_100 = tpu.memref_slice %arg5[%dma_start3A_95, %dma_start3A_99] : memref<8x128xi32, #tpu.memory_space<vmem>> -> memref<1x128xi32, #tpu.memory_space<vmem>>
    %dma_start3A_101 = tpu.memref_squeeze %dma_start3A_100 : memref<1x128xi32, #tpu.memory_space<vmem>> -> memref<128xi32, #tpu.memory_space<vmem>>
    %dma_start3A_102 = arith.constant 0 : i32
    %dma_start3A_103 = arith.constant 0 : i32
    %dma_start3A_104 = tpu.memref_slice %arg2[%dma_start3A_102, %dma_start3A_103] : memref<1024x128xf32, #tpu.memory_space<hbm>> -> memref<1024x128xf32, #tpu.memory_space<hbm>>
    tpu.enqueue_indirect_dma source(%dma_start3A_104 : memref<1024x128xf32, #tpu.memory_space<hbm>>) target(%dma_start3A_98 : memref<128x128xf32, #tpu.memory_space<vmem>>) offsets(%dma_start3A_101 : memref<128xi32, #tpu.memory_space<vmem>>) semaphore(%arg7 : memref<!tpu.dma_semaphore, #tpu.memory_space<semaphore_mem>>)
    %dma_start3A_105 = arith.constant 6 : i32
    %dma_start3A_106 = arith.constant 256 : i32
    %dma_start3A_107 = arith.constant 0 : i32
    %dma_start3A_108 = tpu.memref_slice %arg6[%dma_start3A_106, %dma_start3A_107] : memref<512x128xf32, #tpu.memory_space<vmem>> -> memref<128x128xf32, #tpu.memory_space<vmem>>
    %dma_start3A_109 = arith.constant 0 : i32
    %dma_start3A_110 = tpu.memref_slice %arg5[%dma_start3A_105, %dma_start3A_109] : memref<8x128xi32, #tpu.memory_space<vmem>> -> memref<1x128xi32, #tpu.memory_space<vmem>>
    %dma_start3A_111 = tpu.memref_squeeze %dma_start3A_110 : memref<1x128xi32, #tpu.memory_space<vmem>> -> memref<128xi32, #tpu.memory_space<vmem>>
    %dma_start3A_112 = arith.constant 0 : i32
    %dma_start3A_113 = arith.constant 0 : i32
    %dma_start3A_114 = tpu.memref_slice %arg2[%dma_start3A_112, %dma_start3A_113] : memref<1024x128xf32, #tpu.memory_space<hbm>> -> memref<1024x128xf32, #tpu.memory_space<hbm>>
    tpu.enqueue_indirect_dma source(%dma_start3A_114 : memref<1024x128xf32, #tpu.memory_space<hbm>>) target(%dma_start3A_108 : memref<128x128xf32, #tpu.memory_space<vmem>>) offsets(%dma_start3A_111 : memref<128xi32, #tpu.memory_space<vmem>>) semaphore(%arg7 : memref<!tpu.dma_semaphore, #tpu.memory_space<semaphore_mem>>)
    %dma_start3A_115 = arith.constant 7 : i32
    %dma_start3A_116 = arith.constant 384 : i32
    %dma_start3A_117 = arith.constant 0 : i32
    %dma_start3A_118 = tpu.memref_slice %arg6[%dma_start3A_116, %dma_start3A_117] : memref<512x128xf32, #tpu.memory_space<vmem>> -> memref<128x128xf32, #tpu.memory_space<vmem>>
    %dma_start3A_119 = arith.constant 0 : i32
    %dma_start3A_120 = tpu.memref_slice %arg5[%dma_start3A_115, %dma_start3A_119] : memref<8x128xi32, #tpu.memory_space<vmem>> -> memref<1x128xi32, #tpu.memory_space<vmem>>
    %dma_start3A_121 = tpu.memref_squeeze %dma_start3A_120 : memref<1x128xi32, #tpu.memory_space<vmem>> -> memref<128xi32, #tpu.memory_space<vmem>>
    %dma_start3A_122 = arith.constant 0 : i32
    %dma_start3A_123 = arith.constant 0 : i32
    %dma_start3A_124 = tpu.memref_slice %arg2[%dma_start3A_122, %dma_start3A_123] : memref<1024x128xf32, #tpu.memory_space<hbm>> -> memref<1024x128xf32, #tpu.memory_space<hbm>>
    tpu.enqueue_indirect_dma source(%dma_start3A_124 : memref<1024x128xf32, #tpu.memory_space<hbm>>) target(%dma_start3A_118 : memref<128x128xf32, #tpu.memory_space<vmem>>) offsets(%dma_start3A_121 : memref<128xi32, #tpu.memory_space<vmem>>) semaphore(%arg7 : memref<!tpu.dma_semaphore, #tpu.memory_space<semaphore_mem>>)
    %dma_wait3A_125 = arith.constant 4 : i32
    %dma_wait3A_126 = arith.constant 0 : i32
    %dma_wait3A_127 = arith.constant 0 : i32
    %dma_wait3A_128 = tpu.memref_slice %arg6[%dma_wait3A_126, %dma_wait3A_127] : memref<512x128xf32, #tpu.memory_space<vmem>> -> memref<128x128xf32, #tpu.memory_space<vmem>>
    %dma_wait3A_129 = arith.constant 0 : i32
    %dma_wait3A_130 = tpu.memref_slice %arg5[%dma_wait3A_125, %dma_wait3A_129] : memref<8x128xi32, #tpu.memory_space<vmem>> -> memref<1x128xi32, #tpu.memory_space<vmem>>
    %dma_wait3A_131 = tpu.memref_squeeze %dma_wait3A_130 : memref<1x128xi32, #tpu.memory_space<vmem>> -> memref<128xi32, #tpu.memory_space<vmem>>
    %dma_wait3A_132 = arith.constant 0 : i32
    %dma_wait3A_133 = arith.constant 0 : i32
    %dma_wait3A_134 = tpu.memref_slice %arg2[%dma_wait3A_132, %dma_wait3A_133] : memref<1024x128xf32, #tpu.memory_space<hbm>> -> memref<1024x128xf32, #tpu.memory_space<hbm>>
    tpu.wait_indirect_dma semaphore(%arg7 : memref<!tpu.dma_semaphore, #tpu.memory_space<semaphore_mem>>) src(%dma_wait3A_134 : memref<1024x128xf32, #tpu.memory_space<hbm>>) dst(%dma_wait3A_128 : memref<128x128xf32, #tpu.memory_space<vmem>>)
    %dma_wait3A_135 = arith.constant 5 : i32
    %dma_wait3A_136 = arith.constant 128 : i32
    %dma_wait3A_137 = arith.constant 0 : i32
    %dma_wait3A_138 = tpu.memref_slice %arg6[%dma_wait3A_136, %dma_wait3A_137] : memref<512x128xf32, #tpu.memory_space<vmem>> -> memref<128x128xf32, #tpu.memory_space<vmem>>
    %dma_wait3A_139 = arith.constant 0 : i32
    %dma_wait3A_140 = tpu.memref_slice %arg5[%dma_wait3A_135, %dma_wait3A_139] : memref<8x128xi32, #tpu.memory_space<vmem>> -> memref<1x128xi32, #tpu.memory_space<vmem>>
    %dma_wait3A_141 = tpu.memref_squeeze %dma_wait3A_140 : memref<1x128xi32, #tpu.memory_space<vmem>> -> memref<128xi32, #tpu.memory_space<vmem>>
    %dma_wait3A_142 = arith.constant 0 : i32
    %dma_wait3A_143 = arith.constant 0 : i32
    %dma_wait3A_144 = tpu.memref_slice %arg2[%dma_wait3A_142, %dma_wait3A_143] : memref<1024x128xf32, #tpu.memory_space<hbm>> -> memref<1024x128xf32, #tpu.memory_space<hbm>>
    tpu.wait_indirect_dma semaphore(%arg7 : memref<!tpu.dma_semaphore, #tpu.memory_space<semaphore_mem>>) src(%dma_wait3A_144 : memref<1024x128xf32, #tpu.memory_space<hbm>>) dst(%dma_wait3A_138 : memref<128x128xf32, #tpu.memory_space<vmem>>)
    %dma_wait3A_145 = arith.constant 6 : i32
    %dma_wait3A_146 = arith.constant 256 : i32
    %dma_wait3A_147 = arith.constant 0 : i32
    %dma_wait3A_148 = tpu.memref_slice %arg6[%dma_wait3A_146, %dma_wait3A_147] : memref<512x128xf32, #tpu.memory_space<vmem>> -> memref<128x128xf32, #tpu.memory_space<vmem>>
    %dma_wait3A_149 = arith.constant 0 : i32
    %dma_wait3A_150 = tpu.memref_slice %arg5[%dma_wait3A_145, %dma_wait3A_149] : memref<8x128xi32, #tpu.memory_space<vmem>> -> memref<1x128xi32, #tpu.memory_space<vmem>>
    %dma_wait3A_151 = tpu.memref_squeeze %dma_wait3A_150 : memref<1x128xi32, #tpu.memory_space<vmem>> -> memref<128xi32, #tpu.memory_space<vmem>>
    %dma_wait3A_152 = arith.constant 0 : i32
    %dma_wait3A_153 = arith.constant 0 : i32
    %dma_wait3A_154 = tpu.memref_slice %arg2[%dma_wait3A_152, %dma_wait3A_153] : memref<1024x128xf32, #tpu.memory_space<hbm>> -> memref<1024x128xf32, #tpu.memory_space<hbm>>
    tpu.wait_indirect_dma semaphore(%arg7 : memref<!tpu.dma_semaphore, #tpu.memory_space<semaphore_mem>>) src(%dma_wait3A_154 : memref<1024x128xf32, #tpu.memory_space<hbm>>) dst(%dma_wait3A_148 : memref<128x128xf32, #tpu.memory_space<vmem>>)
    %dma_wait3A_155 = arith.constant 7 : i32
    %dma_wait3A_156 = arith.constant 384 : i32
    %dma_wait3A_157 = arith.constant 0 : i32
    %dma_wait3A_158 = tpu.memref_slice %arg6[%dma_wait3A_156, %dma_wait3A_157] : memref<512x128xf32, #tpu.memory_space<vmem>> -> memref<128x128xf32, #tpu.memory_space<vmem>>
    %dma_wait3A_159 = arith.constant 0 : i32
    %dma_wait3A_160 = tpu.memref_slice %arg5[%dma_wait3A_155, %dma_wait3A_159] : memref<8x128xi32, #tpu.memory_space<vmem>> -> memref<1x128xi32, #tpu.memory_space<vmem>>
    %dma_wait3A_161 = tpu.memref_squeeze %dma_wait3A_160 : memref<1x128xi32, #tpu.memory_space<vmem>> -> memref<128xi32, #tpu.memory_space<vmem>>
    %dma_wait3A_162 = arith.constant 0 : i32
    %dma_wait3A_163 = arith.constant 0 : i32
    %dma_wait3A_164 = tpu.memref_slice %arg2[%dma_wait3A_162, %dma_wait3A_163] : memref<1024x128xf32, #tpu.memory_space<hbm>> -> memref<1024x128xf32, #tpu.memory_space<hbm>>
    tpu.wait_indirect_dma semaphore(%arg7 : memref<!tpu.dma_semaphore, #tpu.memory_space<semaphore_mem>>) src(%dma_wait3A_164 : memref<1024x128xf32, #tpu.memory_space<hbm>>) dst(%dma_wait3A_158 : memref<128x128xf32, #tpu.memory_space<vmem>>)
    %add3A_165 = arith.constant 512 : i32
    %add3A_166 = arith.addi %mul3A_2, %add3A_165 : i32
    "tpu.region"() ({
      %run_scoped3A = tpu.sem_alloc : memref<!tpu.dma_semaphore, #tpu.memory_space<semaphore_mem>>
      %dma_start3A_167 = arith.constant 0 : i32
      %dma_start3A_168 = tpu.memref_slice %arg4[%add3A_166, %dma_start3A_167] : memref<32768x128xf32, #tpu.memory_space<hbm>> -> memref<512x128xf32, #tpu.memory_space<hbm>>
      %dma_start3A_169 = arith.constant 0 : i32
      %dma_start3A_170 = tpu.memref_slice %arg4[%add3A_166, %dma_start3A_169] : memref<32768x128xf32, #tpu.memory_space<hbm>> -> memref<512x128xf32, #tpu.memory_space<hbm>>
      tpu.enqueue_dma source(%arg6 : memref<512x128xf32, #tpu.memory_space<vmem>>) target(%dma_start3A_170 : memref<512x128xf32, #tpu.memory_space<hbm>>) target_semaphore(%run_scoped3A : memref<!tpu.dma_semaphore, #tpu.memory_space<semaphore_mem>>)
      %dma_wait3A_171 = arith.constant 0 : i32
      %dma_wait3A_172 = tpu.memref_slice %arg4[%add3A_166, %dma_wait3A_171] : memref<32768x128xf32, #tpu.memory_space<hbm>> -> memref<512x128xf32, #tpu.memory_space<hbm>>
      %dma_wait3A_173 = arith.constant 0 : i32
      %dma_wait3A_174 = tpu.memref_slice %arg4[%add3A_166, %dma_wait3A_173] : memref<32768x128xf32, #tpu.memory_space<hbm>> -> memref<512x128xf32, #tpu.memory_space<hbm>>
      tpu.wait_dma2 semaphore(%run_scoped3A : memref<!tpu.dma_semaphore, #tpu.memory_space<semaphore_mem>>) src(%arg6 : memref<512x128xf32, #tpu.memory_space<vmem>>) dst(%dma_wait3A_174 : memref<512x128xf32, #tpu.memory_space<hbm>>)
      tpu.yield
    }) : () -> ()
    return
  }
}

#map = affine_map<(d0, d1) -> (0, 0)>
module attributes {stable_mosaic.version = 14 : i64} {
  func.func @_gather(%arg0: i32, %arg1: i32, %arg2: memref<1024x128xf32, #tpu.memory_space<hbm>>, %arg3: memref<256x128xi32, #tpu.memory_space<hbm>>, %arg4: memref<32768x128xf32, #tpu.memory_space<hbm>>, %arg5: memref<8x128xi32, #tpu.memory_space<vmem>>, %arg6: memref<512x128xf32, #tpu.memory_space<vmem>>, %arg7: memref<!tpu.dma_semaphore, #tpu.memory_space<semaphore_mem>>) attributes {dimension_semantics = [#tpu.dimension_semantics<core_parallel>, #tpu.dimension_semantics<subcore_parallel>], iteration_bounds = array<i64: 2, 16>, scalar_prefetch = 0 : i64, scratch_operands = 3 : i64, tpu.core_type = #tpu.core_type<sc_vector_subcore>, window_params = [{transform_indices = #map}, {transform_indices = #map}, {transform_indices = #map}]} {
    %mul3A = arith.constant 2 : i32
    %mul3A_0 = arith.muli %arg1, %mul3A : i32
    %add3A = arith.addi %mul3A_0, %arg0 : i32
    %mul3A_1 = arith.constant 1024 : i32
    %mul3A_2 = arith.muli %add3A, %mul3A_1 : i32
    %mul3A_3 = arith.constant 8 : i32
    %mul3A_4 = arith.muli %add3A, %mul3A_3 : i32
    "tpu.region"() ({
      %run_scoped3A = tpu.sem_alloc : memref<!tpu.dma_semaphore, #tpu.memory_space<semaphore_mem>>
      %dma_start3A_167 = arith.constant 0 : i32
      %dma_start3A_168 = tpu.memref_slice %arg3[%mul3A_4, %dma_start3A_167] : memref<256x128xi32, #tpu.memory_space<hbm>> -> memref<8x128xi32, #tpu.memory_space<hbm>>
      %dma_start3A_169 = arith.constant 0 : i32
      %dma_start3A_170 = tpu.memref_slice %arg3[%mul3A_4, %dma_start3A_169] : memref<256x128xi32, #tpu.memory_space<hbm>> -> memref<8x128xi32, #tpu.memory_space<hbm>>
      tpu.enqueue_dma source(%dma_start3A_170 : memref<8x128xi32, #tpu.memory_space<hbm>>) target(%arg5 : memref<8x128xi32, #tpu.memory_space<vmem>>) target_semaphore(%run_scoped3A : memref<!tpu.dma_semaphore, #tpu.memory_space<semaphore_mem>>)
      %dma_wait3A_171 = arith.constant 0 : i32
      %dma_wait3A_172 = tpu.memref_slice %arg3[%mul3A_4, %dma_wait3A_171] : memref<256x128xi32, #tpu.memory_space<hbm>> -> memref<8x128xi32, #tpu.memory_space<hbm>>
      %dma_wait3A_173 = arith.constant 0 : i32
      %dma_wait3A_174 = tpu.memref_slice %arg3[%mul3A_4, %dma_wait3A_173] : memref<256x128xi32, #tpu.memory_space<hbm>> -> memref<8x128xi32, #tpu.memory_space<hbm>>
      tpu.wait_dma2 semaphore(%run_scoped3A : memref<!tpu.dma_semaphore, #tpu.memory_space<semaphore_mem>>) src(%dma_wait3A_174 : memref<8x128xi32, #tpu.memory_space<hbm>>) dst(%arg5 : memref<8x128xi32, #tpu.memory_space<vmem>>)
      tpu.yield
    }) : () -> ()
    %dma_start3A = arith.constant 0 : i32
    %dma_start3A_5 = arith.constant 0 : i32
    %dma_start3A_6 = arith.constant 0 : i32
    %dma_start3A_7 = tpu.memref_slice %arg6[%dma_start3A_5, %dma_start3A_6] : memref<512x128xf32, #tpu.memory_space<vmem>> -> memref<128x128xf32, #tpu.memory_space<vmem>>
    %dma_start3A_8 = arith.constant 0 : i32
    %dma_start3A_9 = tpu.memref_slice %arg5[%dma_start3A, %dma_start3A_8] : memref<8x128xi32, #tpu.memory_space<vmem>> -> memref<1x128xi32, #tpu.memory_space<vmem>>
    %dma_start3A_10 = tpu.memref_squeeze %dma_start3A_9 : memref<1x128xi32, #tpu.memory_space<vmem>> -> memref<128xi32, #tpu.memory_space<vmem>>
    %dma_start3A_11 = arith.constant 0 : i32
    %dma_start3A_12 = arith.constant 0 : i32
    %dma_start3A_13 = tpu.memref_slice %arg2[%dma_start3A_11, %dma_start3A_12] : memref<1024x128xf32, #tpu.memory_space<hbm>> -> memref<1024x128xf32, #tpu.memory_space<hbm>>
    tpu.enqueue_indirect_dma source(%dma_start3A_13 : memref<1024x128xf32, #tpu.memory_space<hbm>>) target(%dma_start3A_7 : memref<128x128xf32, #tpu.memory_space<vmem>>) offsets(%dma_start3A_10 : memref<128xi32, #tpu.memory_space<vmem>>) semaphore(%arg7 : memref<!tpu.dma_semaphore, #tpu.memory_space<semaphore_mem>>)
    %dma_start3A_14 = arith.constant 1 : i32
    %dma_start3A_15 = arith.constant 128 : i32
    %dma_start3A_16 = arith.constant 0 : i32
    %dma_start3A_17 = tpu.memref_slice %arg6[%dma_start3A_15, %dma_start3A_16] : memref<512x128xf32, #tpu.memory_space<vmem>> -> memref<128x128xf32, #tpu.memory_space<vmem>>
    %dma_start3A_18 = arith.constant 0 : i32
    %dma_start3A_19 = tpu.memref_slice %arg5[%dma_start3A_14, %dma_start3A_18] : memref<8x128xi32, #tpu.memory_space<vmem>> -> memref<1x128xi32, #tpu.memory_space<vmem>>
    %dma_start3A_20 = tpu.memref_squeeze %dma_start3A_19 : memref<1x128xi32, #tpu.memory_space<vmem>> -> memref<128xi32, #tpu.memory_space<vmem>>
    %dma_start3A_21 = arith.constant 0 : i32
    %dma_start3A_22 = arith.constant 0 : i32
    %dma_start3A_23 = tpu.memref_slice %arg2[%dma_start3A_21, %dma_start3A_22] : memref<1024x128xf32, #tpu.memory_space<hbm>> -> memref<1024x128xf32, #tpu.memory_space<hbm>>
    tpu.enqueue_indirect_dma source(%dma_start3A_23 : memref<1024x128xf32, #tpu.memory_space<hbm>>) target(%dma_start3A_17 : memref<128x128xf32, #tpu.memory_space<vmem>>) offsets(%dma_start3A_20 : memref<128xi32, #tpu.memory_space<vmem>>) semaphore(%arg7 : memref<!tpu.dma_semaphore, #tpu.memory_space<semaphore_mem>>)
    %dma_start3A_24 = arith.constant 2 : i32
    %dma_start3A_25 = arith.constant 256 : i32
    %dma_start3A_26 = arith.constant 0 : i32
    %dma_start3A_27 = tpu.memref_slice %arg6[%dma_start3A_25, %dma_start3A_26] : memref<512x128xf32, #tpu.memory_space<vmem>> -> memref<128x128xf32, #tpu.memory_space<vmem>>
    %dma_start3A_28 = arith.constant 0 : i32
    %dma_start3A_29 = tpu.memref_slice %arg5[%dma_start3A_24, %dma_start3A_28] : memref<8x128xi32, #tpu.memory_space<vmem>> -> memref<1x128xi32, #tpu.memory_space<vmem>>
    %dma_start3A_30 = tpu.memref_squeeze %dma_start3A_29 : memref<1x128xi32, #tpu.memory_space<vmem>> -> memref<128xi32, #tpu.memory_space<vmem>>
    %dma_start3A_31 = arith.constant 0 : i32
    %dma_start3A_32 = arith.constant 0 : i32
    %dma_start3A_33 = tpu.memref_slice %arg2[%dma_start3A_31, %dma_start3A_32] : memref<1024x128xf32, #tpu.memory_space<hbm>> -> memref<1024x128xf32, #tpu.memory_space<hbm>>
    tpu.enqueue_indirect_dma source(%dma_start3A_33 : memref<1024x128xf32, #tpu.memory_space<hbm>>) target(%dma_start3A_27 : memref<128x128xf32, #tpu.memory_space<vmem>>) offsets(%dma_start3A_30 : memref<128xi32, #tpu.memory_space<vmem>>) semaphore(%arg7 : memref<!tpu.dma_semaphore, #tpu.memory_space<semaphore_mem>>)
    %dma_start3A_34 = arith.constant 3 : i32
    %dma_start3A_35 = arith.constant 384 : i32
    %dma_start3A_36 = arith.constant 0 : i32
    %dma_start3A_37 = tpu.memref_slice %arg6[%dma_start3A_35, %dma_start3A_36] : memref<512x128xf32, #tpu.memory_space<vmem>> -> memref<128x128xf32, #tpu.memory_space<vmem>>
    %dma_start3A_38 = arith.constant 0 : i32
    %dma_start3A_39 = tpu.memref_slice %arg5[%dma_start3A_34, %dma_start3A_38] : memref<8x128xi32, #tpu.memory_space<vmem>> -> memref<1x128xi32, #tpu.memory_space<vmem>>
    %dma_start3A_40 = tpu.memref_squeeze %dma_start3A_39 : memref<1x128xi32, #tpu.memory_space<vmem>> -> memref<128xi32, #tpu.memory_space<vmem>>
    %dma_start3A_41 = arith.constant 0 : i32
    %dma_start3A_42 = arith.constant 0 : i32
    %dma_start3A_43 = tpu.memref_slice %arg2[%dma_start3A_41, %dma_start3A_42] : memref<1024x128xf32, #tpu.memory_space<hbm>> -> memref<1024x128xf32, #tpu.memory_space<hbm>>
    tpu.enqueue_indirect_dma source(%dma_start3A_43 : memref<1024x128xf32, #tpu.memory_space<hbm>>) target(%dma_start3A_37 : memref<128x128xf32, #tpu.memory_space<vmem>>) offsets(%dma_start3A_40 : memref<128xi32, #tpu.memory_space<vmem>>) semaphore(%arg7 : memref<!tpu.dma_semaphore, #tpu.memory_space<semaphore_mem>>)
    %dma_wait3A = arith.constant 0 : i32
    %dma_wait3A_44 = arith.constant 0 : i32
    %dma_wait3A_45 = arith.constant 0 : i32
    %dma_wait3A_46 = tpu.memref_slice %arg6[%dma_wait3A_44, %dma_wait3A_45] : memref<512x128xf32, #tpu.memory_space<vmem>> -> memref<128x128xf32, #tpu.memory_space<vmem>>
    %dma_wait3A_47 = arith.constant 0 : i32
    %dma_wait3A_48 = tpu.memref_slice %arg5[%dma_wait3A, %dma_wait3A_47] : memref<8x128xi32, #tpu.memory_space<vmem>> -> memref<1x128xi32, #tpu.memory_space<vmem>>
    %dma_wait3A_49 = tpu.memref_squeeze %dma_wait3A_48 : memref<1x128xi32, #tpu.memory_space<vmem>> -> memref<128xi32, #tpu.memory_space<vmem>>
    %dma_wait3A_50 = arith.constant 0 : i32
    %dma_wait3A_51 = arith.constant 0 : i32
    %dma_wait3A_52 = tpu.memref_slice %arg2[%dma_wait3A_50, %dma_wait3A_51] : memref<1024x128xf32, #tpu.memory_space<hbm>> -> memref<1024x128xf32, #tpu.memory_space<hbm>>
    tpu.wait_indirect_dma semaphore(%arg7 : memref<!tpu.dma_semaphore, #tpu.memory_space<semaphore_mem>>) src(%dma_wait3A_52 : memref<1024x128xf32, #tpu.memory_space<hbm>>) dst(%dma_wait3A_46 : memref<128x128xf32, #tpu.memory_space<vmem>>)
    %dma_wait3A_53 = arith.constant 1 : i32
    %dma_wait3A_54 = arith.constant 128 : i32
    %dma_wait3A_55 = arith.constant 0 : i32
    %dma_wait3A_56 = tpu.memref_slice %arg6[%dma_wait3A_54, %dma_wait3A_55] : memref<512x128xf32, #tpu.memory_space<vmem>> -> memref<128x128xf32, #tpu.memory_space<vmem>>
    %dma_wait3A_57 = arith.constant 0 : i32
    %dma_wait3A_58 = tpu.memref_slice %arg5[%dma_wait3A_53, %dma_wait3A_57] : memref<8x128xi32, #tpu.memory_space<vmem>> -> memref<1x128xi32, #tpu.memory_space<vmem>>
    %dma_wait3A_59 = tpu.memref_squeeze %dma_wait3A_58 : memref<1x128xi32, #tpu.memory_space<vmem>> -> memref<128xi32, #tpu.memory_space<vmem>>
    %dma_wait3A_60 = arith.constant 0 : i32
    %dma_wait3A_61 = arith.constant 0 : i32
    %dma_wait3A_62 = tpu.memref_slice %arg2[%dma_wait3A_60, %dma_wait3A_61] : memref<1024x128xf32, #tpu.memory_space<hbm>> -> memref<1024x128xf32, #tpu.memory_space<hbm>>
    tpu.wait_indirect_dma semaphore(%arg7 : memref<!tpu.dma_semaphore, #tpu.memory_space<semaphore_mem>>) src(%dma_wait3A_62 : memref<1024x128xf32, #tpu.memory_space<hbm>>) dst(%dma_wait3A_56 : memref<128x128xf32, #tpu.memory_space<vmem>>)
    %dma_wait3A_63 = arith.constant 2 : i32
    %dma_wait3A_64 = arith.constant 256 : i32
    %dma_wait3A_65 = arith.constant 0 : i32
    %dma_wait3A_66 = tpu.memref_slice %arg6[%dma_wait3A_64, %dma_wait3A_65] : memref<512x128xf32, #tpu.memory_space<vmem>> -> memref<128x128xf32, #tpu.memory_space<vmem>>
    %dma_wait3A_67 = arith.constant 0 : i32
    %dma_wait3A_68 = tpu.memref_slice %arg5[%dma_wait3A_63, %dma_wait3A_67] : memref<8x128xi32, #tpu.memory_space<vmem>> -> memref<1x128xi32, #tpu.memory_space<vmem>>
    %dma_wait3A_69 = tpu.memref_squeeze %dma_wait3A_68 : memref<1x128xi32, #tpu.memory_space<vmem>> -> memref<128xi32, #tpu.memory_space<vmem>>
    %dma_wait3A_70 = arith.constant 0 : i32
    %dma_wait3A_71 = arith.constant 0 : i32
    %dma_wait3A_72 = tpu.memref_slice %arg2[%dma_wait3A_70, %dma_wait3A_71] : memref<1024x128xf32, #tpu.memory_space<hbm>> -> memref<1024x128xf32, #tpu.memory_space<hbm>>
    tpu.wait_indirect_dma semaphore(%arg7 : memref<!tpu.dma_semaphore, #tpu.memory_space<semaphore_mem>>) src(%dma_wait3A_72 : memref<1024x128xf32, #tpu.memory_space<hbm>>) dst(%dma_wait3A_66 : memref<128x128xf32, #tpu.memory_space<vmem>>)
    %dma_wait3A_73 = arith.constant 3 : i32
    %dma_wait3A_74 = arith.constant 384 : i32
    %dma_wait3A_75 = arith.constant 0 : i32
    %dma_wait3A_76 = tpu.memref_slice %arg6[%dma_wait3A_74, %dma_wait3A_75] : memref<512x128xf32, #tpu.memory_space<vmem>> -> memref<128x128xf32, #tpu.memory_space<vmem>>
    %dma_wait3A_77 = arith.constant 0 : i32
    %dma_wait3A_78 = tpu.memref_slice %arg5[%dma_wait3A_73, %dma_wait3A_77] : memref<8x128xi32, #tpu.memory_space<vmem>> -> memref<1x128xi32, #tpu.memory_space<vmem>>
    %dma_wait3A_79 = tpu.memref_squeeze %dma_wait3A_78 : memref<1x128xi32, #tpu.memory_space<vmem>> -> memref<128xi32, #tpu.memory_space<vmem>>
    %dma_wait3A_80 = arith.constant 0 : i32
    %dma_wait3A_81 = arith.constant 0 : i32
    %dma_wait3A_82 = tpu.memref_slice %arg2[%dma_wait3A_80, %dma_wait3A_81] : memref<1024x128xf32, #tpu.memory_space<hbm>> -> memref<1024x128xf32, #tpu.memory_space<hbm>>
    tpu.wait_indirect_dma semaphore(%arg7 : memref<!tpu.dma_semaphore, #tpu.memory_space<semaphore_mem>>) src(%dma_wait3A_82 : memref<1024x128xf32, #tpu.memory_space<hbm>>) dst(%dma_wait3A_76 : memref<128x128xf32, #tpu.memory_space<vmem>>)
    %add3A_83 = arith.constant 0 : i32
    %add3A_84 = arith.addi %mul3A_2, %add3A_83 : i32
    "tpu.region"() ({
      %run_scoped3A = tpu.sem_alloc : memref<!tpu.dma_semaphore, #tpu.memory_space<semaphore_mem>>
      %dma_start3A_167 = arith.constant 0 : i32
      %dma_start3A_168 = tpu.memref_slice %arg4[%add3A_84, %dma_start3A_167] : memref<32768x128xf32, #tpu.memory_space<hbm>> -> memref<512x128xf32, #tpu.memory_space<hbm>>
      %dma_start3A_169 = arith.constant 0 : i32
      %dma_start3A_170 = tpu.memref_slice %arg4[%add3A_84, %dma_start3A_169] : memref<32768x128xf32, #tpu.memory_space<hbm>> -> memref<512x128xf32, #tpu.memory_space<hbm>>
      tpu.enqueue_dma source(%arg6 : memref<512x128xf32, #tpu.memory_space<vmem>>) target(%dma_start3A_170 : memref<512x128xf32, #tpu.memory_space<hbm>>) target_semaphore(%run_scoped3A : memref<!tpu.dma_semaphore, #tpu.memory_space<semaphore_mem>>)
      %dma_wait3A_171 = arith.constant 0 : i32
      %dma_wait3A_172 = tpu.memref_slice %arg4[%add3A_84, %dma_wait3A_171] : memref<32768x128xf32, #tpu.memory_space<hbm>> -> memref<512x128xf32, #tpu.memory_space<hbm>>
      %dma_wait3A_173 = arith.constant 0 : i32
      %dma_wait3A_174 = tpu.memref_slice %arg4[%add3A_84, %dma_wait3A_173] : memref<32768x128xf32, #tpu.memory_space<hbm>> -> memref<512x128xf32, #tpu.memory_space<hbm>>
      tpu.wait_dma2 semaphore(%run_scoped3A : memref<!tpu.dma_semaphore, #tpu.memory_space<semaphore_mem>>) src(%arg6 : memref<512x128xf32, #tpu.memory_space<vmem>>) dst(%dma_wait3A_174 : memref<512x128xf32, #tpu.memory_space<hbm>>)
      tpu.yield
    }) : () -> ()
    %dma_start3A_85 = arith.constant 4 : i32
    %dma_start3A_86 = arith.constant 0 : i32
    %dma_start3A_87 = arith.constant 0 : i32
    %dma_start3A_88 = tpu.memref_slice %arg6[%dma_start3A_86, %dma_start3A_87] : memref<512x128xf32, #tpu.memory_space<vmem>> -> memref<128x128xf32, #tpu.memory_space<vmem>>
    %dma_start3A_89 = arith.constant 0 : i32
    %dma_start3A_90 = tpu.memref_slice %arg5[%dma_start3A_85, %dma_start3A_89] : memref<8x128xi32, #tpu.memory_space<vmem>> -> memref<1x128xi32, #tpu.memory_space<vmem>>
    %dma_start3A_91 = tpu.memref_squeeze %dma_start3A_90 : memref<1x128xi32, #tpu.memory_space<vmem>> -> memref<128xi32, #tpu.memory_space<vmem>>
    %dma_start3A_92 = arith.constant 0 : i32
    %dma_start3A_93 = arith.constant 0 : i32
    %dma_start3A_94 = tpu.memref_slice %arg2[%dma_start3A_92, %dma_start3A_93] : memref<1024x128xf32, #tpu.memory_space<hbm>> -> memref<1024x128xf32, #tpu.memory_space<hbm>>
    tpu.enqueue_indirect_dma source(%dma_start3A_94 : memref<1024x128xf32, #tpu.memory_space<hbm>>) target(%dma_start3A_88 : memref<128x128xf32, #tpu.memory_space<vmem>>) offsets(%dma_start3A_91 : memref<128xi32, #tpu.memory_space<vmem>>) semaphore(%arg7 : memref<!tpu.dma_semaphore, #tpu.memory_space<semaphore_mem>>)
    %dma_start3A_95 = arith.constant 5 : i32
    %dma_start3A_96 = arith.constant 128 : i32
    %dma_start3A_97 = arith.constant 0 : i32
    %dma_start3A_98 = tpu.memref_slice %arg6[%dma_start3A_96, %dma_start3A_97] : memref<512x128xf32, #tpu.memory_space<vmem>> -> memref<128x128xf32, #tpu.memory_space<vmem>>
    %dma_start3A_99 = arith.constant 0 : i32
    %dma_start3A_100 = tpu.memref_slice %arg5[%dma_start3A_95, %dma_start3A_99] : memref<8x128xi32, #tpu.memory_space<vmem>> -> memref<1x128xi32, #tpu.memory_space<vmem>>
    %dma_start3A_101 = tpu.memref_squeeze %dma_start3A_100 : memref<1x128xi32, #tpu.memory_space<vmem>> -> memref<128xi32, #tpu.memory_space<vmem>>
    %dma_start3A_102 = arith.constant 0 : i32
    %dma_start3A_103 = arith.constant 0 : i32
    %dma_start3A_104 = tpu.memref_slice %arg2[%dma_start3A_102, %dma_start3A_103] : memref<1024x128xf32, #tpu.memory_space<hbm>> -> memref<1024x128xf32, #tpu.memory_space<hbm>>
    tpu.enqueue_indirect_dma source(%dma_start3A_104 : memref<1024x128xf32, #tpu.memory_space<hbm>>) target(%dma_start3A_98 : memref<128x128xf32, #tpu.memory_space<vmem>>) offsets(%dma_start3A_101 : memref<128xi32, #tpu.memory_space<vmem>>) semaphore(%arg7 : memref<!tpu.dma_semaphore, #tpu.memory_space<semaphore_mem>>)
    %dma_start3A_105 = arith.constant 6 : i32
    %dma_start3A_106 = arith.constant 256 : i32
    %dma_start3A_107 = arith.constant 0 : i32
    %dma_start3A_108 = tpu.memref_slice %arg6[%dma_start3A_106, %dma_start3A_107] : memref<512x128xf32, #tpu.memory_space<vmem>> -> memref<128x128xf32, #tpu.memory_space<vmem>>
    %dma_start3A_109 = arith.constant 0 : i32
    %dma_start3A_110 = tpu.memref_slice %arg5[%dma_start3A_105, %dma_start3A_109] : memref<8x128xi32, #tpu.memory_space<vmem>> -> memref<1x128xi32, #tpu.memory_space<vmem>>
    %dma_start3A_111 = tpu.memref_squeeze %dma_start3A_110 : memref<1x128xi32, #tpu.memory_space<vmem>> -> memref<128xi32, #tpu.memory_space<vmem>>
    %dma_start3A_112 = arith.constant 0 : i32
    %dma_start3A_113 = arith.constant 0 : i32
    %dma_start3A_114 = tpu.memref_slice %arg2[%dma_start3A_112, %dma_start3A_113] : memref<1024x128xf32, #tpu.memory_space<hbm>> -> memref<1024x128xf32, #tpu.memory_space<hbm>>
    tpu.enqueue_indirect_dma source(%dma_start3A_114 : memref<1024x128xf32, #tpu.memory_space<hbm>>) target(%dma_start3A_108 : memref<128x128xf32, #tpu.memory_space<vmem>>) offsets(%dma_start3A_111 : memref<128xi32, #tpu.memory_space<vmem>>) semaphore(%arg7 : memref<!tpu.dma_semaphore, #tpu.memory_space<semaphore_mem>>)
    %dma_start3A_115 = arith.constant 7 : i32
    %dma_start3A_116 = arith.constant 384 : i32
    %dma_start3A_117 = arith.constant 0 : i32
    %dma_start3A_118 = tpu.memref_slice %arg6[%dma_start3A_116, %dma_start3A_117] : memref<512x128xf32, #tpu.memory_space<vmem>> -> memref<128x128xf32, #tpu.memory_space<vmem>>
    %dma_start3A_119 = arith.constant 0 : i32
    %dma_start3A_120 = tpu.memref_slice %arg5[%dma_start3A_115, %dma_start3A_119] : memref<8x128xi32, #tpu.memory_space<vmem>> -> memref<1x128xi32, #tpu.memory_space<vmem>>
    %dma_start3A_121 = tpu.memref_squeeze %dma_start3A_120 : memref<1x128xi32, #tpu.memory_space<vmem>> -> memref<128xi32, #tpu.memory_space<vmem>>
    %dma_start3A_122 = arith.constant 0 : i32
    %dma_start3A_123 = arith.constant 0 : i32
    %dma_start3A_124 = tpu.memref_slice %arg2[%dma_start3A_122, %dma_start3A_123] : memref<1024x128xf32, #tpu.memory_space<hbm>> -> memref<1024x128xf32, #tpu.memory_space<hbm>>
    tpu.enqueue_indirect_dma source(%dma_start3A_124 : memref<1024x128xf32, #tpu.memory_space<hbm>>) target(%dma_start3A_118 : memref<128x128xf32, #tpu.memory_space<vmem>>) offsets(%dma_start3A_121 : memref<128xi32, #tpu.memory_space<vmem>>) semaphore(%arg7 : memref<!tpu.dma_semaphore, #tpu.memory_space<semaphore_mem>>)
    %dma_wait3A_125 = arith.constant 4 : i32
    %dma_wait3A_126 = arith.constant 0 : i32
    %dma_wait3A_127 = arith.constant 0 : i32
    %dma_wait3A_128 = tpu.memref_slice %arg6[%dma_wait3A_126, %dma_wait3A_127] : memref<512x128xf32, #tpu.memory_space<vmem>> -> memref<128x128xf32, #tpu.memory_space<vmem>>
    %dma_wait3A_129 = arith.constant 0 : i32
    %dma_wait3A_130 = tpu.memref_slice %arg5[%dma_wait3A_125, %dma_wait3A_129] : memref<8x128xi32, #tpu.memory_space<vmem>> -> memref<1x128xi32, #tpu.memory_space<vmem>>
    %dma_wait3A_131 = tpu.memref_squeeze %dma_wait3A_130 : memref<1x128xi32, #tpu.memory_space<vmem>> -> memref<128xi32, #tpu.memory_space<vmem>>
    %dma_wait3A_132 = arith.constant 0 : i32
    %dma_wait3A_133 = arith.constant 0 : i32
    %dma_wait3A_134 = tpu.memref_slice %arg2[%dma_wait3A_132, %dma_wait3A_133] : memref<1024x128xf32, #tpu.memory_space<hbm>> -> memref<1024x128xf32, #tpu.memory_space<hbm>>
    tpu.wait_indirect_dma semaphore(%arg7 : memref<!tpu.dma_semaphore, #tpu.memory_space<semaphore_mem>>) src(%dma_wait3A_134 : memref<1024x128xf32, #tpu.memory_space<hbm>>) dst(%dma_wait3A_128 : memref<128x128xf32, #tpu.memory_space<vmem>>)
    %dma_wait3A_135 = arith.constant 5 : i32
    %dma_wait3A_136 = arith.constant 128 : i32
    %dma_wait3A_137 = arith.constant 0 : i32
    %dma_wait3A_138 = tpu.memref_slice %arg6[%dma_wait3A_136, %dma_wait3A_137] : memref<512x128xf32, #tpu.memory_space<vmem>> -> memref<128x128xf32, #tpu.memory_space<vmem>>
    %dma_wait3A_139 = arith.constant 0 : i32
    %dma_wait3A_140 = tpu.memref_slice %arg5[%dma_wait3A_135, %dma_wait3A_139] : memref<8x128xi32, #tpu.memory_space<vmem>> -> memref<1x128xi32, #tpu.memory_space<vmem>>
    %dma_wait3A_141 = tpu.memref_squeeze %dma_wait3A_140 : memref<1x128xi32, #tpu.memory_space<vmem>> -> memref<128xi32, #tpu.memory_space<vmem>>
    %dma_wait3A_142 = arith.constant 0 : i32
    %dma_wait3A_143 = arith.constant 0 : i32
    %dma_wait3A_144 = tpu.memref_slice %arg2[%dma_wait3A_142, %dma_wait3A_143] : memref<1024x128xf32, #tpu.memory_space<hbm>> -> memref<1024x128xf32, #tpu.memory_space<hbm>>
    tpu.wait_indirect_dma semaphore(%arg7 : memref<!tpu.dma_semaphore, #tpu.memory_space<semaphore_mem>>) src(%dma_wait3A_144 : memref<1024x128xf32, #tpu.memory_space<hbm>>) dst(%dma_wait3A_138 : memref<128x128xf32, #tpu.memory_space<vmem>>)
    %dma_wait3A_145 = arith.constant 6 : i32
    %dma_wait3A_146 = arith.constant 256 : i32
    %dma_wait3A_147 = arith.constant 0 : i32
    %dma_wait3A_148 = tpu.memref_slice %arg6[%dma_wait3A_146, %dma_wait3A_147] : memref<512x128xf32, #tpu.memory_space<vmem>> -> memref<128x128xf32, #tpu.memory_space<vmem>>
    %dma_wait3A_149 = arith.constant 0 : i32
    %dma_wait3A_150 = tpu.memref_slice %arg5[%dma_wait3A_145, %dma_wait3A_149] : memref<8x128xi32, #tpu.memory_space<vmem>> -> memref<1x128xi32, #tpu.memory_space<vmem>>
    %dma_wait3A_151 = tpu.memref_squeeze %dma_wait3A_150 : memref<1x128xi32, #tpu.memory_space<vmem>> -> memref<128xi32, #tpu.memory_space<vmem>>
    %dma_wait3A_152 = arith.constant 0 : i32
    %dma_wait3A_153 = arith.constant 0 : i32
    %dma_wait3A_154 = tpu.memref_slice %arg2[%dma_wait3A_152, %dma_wait3A_153] : memref<1024x128xf32, #tpu.memory_space<hbm>> -> memref<1024x128xf32, #tpu.memory_space<hbm>>
    tpu.wait_indirect_dma semaphore(%arg7 : memref<!tpu.dma_semaphore, #tpu.memory_space<semaphore_mem>>) src(%dma_wait3A_154 : memref<1024x128xf32, #tpu.memory_space<hbm>>) dst(%dma_wait3A_148 : memref<128x128xf32, #tpu.memory_space<vmem>>)
    %dma_wait3A_155 = arith.constant 7 : i32
    %dma_wait3A_156 = arith.constant 384 : i32
    %dma_wait3A_157 = arith.constant 0 : i32
    %dma_wait3A_158 = tpu.memref_slice %arg6[%dma_wait3A_156, %dma_wait3A_157] : memref<512x128xf32, #tpu.memory_space<vmem>> -> memref<128x128xf32, #tpu.memory_space<vmem>>
    %dma_wait3A_159 = arith.constant 0 : i32
    %dma_wait3A_160 = tpu.memref_slice %arg5[%dma_wait3A_155, %dma_wait3A_159] : memref<8x128xi32, #tpu.memory_space<vmem>> -> memref<1x128xi32, #tpu.memory_space<vmem>>
    %dma_wait3A_161 = tpu.memref_squeeze %dma_wait3A_160 : memref<1x128xi32, #tpu.memory_space<vmem>> -> memref<128xi32, #tpu.memory_space<vmem>>
    %dma_wait3A_162 = arith.constant 0 : i32
    %dma_wait3A_163 = arith.constant 0 : i32
    %dma_wait3A_164 = tpu.memref_slice %arg2[%dma_wait3A_162, %dma_wait3A_163] : memref<1024x128xf32, #tpu.memory_space<hbm>> -> memref<1024x128xf32, #tpu.memory_space<hbm>>
    tpu.wait_indirect_dma semaphore(%arg7 : memref<!tpu.dma_semaphore, #tpu.memory_space<semaphore_mem>>) src(%dma_wait3A_164 : memref<1024x128xf32, #tpu.memory_space<hbm>>) dst(%dma_wait3A_158 : memref<128x128xf32, #tpu.memory_space<vmem>>)
    %add3A_165 = arith.constant 512 : i32
    %add3A_166 = arith.addi %mul3A_2, %add3A_165 : i32
    "tpu.region"() ({
      %run_scoped3A = tpu.sem_alloc : memref<!tpu.dma_semaphore, #tpu.memory_space<semaphore_mem>>
      %dma_start3A_167 = arith.constant 0 : i32
      %dma_start3A_168 = tpu.memref_slice %arg4[%add3A_166, %dma_start3A_167] : memref<32768x128xf32, #tpu.memory_space<hbm>> -> memref<512x128xf32, #tpu.memory_space<hbm>>
      %dma_start3A_169 = arith.constant 0 : i32
      %dma_start3A_170 = tpu.memref_slice %arg4[%add3A_166, %dma_start3A_169] : memref<32768x128xf32, #tpu.memory_space<hbm>> -> memref<512x128xf32, #tpu.memory_space<hbm>>
      tpu.enqueue_dma source(%arg6 : memref<512x128xf32, #tpu.memory_space<vmem>>) target(%dma_start3A_170 : memref<512x128xf32, #tpu.memory_space<hbm>>) target_semaphore(%run_scoped3A : memref<!tpu.dma_semaphore, #tpu.memory_space<semaphore_mem>>)
      %dma_wait3A_171 = arith.constant 0 : i32
      %dma_wait3A_172 = tpu.memref_slice %arg4[%add3A_166, %dma_wait3A_171] : memref<32768x128xf32, #tpu.memory_space<hbm>> -> memref<512x128xf32, #tpu.memory_space<hbm>>
      %dma_wait3A_173 = arith.constant 0 : i32
      %dma_wait3A_174 = tpu.memref_slice %arg4[%add3A_166, %dma_wait3A_173] : memref<32768x128xf32, #tpu.memory_space<hbm>> -> memref<512x128xf32, #tpu.memory_space<hbm>>
      tpu.wait_dma2 semaphore(%run_scoped3A : memref<!tpu.dma_semaphore, #tpu.memory_space<semaphore_mem>>) src(%arg6 : memref<512x128xf32, #tpu.memory_space<vmem>>) dst(%dma_wait3A_174 : memref<512x128xf32, #tpu.memory_space<hbm>>)
      tpu.yield
    }) : () -> ()
    return
  }
}

#map = affine_map<(d0, d1) -> (0, 0)>
module attributes {stable_mosaic.version = 14 : i64} {
  func.func @_gather(%arg0: i32, %arg1: i32, %arg2: memref<1024x128xf32, #tpu.memory_space<hbm>>, %arg3: memref<256x128xi32, #tpu.memory_space<hbm>>, %arg4: memref<32768x128xf32, #tpu.memory_space<hbm>>, %arg5: memref<8x128xi32, #tpu.memory_space<vmem>>, %arg6: memref<512x128xf32, #tpu.memory_space<vmem>>, %arg7: memref<!tpu.dma_semaphore, #tpu.memory_space<semaphore_mem>>) attributes {dimension_semantics = [#tpu.dimension_semantics<core_parallel>, #tpu.dimension_semantics<subcore_parallel>], iteration_bounds = array<i64: 2, 16>, scalar_prefetch = 0 : i64, scratch_operands = 3 : i64, tpu.core_type = #tpu.core_type<sc_vector_subcore>, window_params = [{transform_indices = #map}, {transform_indices = #map}, {transform_indices = #map}]} {
    %mul3A = arith.constant 2 : i32
    %mul3A_0 = arith.muli %arg1, %mul3A : i32
    %add3A = arith.addi %mul3A_0, %arg0 : i32
    %mul3A_1 = arith.constant 1024 : i32
    %mul3A_2 = arith.muli %add3A, %mul3A_1 : i32
    %mul3A_3 = arith.constant 8 : i32
    %mul3A_4 = arith.muli %add3A, %mul3A_3 : i32
    "tpu.region"() ({
      %run_scoped3A = tpu.sem_alloc : memref<!tpu.dma_semaphore, #tpu.memory_space<semaphore_mem>>
      %dma_start3A_167 = arith.constant 0 : i32
      %dma_start3A_168 = tpu.memref_slice %arg3[%mul3A_4, %dma_start3A_167] : memref<256x128xi32, #tpu.memory_space<hbm>> -> memref<8x128xi32, #tpu.memory_space<hbm>>
      %dma_start3A_169 = arith.constant 0 : i32
      %dma_start3A_170 = tpu.memref_slice %arg3[%mul3A_4, %dma_start3A_169] : memref<256x128xi32, #tpu.memory_space<hbm>> -> memref<8x128xi32, #tpu.memory_space<hbm>>
      tpu.enqueue_dma source(%dma_start3A_170 : memref<8x128xi32, #tpu.memory_space<hbm>>) target(%arg5 : memref<8x128xi32, #tpu.memory_space<vmem>>) target_semaphore(%run_scoped3A : memref<!tpu.dma_semaphore, #tpu.memory_space<semaphore_mem>>)
      %dma_wait3A_171 = arith.constant 0 : i32
      %dma_wait3A_172 = tpu.memref_slice %arg3[%mul3A_4, %dma_wait3A_171] : memref<256x128xi32, #tpu.memory_space<hbm>> -> memref<8x128xi32, #tpu.memory_space<hbm>>
      %dma_wait3A_173 = arith.constant 0 : i32
      %dma_wait3A_174 = tpu.memref_slice %arg3[%mul3A_4, %dma_wait3A_173] : memref<256x128xi32, #tpu.memory_space<hbm>> -> memref<8x128xi32, #tpu.memory_space<hbm>>
      tpu.wait_dma2 semaphore(%run_scoped3A : memref<!tpu.dma_semaphore, #tpu.memory_space<semaphore_mem>>) src(%dma_wait3A_174 : memref<8x128xi32, #tpu.memory_space<hbm>>) dst(%arg5 : memref<8x128xi32, #tpu.memory_space<vmem>>)
      tpu.yield
    }) : () -> ()
    %dma_start3A = arith.constant 0 : i32
    %dma_start3A_5 = arith.constant 0 : i32
    %dma_start3A_6 = arith.constant 0 : i32
    %dma_start3A_7 = tpu.memref_slice %arg6[%dma_start3A_5, %dma_start3A_6] : memref<512x128xf32, #tpu.memory_space<vmem>> -> memref<128x128xf32, #tpu.memory_space<vmem>>
    %dma_start3A_8 = arith.constant 0 : i32
    %dma_start3A_9 = tpu.memref_slice %arg5[%dma_start3A, %dma_start3A_8] : memref<8x128xi32, #tpu.memory_space<vmem>> -> memref<1x128xi32, #tpu.memory_space<vmem>>
    %dma_start3A_10 = tpu.memref_squeeze %dma_start3A_9 : memref<1x128xi32, #tpu.memory_space<vmem>> -> memref<128xi32, #tpu.memory_space<vmem>>
    %dma_start3A_11 = arith.constant 0 : i32
    %dma_start3A_12 = arith.constant 0 : i32
    %dma_start3A_13 = tpu.memref_slice %arg2[%dma_start3A_11, %dma_start3A_12] : memref<1024x128xf32, #tpu.memory_space<hbm>> -> memref<1024x128xf32, #tpu.memory_space<hbm>>
    tpu.enqueue_indirect_dma source(%dma_start3A_13 : memref<1024x128xf32, #tpu.memory_space<hbm>>) target(%dma_start3A_7 : memref<128x128xf32, #tpu.memory_space<vmem>>) offsets(%dma_start3A_10 : memref<128xi32, #tpu.memory_space<vmem>>) semaphore(%arg7 : memref<!tpu.dma_semaphore, #tpu.memory_space<semaphore_mem>>)
    %dma_start3A_14 = arith.constant 1 : i32
    %dma_start3A_15 = arith.constant 128 : i32
    %dma_start3A_16 = arith.constant 0 : i32
    %dma_start3A_17 = tpu.memref_slice %arg6[%dma_start3A_15, %dma_start3A_16] : memref<512x128xf32, #tpu.memory_space<vmem>> -> memref<128x128xf32, #tpu.memory_space<vmem>>
    %dma_start3A_18 = arith.constant 0 : i32
    %dma_start3A_19 = tpu.memref_slice %arg5[%dma_start3A_14, %dma_start3A_18] : memref<8x128xi32, #tpu.memory_space<vmem>> -> memref<1x128xi32, #tpu.memory_space<vmem>>
    %dma_start3A_20 = tpu.memref_squeeze %dma_start3A_19 : memref<1x128xi32, #tpu.memory_space<vmem>> -> memref<128xi32, #tpu.memory_space<vmem>>
    %dma_start3A_21 = arith.constant 0 : i32
    %dma_start3A_22 = arith.constant 0 : i32
    %dma_start3A_23 = tpu.memref_slice %arg2[%dma_start3A_21, %dma_start3A_22] : memref<1024x128xf32, #tpu.memory_space<hbm>> -> memref<1024x128xf32, #tpu.memory_space<hbm>>
    tpu.enqueue_indirect_dma source(%dma_start3A_23 : memref<1024x128xf32, #tpu.memory_space<hbm>>) target(%dma_start3A_17 : memref<128x128xf32, #tpu.memory_space<vmem>>) offsets(%dma_start3A_20 : memref<128xi32, #tpu.memory_space<vmem>>) semaphore(%arg7 : memref<!tpu.dma_semaphore, #tpu.memory_space<semaphore_mem>>)
    %dma_start3A_24 = arith.constant 2 : i32
    %dma_start3A_25 = arith.constant 256 : i32
    %dma_start3A_26 = arith.constant 0 : i32
    %dma_start3A_27 = tpu.memref_slice %arg6[%dma_start3A_25, %dma_start3A_26] : memref<512x128xf32, #tpu.memory_space<vmem>> -> memref<128x128xf32, #tpu.memory_space<vmem>>
    %dma_start3A_28 = arith.constant 0 : i32
    %dma_start3A_29 = tpu.memref_slice %arg5[%dma_start3A_24, %dma_start3A_28] : memref<8x128xi32, #tpu.memory_space<vmem>> -> memref<1x128xi32, #tpu.memory_space<vmem>>
    %dma_start3A_30 = tpu.memref_squeeze %dma_start3A_29 : memref<1x128xi32, #tpu.memory_space<vmem>> -> memref<128xi32, #tpu.memory_space<vmem>>
    %dma_start3A_31 = arith.constant 0 : i32
    %dma_start3A_32 = arith.constant 0 : i32
    %dma_start3A_33 = tpu.memref_slice %arg2[%dma_start3A_31, %dma_start3A_32] : memref<1024x128xf32, #tpu.memory_space<hbm>> -> memref<1024x128xf32, #tpu.memory_space<hbm>>
    tpu.enqueue_indirect_dma source(%dma_start3A_33 : memref<1024x128xf32, #tpu.memory_space<hbm>>) target(%dma_start3A_27 : memref<128x128xf32, #tpu.memory_space<vmem>>) offsets(%dma_start3A_30 : memref<128xi32, #tpu.memory_space<vmem>>) semaphore(%arg7 : memref<!tpu.dma_semaphore, #tpu.memory_space<semaphore_mem>>)
    %dma_start3A_34 = arith.constant 3 : i32
    %dma_start3A_35 = arith.constant 384 : i32
    %dma_start3A_36 = arith.constant 0 : i32
    %dma_start3A_37 = tpu.memref_slice %arg6[%dma_start3A_35, %dma_start3A_36] : memref<512x128xf32, #tpu.memory_space<vmem>> -> memref<128x128xf32, #tpu.memory_space<vmem>>
    %dma_start3A_38 = arith.constant 0 : i32
    %dma_start3A_39 = tpu.memref_slice %arg5[%dma_start3A_34, %dma_start3A_38] : memref<8x128xi32, #tpu.memory_space<vmem>> -> memref<1x128xi32, #tpu.memory_space<vmem>>
    %dma_start3A_40 = tpu.memref_squeeze %dma_start3A_39 : memref<1x128xi32, #tpu.memory_space<vmem>> -> memref<128xi32, #tpu.memory_space<vmem>>
    %dma_start3A_41 = arith.constant 0 : i32
    %dma_start3A_42 = arith.constant 0 : i32
    %dma_start3A_43 = tpu.memref_slice %arg2[%dma_start3A_41, %dma_start3A_42] : memref<1024x128xf32, #tpu.memory_space<hbm>> -> memref<1024x128xf32, #tpu.memory_space<hbm>>
    tpu.enqueue_indirect_dma source(%dma_start3A_43 : memref<1024x128xf32, #tpu.memory_space<hbm>>) target(%dma_start3A_37 : memref<128x128xf32, #tpu.memory_space<vmem>>) offsets(%dma_start3A_40 : memref<128xi32, #tpu.memory_space<vmem>>) semaphore(%arg7 : memref<!tpu.dma_semaphore, #tpu.memory_space<semaphore_mem>>)
    %dma_wait3A = arith.constant 0 : i32
    %dma_wait3A_44 = arith.constant 0 : i32
    %dma_wait3A_45 = arith.constant 0 : i32
    %dma_wait3A_46 = tpu.memref_slice %arg6[%dma_wait3A_44, %dma_wait3A_45] : memref<512x128xf32, #tpu.memory_space<vmem>> -> memref<128x128xf32, #tpu.memory_space<vmem>>
    %dma_wait3A_47 = arith.constant 0 : i32
    %dma_wait3A_48 = tpu.memref_slice %arg5[%dma_wait3A, %dma_wait3A_47] : memref<8x128xi32, #tpu.memory_space<vmem>> -> memref<1x128xi32, #tpu.memory_space<vmem>>
    %dma_wait3A_49 = tpu.memref_squeeze %dma_wait3A_48 : memref<1x128xi32, #tpu.memory_space<vmem>> -> memref<128xi32, #tpu.memory_space<vmem>>
    %dma_wait3A_50 = arith.constant 0 : i32
    %dma_wait3A_51 = arith.constant 0 : i32
    %dma_wait3A_52 = tpu.memref_slice %arg2[%dma_wait3A_50, %dma_wait3A_51] : memref<1024x128xf32, #tpu.memory_space<hbm>> -> memref<1024x128xf32, #tpu.memory_space<hbm>>
    tpu.wait_indirect_dma semaphore(%arg7 : memref<!tpu.dma_semaphore, #tpu.memory_space<semaphore_mem>>) src(%dma_wait3A_52 : memref<1024x128xf32, #tpu.memory_space<hbm>>) dst(%dma_wait3A_46 : memref<128x128xf32, #tpu.memory_space<vmem>>)
    %dma_wait3A_53 = arith.constant 1 : i32
    %dma_wait3A_54 = arith.constant 128 : i32
    %dma_wait3A_55 = arith.constant 0 : i32
    %dma_wait3A_56 = tpu.memref_slice %arg6[%dma_wait3A_54, %dma_wait3A_55] : memref<512x128xf32, #tpu.memory_space<vmem>> -> memref<128x128xf32, #tpu.memory_space<vmem>>
    %dma_wait3A_57 = arith.constant 0 : i32
    %dma_wait3A_58 = tpu.memref_slice %arg5[%dma_wait3A_53, %dma_wait3A_57] : memref<8x128xi32, #tpu.memory_space<vmem>> -> memref<1x128xi32, #tpu.memory_space<vmem>>
    %dma_wait3A_59 = tpu.memref_squeeze %dma_wait3A_58 : memref<1x128xi32, #tpu.memory_space<vmem>> -> memref<128xi32, #tpu.memory_space<vmem>>
    %dma_wait3A_60 = arith.constant 0 : i32
    %dma_wait3A_61 = arith.constant 0 : i32
    %dma_wait3A_62 = tpu.memref_slice %arg2[%dma_wait3A_60, %dma_wait3A_61] : memref<1024x128xf32, #tpu.memory_space<hbm>> -> memref<1024x128xf32, #tpu.memory_space<hbm>>
    tpu.wait_indirect_dma semaphore(%arg7 : memref<!tpu.dma_semaphore, #tpu.memory_space<semaphore_mem>>) src(%dma_wait3A_62 : memref<1024x128xf32, #tpu.memory_space<hbm>>) dst(%dma_wait3A_56 : memref<128x128xf32, #tpu.memory_space<vmem>>)
    %dma_wait3A_63 = arith.constant 2 : i32
    %dma_wait3A_64 = arith.constant 256 : i32
    %dma_wait3A_65 = arith.constant 0 : i32
    %dma_wait3A_66 = tpu.memref_slice %arg6[%dma_wait3A_64, %dma_wait3A_65] : memref<512x128xf32, #tpu.memory_space<vmem>> -> memref<128x128xf32, #tpu.memory_space<vmem>>
    %dma_wait3A_67 = arith.constant 0 : i32
    %dma_wait3A_68 = tpu.memref_slice %arg5[%dma_wait3A_63, %dma_wait3A_67] : memref<8x128xi32, #tpu.memory_space<vmem>> -> memref<1x128xi32, #tpu.memory_space<vmem>>
    %dma_wait3A_69 = tpu.memref_squeeze %dma_wait3A_68 : memref<1x128xi32, #tpu.memory_space<vmem>> -> memref<128xi32, #tpu.memory_space<vmem>>
    %dma_wait3A_70 = arith.constant 0 : i32
    %dma_wait3A_71 = arith.constant 0 : i32
    %dma_wait3A_72 = tpu.memref_slice %arg2[%dma_wait3A_70, %dma_wait3A_71] : memref<1024x128xf32, #tpu.memory_space<hbm>> -> memref<1024x128xf32, #tpu.memory_space<hbm>>
    tpu.wait_indirect_dma semaphore(%arg7 : memref<!tpu.dma_semaphore, #tpu.memory_space<semaphore_mem>>) src(%dma_wait3A_72 : memref<1024x128xf32, #tpu.memory_space<hbm>>) dst(%dma_wait3A_66 : memref<128x128xf32, #tpu.memory_space<vmem>>)
    %dma_wait3A_73 = arith.constant 3 : i32
    %dma_wait3A_74 = arith.constant 384 : i32
    %dma_wait3A_75 = arith.constant 0 : i32
    %dma_wait3A_76 = tpu.memref_slice %arg6[%dma_wait3A_74, %dma_wait3A_75] : memref<512x128xf32, #tpu.memory_space<vmem>> -> memref<128x128xf32, #tpu.memory_space<vmem>>
    %dma_wait3A_77 = arith.constant 0 : i32
    %dma_wait3A_78 = tpu.memref_slice %arg5[%dma_wait3A_73, %dma_wait3A_77] : memref<8x128xi32, #tpu.memory_space<vmem>> -> memref<1x128xi32, #tpu.memory_space<vmem>>
    %dma_wait3A_79 = tpu.memref_squeeze %dma_wait3A_78 : memref<1x128xi32, #tpu.memory_space<vmem>> -> memref<128xi32, #tpu.memory_space<vmem>>
    %dma_wait3A_80 = arith.constant 0 : i32
    %dma_wait3A_81 = arith.constant 0 : i32
    %dma_wait3A_82 = tpu.memref_slice %arg2[%dma_wait3A_80, %dma_wait3A_81] : memref<1024x128xf32, #tpu.memory_space<hbm>> -> memref<1024x128xf32, #tpu.memory_space<hbm>>
    tpu.wait_indirect_dma semaphore(%arg7 : memref<!tpu.dma_semaphore, #tpu.memory_space<semaphore_mem>>) src(%dma_wait3A_82 : memref<1024x128xf32, #tpu.memory_space<hbm>>) dst(%dma_wait3A_76 : memref<128x128xf32, #tpu.memory_space<vmem>>)
    %add3A_83 = arith.constant 0 : i32
    %add3A_84 = arith.addi %mul3A_2, %add3A_83 : i32
    "tpu.region"() ({
      %run_scoped3A = tpu.sem_alloc : memref<!tpu.dma_semaphore, #tpu.memory_space<semaphore_mem>>
      %dma_start3A_167 = arith.constant 0 : i32
      %dma_start3A_168 = tpu.memref_slice %arg4[%add3A_84, %dma_start3A_167] : memref<32768x128xf32, #tpu.memory_space<hbm>> -> memref<512x128xf32, #tpu.memory_space<hbm>>
      %dma_start3A_169 = arith.constant 0 : i32
      %dma_start3A_170 = tpu.memref_slice %arg4[%add3A_84, %dma_start3A_169] : memref<32768x128xf32, #tpu.memory_space<hbm>> -> memref<512x128xf32, #tpu.memory_space<hbm>>
      tpu.enqueue_dma source(%arg6 : memref<512x128xf32, #tpu.memory_space<vmem>>) target(%dma_start3A_170 : memref<512x128xf32, #tpu.memory_space<hbm>>) target_semaphore(%run_scoped3A : memref<!tpu.dma_semaphore, #tpu.memory_space<semaphore_mem>>)
      %dma_wait3A_171 = arith.constant 0 : i32
      %dma_wait3A_172 = tpu.memref_slice %arg4[%add3A_84, %dma_wait3A_171] : memref<32768x128xf32, #tpu.memory_space<hbm>> -> memref<512x128xf32, #tpu.memory_space<hbm>>
      %dma_wait3A_173 = arith.constant 0 : i32
      %dma_wait3A_174 = tpu.memref_slice %arg4[%add3A_84, %dma_wait3A_173] : memref<32768x128xf32, #tpu.memory_space<hbm>> -> memref<512x128xf32, #tpu.memory_space<hbm>>
      tpu.wait_dma2 semaphore(%run_scoped3A : memref<!tpu.dma_semaphore, #tpu.memory_space<semaphore_mem>>) src(%arg6 : memref<512x128xf32, #tpu.memory_space<vmem>>) dst(%dma_wait3A_174 : memref<512x128xf32, #tpu.memory_space<hbm>>)
      tpu.yield
    }) : () -> ()
    %dma_start3A_85 = arith.constant 4 : i32
    %dma_start3A_86 = arith.constant 0 : i32
    %dma_start3A_87 = arith.constant 0 : i32
    %dma_start3A_88 = tpu.memref_slice %arg6[%dma_start3A_86, %dma_start3A_87] : memref<512x128xf32, #tpu.memory_space<vmem>> -> memref<128x128xf32, #tpu.memory_space<vmem>>
    %dma_start3A_89 = arith.constant 0 : i32
    %dma_start3A_90 = tpu.memref_slice %arg5[%dma_start3A_85, %dma_start3A_89] : memref<8x128xi32, #tpu.memory_space<vmem>> -> memref<1x128xi32, #tpu.memory_space<vmem>>
    %dma_start3A_91 = tpu.memref_squeeze %dma_start3A_90 : memref<1x128xi32, #tpu.memory_space<vmem>> -> memref<128xi32, #tpu.memory_space<vmem>>
    %dma_start3A_92 = arith.constant 0 : i32
    %dma_start3A_93 = arith.constant 0 : i32
    %dma_start3A_94 = tpu.memref_slice %arg2[%dma_start3A_92, %dma_start3A_93] : memref<1024x128xf32, #tpu.memory_space<hbm>> -> memref<1024x128xf32, #tpu.memory_space<hbm>>
    tpu.enqueue_indirect_dma source(%dma_start3A_94 : memref<1024x128xf32, #tpu.memory_space<hbm>>) target(%dma_start3A_88 : memref<128x128xf32, #tpu.memory_space<vmem>>) offsets(%dma_start3A_91 : memref<128xi32, #tpu.memory_space<vmem>>) semaphore(%arg7 : memref<!tpu.dma_semaphore, #tpu.memory_space<semaphore_mem>>)
    %dma_start3A_95 = arith.constant 5 : i32
    %dma_start3A_96 = arith.constant 128 : i32
    %dma_start3A_97 = arith.constant 0 : i32
    %dma_start3A_98 = tpu.memref_slice %arg6[%dma_start3A_96, %dma_start3A_97] : memref<512x128xf32, #tpu.memory_space<vmem>> -> memref<128x128xf32, #tpu.memory_space<vmem>>
    %dma_start3A_99 = arith.constant 0 : i32
    %dma_start3A_100 = tpu.memref_slice %arg5[%dma_start3A_95, %dma_start3A_99] : memref<8x128xi32, #tpu.memory_space<vmem>> -> memref<1x128xi32, #tpu.memory_space<vmem>>
    %dma_start3A_101 = tpu.memref_squeeze %dma_start3A_100 : memref<1x128xi32, #tpu.memory_space<vmem>> -> memref<128xi32, #tpu.memory_space<vmem>>
    %dma_start3A_102 = arith.constant 0 : i32
    %dma_start3A_103 = arith.constant 0 : i32
    %dma_start3A_104 = tpu.memref_slice %arg2[%dma_start3A_102, %dma_start3A_103] : memref<1024x128xf32, #tpu.memory_space<hbm>> -> memref<1024x128xf32, #tpu.memory_space<hbm>>
    tpu.enqueue_indirect_dma source(%dma_start3A_104 : memref<1024x128xf32, #tpu.memory_space<hbm>>) target(%dma_start3A_98 : memref<128x128xf32, #tpu.memory_space<vmem>>) offsets(%dma_start3A_101 : memref<128xi32, #tpu.memory_space<vmem>>) semaphore(%arg7 : memref<!tpu.dma_semaphore, #tpu.memory_space<semaphore_mem>>)
    %dma_start3A_105 = arith.constant 6 : i32
    %dma_start3A_106 = arith.constant 256 : i32
    %dma_start3A_107 = arith.constant 0 : i32
    %dma_start3A_108 = tpu.memref_slice %arg6[%dma_start3A_106, %dma_start3A_107] : memref<512x128xf32, #tpu.memory_space<vmem>> -> memref<128x128xf32, #tpu.memory_space<vmem>>
    %dma_start3A_109 = arith.constant 0 : i32
    %dma_start3A_110 = tpu.memref_slice %arg5[%dma_start3A_105, %dma_start3A_109] : memref<8x128xi32, #tpu.memory_space<vmem>> -> memref<1x128xi32, #tpu.memory_space<vmem>>
    %dma_start3A_111 = tpu.memref_squeeze %dma_start3A_110 : memref<1x128xi32, #tpu.memory_space<vmem>> -> memref<128xi32, #tpu.memory_space<vmem>>
    %dma_start3A_112 = arith.constant 0 : i32
    %dma_start3A_113 = arith.constant 0 : i32
    %dma_start3A_114 = tpu.memref_slice %arg2[%dma_start3A_112, %dma_start3A_113] : memref<1024x128xf32, #tpu.memory_space<hbm>> -> memref<1024x128xf32, #tpu.memory_space<hbm>>
    tpu.enqueue_indirect_dma source(%dma_start3A_114 : memref<1024x128xf32, #tpu.memory_space<hbm>>) target(%dma_start3A_108 : memref<128x128xf32, #tpu.memory_space<vmem>>) offsets(%dma_start3A_111 : memref<128xi32, #tpu.memory_space<vmem>>) semaphore(%arg7 : memref<!tpu.dma_semaphore, #tpu.memory_space<semaphore_mem>>)
    %dma_start3A_115 = arith.constant 7 : i32
    %dma_start3A_116 = arith.constant 384 : i32
    %dma_start3A_117 = arith.constant 0 : i32
    %dma_start3A_118 = tpu.memref_slice %arg6[%dma_start3A_116, %dma_start3A_117] : memref<512x128xf32, #tpu.memory_space<vmem>> -> memref<128x128xf32, #tpu.memory_space<vmem>>
    %dma_start3A_119 = arith.constant 0 : i32
    %dma_start3A_120 = tpu.memref_slice %arg5[%dma_start3A_115, %dma_start3A_119] : memref<8x128xi32, #tpu.memory_space<vmem>> -> memref<1x128xi32, #tpu.memory_space<vmem>>
    %dma_start3A_121 = tpu.memref_squeeze %dma_start3A_120 : memref<1x128xi32, #tpu.memory_space<vmem>> -> memref<128xi32, #tpu.memory_space<vmem>>
    %dma_start3A_122 = arith.constant 0 : i32
    %dma_start3A_123 = arith.constant 0 : i32
    %dma_start3A_124 = tpu.memref_slice %arg2[%dma_start3A_122, %dma_start3A_123] : memref<1024x128xf32, #tpu.memory_space<hbm>> -> memref<1024x128xf32, #tpu.memory_space<hbm>>
    tpu.enqueue_indirect_dma source(%dma_start3A_124 : memref<1024x128xf32, #tpu.memory_space<hbm>>) target(%dma_start3A_118 : memref<128x128xf32, #tpu.memory_space<vmem>>) offsets(%dma_start3A_121 : memref<128xi32, #tpu.memory_space<vmem>>) semaphore(%arg7 : memref<!tpu.dma_semaphore, #tpu.memory_space<semaphore_mem>>)
    %dma_wait3A_125 = arith.constant 4 : i32
    %dma_wait3A_126 = arith.constant 0 : i32
    %dma_wait3A_127 = arith.constant 0 : i32
    %dma_wait3A_128 = tpu.memref_slice %arg6[%dma_wait3A_126, %dma_wait3A_127] : memref<512x128xf32, #tpu.memory_space<vmem>> -> memref<128x128xf32, #tpu.memory_space<vmem>>
    %dma_wait3A_129 = arith.constant 0 : i32
    %dma_wait3A_130 = tpu.memref_slice %arg5[%dma_wait3A_125, %dma_wait3A_129] : memref<8x128xi32, #tpu.memory_space<vmem>> -> memref<1x128xi32, #tpu.memory_space<vmem>>
    %dma_wait3A_131 = tpu.memref_squeeze %dma_wait3A_130 : memref<1x128xi32, #tpu.memory_space<vmem>> -> memref<128xi32, #tpu.memory_space<vmem>>
    %dma_wait3A_132 = arith.constant 0 : i32
    %dma_wait3A_133 = arith.constant 0 : i32
    %dma_wait3A_134 = tpu.memref_slice %arg2[%dma_wait3A_132, %dma_wait3A_133] : memref<1024x128xf32, #tpu.memory_space<hbm>> -> memref<1024x128xf32, #tpu.memory_space<hbm>>
    tpu.wait_indirect_dma semaphore(%arg7 : memref<!tpu.dma_semaphore, #tpu.memory_space<semaphore_mem>>) src(%dma_wait3A_134 : memref<1024x128xf32, #tpu.memory_space<hbm>>) dst(%dma_wait3A_128 : memref<128x128xf32, #tpu.memory_space<vmem>>)
    %dma_wait3A_135 = arith.constant 5 : i32
    %dma_wait3A_136 = arith.constant 128 : i32
    %dma_wait3A_137 = arith.constant 0 : i32
    %dma_wait3A_138 = tpu.memref_slice %arg6[%dma_wait3A_136, %dma_wait3A_137] : memref<512x128xf32, #tpu.memory_space<vmem>> -> memref<128x128xf32, #tpu.memory_space<vmem>>
    %dma_wait3A_139 = arith.constant 0 : i32
    %dma_wait3A_140 = tpu.memref_slice %arg5[%dma_wait3A_135, %dma_wait3A_139] : memref<8x128xi32, #tpu.memory_space<vmem>> -> memref<1x128xi32, #tpu.memory_space<vmem>>
    %dma_wait3A_141 = tpu.memref_squeeze %dma_wait3A_140 : memref<1x128xi32, #tpu.memory_space<vmem>> -> memref<128xi32, #tpu.memory_space<vmem>>
    %dma_wait3A_142 = arith.constant 0 : i32
    %dma_wait3A_143 = arith.constant 0 : i32
    %dma_wait3A_144 = tpu.memref_slice %arg2[%dma_wait3A_142, %dma_wait3A_143] : memref<1024x128xf32, #tpu.memory_space<hbm>> -> memref<1024x128xf32, #tpu.memory_space<hbm>>
    tpu.wait_indirect_dma semaphore(%arg7 : memref<!tpu.dma_semaphore, #tpu.memory_space<semaphore_mem>>) src(%dma_wait3A_144 : memref<1024x128xf32, #tpu.memory_space<hbm>>) dst(%dma_wait3A_138 : memref<128x128xf32, #tpu.memory_space<vmem>>)
    %dma_wait3A_145 = arith.constant 6 : i32
    %dma_wait3A_146 = arith.constant 256 : i32
    %dma_wait3A_147 = arith.constant 0 : i32
    %dma_wait3A_148 = tpu.memref_slice %arg6[%dma_wait3A_146, %dma_wait3A_147] : memref<512x128xf32, #tpu.memory_space<vmem>> -> memref<128x128xf32, #tpu.memory_space<vmem>>
    %dma_wait3A_149 = arith.constant 0 : i32
    %dma_wait3A_150 = tpu.memref_slice %arg5[%dma_wait3A_145, %dma_wait3A_149] : memref<8x128xi32, #tpu.memory_space<vmem>> -> memref<1x128xi32, #tpu.memory_space<vmem>>
    %dma_wait3A_151 = tpu.memref_squeeze %dma_wait3A_150 : memref<1x128xi32, #tpu.memory_space<vmem>> -> memref<128xi32, #tpu.memory_space<vmem>>
    %dma_wait3A_152 = arith.constant 0 : i32
    %dma_wait3A_153 = arith.constant 0 : i32
    %dma_wait3A_154 = tpu.memref_slice %arg2[%dma_wait3A_152, %dma_wait3A_153] : memref<1024x128xf32, #tpu.memory_space<hbm>> -> memref<1024x128xf32, #tpu.memory_space<hbm>>
    tpu.wait_indirect_dma semaphore(%arg7 : memref<!tpu.dma_semaphore, #tpu.memory_space<semaphore_mem>>) src(%dma_wait3A_154 : memref<1024x128xf32, #tpu.memory_space<hbm>>) dst(%dma_wait3A_148 : memref<128x128xf32, #tpu.memory_space<vmem>>)
    %dma_wait3A_155 = arith.constant 7 : i32
    %dma_wait3A_156 = arith.constant 384 : i32
    %dma_wait3A_157 = arith.constant 0 : i32
    %dma_wait3A_158 = tpu.memref_slice %arg6[%dma_wait3A_156, %dma_wait3A_157] : memref<512x128xf32, #tpu.memory_space<vmem>> -> memref<128x128xf32, #tpu.memory_space<vmem>>
    %dma_wait3A_159 = arith.constant 0 : i32
    %dma_wait3A_160 = tpu.memref_slice %arg5[%dma_wait3A_155, %dma_wait3A_159] : memref<8x128xi32, #tpu.memory_space<vmem>> -> memref<1x128xi32, #tpu.memory_space<vmem>>
    %dma_wait3A_161 = tpu.memref_squeeze %dma_wait3A_160 : memref<1x128xi32, #tpu.memory_space<vmem>> -> memref<128xi32, #tpu.memory_space<vmem>>
    %dma_wait3A_162 = arith.constant 0 : i32
    %dma_wait3A_163 = arith.constant 0 : i32
    %dma_wait3A_164 = tpu.memref_slice %arg2[%dma_wait3A_162, %dma_wait3A_163] : memref<1024x128xf32, #tpu.memory_space<hbm>> -> memref<1024x128xf32, #tpu.memory_space<hbm>>
    tpu.wait_indirect_dma semaphore(%arg7 : memref<!tpu.dma_semaphore, #tpu.memory_space<semaphore_mem>>) src(%dma_wait3A_164 : memref<1024x128xf32, #tpu.memory_space<hbm>>) dst(%dma_wait3A_158 : memref<128x128xf32, #tpu.memory_space<vmem>>)
    %add3A_165 = arith.constant 512 : i32
    %add3A_166 = arith.addi %mul3A_2, %add3A_165 : i32
    "tpu.region"() ({
      %run_scoped3A = tpu.sem_alloc : memref<!tpu.dma_semaphore, #tpu.memory_space<semaphore_mem>>
      %dma_start3A_167 = arith.constant 0 : i32
      %dma_start3A_168 = tpu.memref_slice %arg4[%add3A_166, %dma_start3A_167] : memref<32768x128xf32, #tpu.memory_space<hbm>> -> memref<512x128xf32, #tpu.memory_space<hbm>>
      %dma_start3A_169 = arith.constant 0 : i32
      %dma_start3A_170 = tpu.memref_slice %arg4[%add3A_166, %dma_start3A_169] : memref<32768x128xf32, #tpu.memory_space<hbm>> -> memref<512x128xf32, #tpu.memory_space<hbm>>
      tpu.enqueue_dma source(%arg6 : memref<512x128xf32, #tpu.memory_space<vmem>>) target(%dma_start3A_170 : memref<512x128xf32, #tpu.memory_space<hbm>>) target_semaphore(%run_scoped3A : memref<!tpu.dma_semaphore, #tpu.memory_space<semaphore_mem>>)
      %dma_wait3A_171 = arith.constant 0 : i32
      %dma_wait3A_172 = tpu.memref_slice %arg4[%add3A_166, %dma_wait3A_171] : memref<32768x128xf32, #tpu.memory_space<hbm>> -> memref<512x128xf32, #tpu.memory_space<hbm>>
      %dma_wait3A_173 = arith.constant 0 : i32
      %dma_wait3A_174 = tpu.memref_slice %arg4[%add3A_166, %dma_wait3A_173] : memref<32768x128xf32, #tpu.memory_space<hbm>> -> memref<512x128xf32, #tpu.memory_space<hbm>>
      tpu.wait_dma2 semaphore(%run_scoped3A : memref<!tpu.dma_semaphore, #tpu.memory_space<semaphore_mem>>) src(%arg6 : memref<512x128xf32, #tpu.memory_space<vmem>>) dst(%dma_wait3A_174 : memref<512x128xf32, #tpu.memory_space<hbm>>)
      tpu.yield
    }) : () -> ()
    return
  }
}

#map = affine_map<(d0, d1) -> (0, 0)>
module attributes {stable_mosaic.version = 14 : i64} {
  func.func @_gather(%arg0: i32, %arg1: i32, %arg2: memref<1024x128xf32, #tpu.memory_space<hbm>>, %arg3: memref<256x128xi32, #tpu.memory_space<hbm>>, %arg4: memref<32768x128xf32, #tpu.memory_space<hbm>>, %arg5: memref<8x128xi32, #tpu.memory_space<vmem>>, %arg6: memref<512x128xf32, #tpu.memory_space<vmem>>, %arg7: memref<!tpu.dma_semaphore, #tpu.memory_space<semaphore_mem>>) attributes {dimension_semantics = [#tpu.dimension_semantics<core_parallel>, #tpu.dimension_semantics<subcore_parallel>], iteration_bounds = array<i64: 2, 16>, scalar_prefetch = 0 : i64, scratch_operands = 3 : i64, tpu.core_type = #tpu.core_type<sc_vector_subcore>, window_params = [{transform_indices = #map}, {transform_indices = #map}, {transform_indices = #map}]} {
    %mul3A = arith.constant 2 : i32
    %mul3A_0 = arith.muli %arg1, %mul3A : i32
    %add3A = arith.addi %mul3A_0, %arg0 : i32
    %mul3A_1 = arith.constant 1024 : i32
    %mul3A_2 = arith.muli %add3A, %mul3A_1 : i32
    %mul3A_3 = arith.constant 8 : i32
    %mul3A_4 = arith.muli %add3A, %mul3A_3 : i32
    "tpu.region"() ({
      %run_scoped3A = tpu.sem_alloc : memref<!tpu.dma_semaphore, #tpu.memory_space<semaphore_mem>>
      %dma_start3A_167 = arith.constant 0 : i32
      %dma_start3A_168 = tpu.memref_slice %arg3[%mul3A_4, %dma_start3A_167] : memref<256x128xi32, #tpu.memory_space<hbm>> -> memref<8x128xi32, #tpu.memory_space<hbm>>
      %dma_start3A_169 = arith.constant 0 : i32
      %dma_start3A_170 = tpu.memref_slice %arg3[%mul3A_4, %dma_start3A_169] : memref<256x128xi32, #tpu.memory_space<hbm>> -> memref<8x128xi32, #tpu.memory_space<hbm>>
      tpu.enqueue_dma source(%dma_start3A_170 : memref<8x128xi32, #tpu.memory_space<hbm>>) target(%arg5 : memref<8x128xi32, #tpu.memory_space<vmem>>) target_semaphore(%run_scoped3A : memref<!tpu.dma_semaphore, #tpu.memory_space<semaphore_mem>>)
      %dma_wait3A_171 = arith.constant 0 : i32
      %dma_wait3A_172 = tpu.memref_slice %arg3[%mul3A_4, %dma_wait3A_171] : memref<256x128xi32, #tpu.memory_space<hbm>> -> memref<8x128xi32, #tpu.memory_space<hbm>>
      %dma_wait3A_173 = arith.constant 0 : i32
      %dma_wait3A_174 = tpu.memref_slice %arg3[%mul3A_4, %dma_wait3A_173] : memref<256x128xi32, #tpu.memory_space<hbm>> -> memref<8x128xi32, #tpu.memory_space<hbm>>
      tpu.wait_dma2 semaphore(%run_scoped3A : memref<!tpu.dma_semaphore, #tpu.memory_space<semaphore_mem>>) src(%dma_wait3A_174 : memref<8x128xi32, #tpu.memory_space<hbm>>) dst(%arg5 : memref<8x128xi32, #tpu.memory_space<vmem>>)
      tpu.yield
    }) : () -> ()
    %dma_start3A = arith.constant 0 : i32
    %dma_start3A_5 = arith.constant 0 : i32
    %dma_start3A_6 = arith.constant 0 : i32
    %dma_start3A_7 = tpu.memref_slice %arg6[%dma_start3A_5, %dma_start3A_6] : memref<512x128xf32, #tpu.memory_space<vmem>> -> memref<128x128xf32, #tpu.memory_space<vmem>>
    %dma_start3A_8 = arith.constant 0 : i32
    %dma_start3A_9 = tpu.memref_slice %arg5[%dma_start3A, %dma_start3A_8] : memref<8x128xi32, #tpu.memory_space<vmem>> -> memref<1x128xi32, #tpu.memory_space<vmem>>
    %dma_start3A_10 = tpu.memref_squeeze %dma_start3A_9 : memref<1x128xi32, #tpu.memory_space<vmem>> -> memref<128xi32, #tpu.memory_space<vmem>>
    %dma_start3A_11 = arith.constant 0 : i32
    %dma_start3A_12 = arith.constant 0 : i32
    %dma_start3A_13 = tpu.memref_slice %arg2[%dma_start3A_11, %dma_start3A_12] : memref<1024x128xf32, #tpu.memory_space<hbm>> -> memref<1024x128xf32, #tpu.memory_space<hbm>>
    tpu.enqueue_indirect_dma source(%dma_start3A_13 : memref<1024x128xf32, #tpu.memory_space<hbm>>) target(%dma_start3A_7 : memref<128x128xf32, #tpu.memory_space<vmem>>) offsets(%dma_start3A_10 : memref<128xi32, #tpu.memory_space<vmem>>) semaphore(%arg7 : memref<!tpu.dma_semaphore, #tpu.memory_space<semaphore_mem>>)
    %dma_start3A_14 = arith.constant 1 : i32
    %dma_start3A_15 = arith.constant 128 : i32
    %dma_start3A_16 = arith.constant 0 : i32
    %dma_start3A_17 = tpu.memref_slice %arg6[%dma_start3A_15, %dma_start3A_16] : memref<512x128xf32, #tpu.memory_space<vmem>> -> memref<128x128xf32, #tpu.memory_space<vmem>>
    %dma_start3A_18 = arith.constant 0 : i32
    %dma_start3A_19 = tpu.memref_slice %arg5[%dma_start3A_14, %dma_start3A_18] : memref<8x128xi32, #tpu.memory_space<vmem>> -> memref<1x128xi32, #tpu.memory_space<vmem>>
    %dma_start3A_20 = tpu.memref_squeeze %dma_start3A_19 : memref<1x128xi32, #tpu.memory_space<vmem>> -> memref<128xi32, #tpu.memory_space<vmem>>
    %dma_start3A_21 = arith.constant 0 : i32
    %dma_start3A_22 = arith.constant 0 : i32
    %dma_start3A_23 = tpu.memref_slice %arg2[%dma_start3A_21, %dma_start3A_22] : memref<1024x128xf32, #tpu.memory_space<hbm>> -> memref<1024x128xf32, #tpu.memory_space<hbm>>
    tpu.enqueue_indirect_dma source(%dma_start3A_23 : memref<1024x128xf32, #tpu.memory_space<hbm>>) target(%dma_start3A_17 : memref<128x128xf32, #tpu.memory_space<vmem>>) offsets(%dma_start3A_20 : memref<128xi32, #tpu.memory_space<vmem>>) semaphore(%arg7 : memref<!tpu.dma_semaphore, #tpu.memory_space<semaphore_mem>>)
    %dma_start3A_24 = arith.constant 2 : i32
    %dma_start3A_25 = arith.constant 256 : i32
    %dma_start3A_26 = arith.constant 0 : i32
    %dma_start3A_27 = tpu.memref_slice %arg6[%dma_start3A_25, %dma_start3A_26] : memref<512x128xf32, #tpu.memory_space<vmem>> -> memref<128x128xf32, #tpu.memory_space<vmem>>
    %dma_start3A_28 = arith.constant 0 : i32
    %dma_start3A_29 = tpu.memref_slice %arg5[%dma_start3A_24, %dma_start3A_28] : memref<8x128xi32, #tpu.memory_space<vmem>> -> memref<1x128xi32, #tpu.memory_space<vmem>>
    %dma_start3A_30 = tpu.memref_squeeze %dma_start3A_29 : memref<1x128xi32, #tpu.memory_space<vmem>> -> memref<128xi32, #tpu.memory_space<vmem>>
    %dma_start3A_31 = arith.constant 0 : i32
    %dma_start3A_32 = arith.constant 0 : i32
    %dma_start3A_33 = tpu.memref_slice %arg2[%dma_start3A_31, %dma_start3A_32] : memref<1024x128xf32, #tpu.memory_space<hbm>> -> memref<1024x128xf32, #tpu.memory_space<hbm>>
    tpu.enqueue_indirect_dma source(%dma_start3A_33 : memref<1024x128xf32, #tpu.memory_space<hbm>>) target(%dma_start3A_27 : memref<128x128xf32, #tpu.memory_space<vmem>>) offsets(%dma_start3A_30 : memref<128xi32, #tpu.memory_space<vmem>>) semaphore(%arg7 : memref<!tpu.dma_semaphore, #tpu.memory_space<semaphore_mem>>)
    %dma_start3A_34 = arith.constant 3 : i32
    %dma_start3A_35 = arith.constant 384 : i32
    %dma_start3A_36 = arith.constant 0 : i32
    %dma_start3A_37 = tpu.memref_slice %arg6[%dma_start3A_35, %dma_start3A_36] : memref<512x128xf32, #tpu.memory_space<vmem>> -> memref<128x128xf32, #tpu.memory_space<vmem>>
    %dma_start3A_38 = arith.constant 0 : i32
    %dma_start3A_39 = tpu.memref_slice %arg5[%dma_start3A_34, %dma_start3A_38] : memref<8x128xi32, #tpu.memory_space<vmem>> -> memref<1x128xi32, #tpu.memory_space<vmem>>
    %dma_start3A_40 = tpu.memref_squeeze %dma_start3A_39 : memref<1x128xi32, #tpu.memory_space<vmem>> -> memref<128xi32, #tpu.memory_space<vmem>>
    %dma_start3A_41 = arith.constant 0 : i32
    %dma_start3A_42 = arith.constant 0 : i32
    %dma_start3A_43 = tpu.memref_slice %arg2[%dma_start3A_41, %dma_start3A_42] : memref<1024x128xf32, #tpu.memory_space<hbm>> -> memref<1024x128xf32, #tpu.memory_space<hbm>>
    tpu.enqueue_indirect_dma source(%dma_start3A_43 : memref<1024x128xf32, #tpu.memory_space<hbm>>) target(%dma_start3A_37 : memref<128x128xf32, #tpu.memory_space<vmem>>) offsets(%dma_start3A_40 : memref<128xi32, #tpu.memory_space<vmem>>) semaphore(%arg7 : memref<!tpu.dma_semaphore, #tpu.memory_space<semaphore_mem>>)
    %dma_wait3A = arith.constant 0 : i32
    %dma_wait3A_44 = arith.constant 0 : i32
    %dma_wait3A_45 = arith.constant 0 : i32
    %dma_wait3A_46 = tpu.memref_slice %arg6[%dma_wait3A_44, %dma_wait3A_45] : memref<512x128xf32, #tpu.memory_space<vmem>> -> memref<128x128xf32, #tpu.memory_space<vmem>>
    %dma_wait3A_47 = arith.constant 0 : i32
    %dma_wait3A_48 = tpu.memref_slice %arg5[%dma_wait3A, %dma_wait3A_47] : memref<8x128xi32, #tpu.memory_space<vmem>> -> memref<1x128xi32, #tpu.memory_space<vmem>>
    %dma_wait3A_49 = tpu.memref_squeeze %dma_wait3A_48 : memref<1x128xi32, #tpu.memory_space<vmem>> -> memref<128xi32, #tpu.memory_space<vmem>>
    %dma_wait3A_50 = arith.constant 0 : i32
    %dma_wait3A_51 = arith.constant 0 : i32
    %dma_wait3A_52 = tpu.memref_slice %arg2[%dma_wait3A_50, %dma_wait3A_51] : memref<1024x128xf32, #tpu.memory_space<hbm>> -> memref<1024x128xf32, #tpu.memory_space<hbm>>
    tpu.wait_indirect_dma semaphore(%arg7 : memref<!tpu.dma_semaphore, #tpu.memory_space<semaphore_mem>>) src(%dma_wait3A_52 : memref<1024x128xf32, #tpu.memory_space<hbm>>) dst(%dma_wait3A_46 : memref<128x128xf32, #tpu.memory_space<vmem>>)
    %dma_wait3A_53 = arith.constant 1 : i32
    %dma_wait3A_54 = arith.constant 128 : i32
    %dma_wait3A_55 = arith.constant 0 : i32
    %dma_wait3A_56 = tpu.memref_slice %arg6[%dma_wait3A_54, %dma_wait3A_55] : memref<512x128xf32, #tpu.memory_space<vmem>> -> memref<128x128xf32, #tpu.memory_space<vmem>>
    %dma_wait3A_57 = arith.constant 0 : i32
    %dma_wait3A_58 = tpu.memref_slice %arg5[%dma_wait3A_53, %dma_wait3A_57] : memref<8x128xi32, #tpu.memory_space<vmem>> -> memref<1x128xi32, #tpu.memory_space<vmem>>
    %dma_wait3A_59 = tpu.memref_squeeze %dma_wait3A_58 : memref<1x128xi32, #tpu.memory_space<vmem>> -> memref<128xi32, #tpu.memory_space<vmem>>
    %dma_wait3A_60 = arith.constant 0 : i32
    %dma_wait3A_61 = arith.constant 0 : i32
    %dma_wait3A_62 = tpu.memref_slice %arg2[%dma_wait3A_60, %dma_wait3A_61] : memref<1024x128xf32, #tpu.memory_space<hbm>> -> memref<1024x128xf32, #tpu.memory_space<hbm>>
    tpu.wait_indirect_dma semaphore(%arg7 : memref<!tpu.dma_semaphore, #tpu.memory_space<semaphore_mem>>) src(%dma_wait3A_62 : memref<1024x128xf32, #tpu.memory_space<hbm>>) dst(%dma_wait3A_56 : memref<128x128xf32, #tpu.memory_space<vmem>>)
    %dma_wait3A_63 = arith.constant 2 : i32
    %dma_wait3A_64 = arith.constant 256 : i32
    %dma_wait3A_65 = arith.constant 0 : i32
    %dma_wait3A_66 = tpu.memref_slice %arg6[%dma_wait3A_64, %dma_wait3A_65] : memref<512x128xf32, #tpu.memory_space<vmem>> -> memref<128x128xf32, #tpu.memory_space<vmem>>
    %dma_wait3A_67 = arith.constant 0 : i32
    %dma_wait3A_68 = tpu.memref_slice %arg5[%dma_wait3A_63, %dma_wait3A_67] : memref<8x128xi32, #tpu.memory_space<vmem>> -> memref<1x128xi32, #tpu.memory_space<vmem>>
    %dma_wait3A_69 = tpu.memref_squeeze %dma_wait3A_68 : memref<1x128xi32, #tpu.memory_space<vmem>> -> memref<128xi32, #tpu.memory_space<vmem>>
    %dma_wait3A_70 = arith.constant 0 : i32
    %dma_wait3A_71 = arith.constant 0 : i32
    %dma_wait3A_72 = tpu.memref_slice %arg2[%dma_wait3A_70, %dma_wait3A_71] : memref<1024x128xf32, #tpu.memory_space<hbm>> -> memref<1024x128xf32, #tpu.memory_space<hbm>>
    tpu.wait_indirect_dma semaphore(%arg7 : memref<!tpu.dma_semaphore, #tpu.memory_space<semaphore_mem>>) src(%dma_wait3A_72 : memref<1024x128xf32, #tpu.memory_space<hbm>>) dst(%dma_wait3A_66 : memref<128x128xf32, #tpu.memory_space<vmem>>)
    %dma_wait3A_73 = arith.constant 3 : i32
    %dma_wait3A_74 = arith.constant 384 : i32
    %dma_wait3A_75 = arith.constant 0 : i32
    %dma_wait3A_76 = tpu.memref_slice %arg6[%dma_wait3A_74, %dma_wait3A_75] : memref<512x128xf32, #tpu.memory_space<vmem>> -> memref<128x128xf32, #tpu.memory_space<vmem>>
    %dma_wait3A_77 = arith.constant 0 : i32
    %dma_wait3A_78 = tpu.memref_slice %arg5[%dma_wait3A_73, %dma_wait3A_77] : memref<8x128xi32, #tpu.memory_space<vmem>> -> memref<1x128xi32, #tpu.memory_space<vmem>>
    %dma_wait3A_79 = tpu.memref_squeeze %dma_wait3A_78 : memref<1x128xi32, #tpu.memory_space<vmem>> -> memref<128xi32, #tpu.memory_space<vmem>>
    %dma_wait3A_80 = arith.constant 0 : i32
    %dma_wait3A_81 = arith.constant 0 : i32
    %dma_wait3A_82 = tpu.memref_slice %arg2[%dma_wait3A_80, %dma_wait3A_81] : memref<1024x128xf32, #tpu.memory_space<hbm>> -> memref<1024x128xf32, #tpu.memory_space<hbm>>
    tpu.wait_indirect_dma semaphore(%arg7 : memref<!tpu.dma_semaphore, #tpu.memory_space<semaphore_mem>>) src(%dma_wait3A_82 : memref<1024x128xf32, #tpu.memory_space<hbm>>) dst(%dma_wait3A_76 : memref<128x128xf32, #tpu.memory_space<vmem>>)
    %add3A_83 = arith.constant 0 : i32
    %add3A_84 = arith.addi %mul3A_2, %add3A_83 : i32
    "tpu.region"() ({
      %run_scoped3A = tpu.sem_alloc : memref<!tpu.dma_semaphore, #tpu.memory_space<semaphore_mem>>
      %dma_start3A_167 = arith.constant 0 : i32
      %dma_start3A_168 = tpu.memref_slice %arg4[%add3A_84, %dma_start3A_167] : memref<32768x128xf32, #tpu.memory_space<hbm>> -> memref<512x128xf32, #tpu.memory_space<hbm>>
      %dma_start3A_169 = arith.constant 0 : i32
      %dma_start3A_170 = tpu.memref_slice %arg4[%add3A_84, %dma_start3A_169] : memref<32768x128xf32, #tpu.memory_space<hbm>> -> memref<512x128xf32, #tpu.memory_space<hbm>>
      tpu.enqueue_dma source(%arg6 : memref<512x128xf32, #tpu.memory_space<vmem>>) target(%dma_start3A_170 : memref<512x128xf32, #tpu.memory_space<hbm>>) target_semaphore(%run_scoped3A : memref<!tpu.dma_semaphore, #tpu.memory_space<semaphore_mem>>)
      %dma_wait3A_171 = arith.constant 0 : i32
      %dma_wait3A_172 = tpu.memref_slice %arg4[%add3A_84, %dma_wait3A_171] : memref<32768x128xf32, #tpu.memory_space<hbm>> -> memref<512x128xf32, #tpu.memory_space<hbm>>
      %dma_wait3A_173 = arith.constant 0 : i32
      %dma_wait3A_174 = tpu.memref_slice %arg4[%add3A_84, %dma_wait3A_173] : memref<32768x128xf32, #tpu.memory_space<hbm>> -> memref<512x128xf32, #tpu.memory_space<hbm>>
      tpu.wait_dma2 semaphore(%run_scoped3A : memref<!tpu.dma_semaphore, #tpu.memory_space<semaphore_mem>>) src(%arg6 : memref<512x128xf32, #tpu.memory_space<vmem>>) dst(%dma_wait3A_174 : memref<512x128xf32, #tpu.memory_space<hbm>>)
      tpu.yield
    }) : () -> ()
    %dma_start3A_85 = arith.constant 4 : i32
    %dma_start3A_86 = arith.constant 0 : i32
    %dma_start3A_87 = arith.constant 0 : i32
    %dma_start3A_88 = tpu.memref_slice %arg6[%dma_start3A_86, %dma_start3A_87] : memref<512x128xf32, #tpu.memory_space<vmem>> -> memref<128x128xf32, #tpu.memory_space<vmem>>
    %dma_start3A_89 = arith.constant 0 : i32
    %dma_start3A_90 = tpu.memref_slice %arg5[%dma_start3A_85, %dma_start3A_89] : memref<8x128xi32, #tpu.memory_space<vmem>> -> memref<1x128xi32, #tpu.memory_space<vmem>>
    %dma_start3A_91 = tpu.memref_squeeze %dma_start3A_90 : memref<1x128xi32, #tpu.memory_space<vmem>> -> memref<128xi32, #tpu.memory_space<vmem>>
    %dma_start3A_92 = arith.constant 0 : i32
    %dma_start3A_93 = arith.constant 0 : i32
    %dma_start3A_94 = tpu.memref_slice %arg2[%dma_start3A_92, %dma_start3A_93] : memref<1024x128xf32, #tpu.memory_space<hbm>> -> memref<1024x128xf32, #tpu.memory_space<hbm>>
    tpu.enqueue_indirect_dma source(%dma_start3A_94 : memref<1024x128xf32, #tpu.memory_space<hbm>>) target(%dma_start3A_88 : memref<128x128xf32, #tpu.memory_space<vmem>>) offsets(%dma_start3A_91 : memref<128xi32, #tpu.memory_space<vmem>>) semaphore(%arg7 : memref<!tpu.dma_semaphore, #tpu.memory_space<semaphore_mem>>)
    %dma_start3A_95 = arith.constant 5 : i32
    %dma_start3A_96 = arith.constant 128 : i32
    %dma_start3A_97 = arith.constant 0 : i32
    %dma_start3A_98 = tpu.memref_slice %arg6[%dma_start3A_96, %dma_start3A_97] : memref<512x128xf32, #tpu.memory_space<vmem>> -> memref<128x128xf32, #tpu.memory_space<vmem>>
    %dma_start3A_99 = arith.constant 0 : i32
    %dma_start3A_100 = tpu.memref_slice %arg5[%dma_start3A_95, %dma_start3A_99] : memref<8x128xi32, #tpu.memory_space<vmem>> -> memref<1x128xi32, #tpu.memory_space<vmem>>
    %dma_start3A_101 = tpu.memref_squeeze %dma_start3A_100 : memref<1x128xi32, #tpu.memory_space<vmem>> -> memref<128xi32, #tpu.memory_space<vmem>>
    %dma_start3A_102 = arith.constant 0 : i32
    %dma_start3A_103 = arith.constant 0 : i32
    %dma_start3A_104 = tpu.memref_slice %arg2[%dma_start3A_102, %dma_start3A_103] : memref<1024x128xf32, #tpu.memory_space<hbm>> -> memref<1024x128xf32, #tpu.memory_space<hbm>>
    tpu.enqueue_indirect_dma source(%dma_start3A_104 : memref<1024x128xf32, #tpu.memory_space<hbm>>) target(%dma_start3A_98 : memref<128x128xf32, #tpu.memory_space<vmem>>) offsets(%dma_start3A_101 : memref<128xi32, #tpu.memory_space<vmem>>) semaphore(%arg7 : memref<!tpu.dma_semaphore, #tpu.memory_space<semaphore_mem>>)
    %dma_start3A_105 = arith.constant 6 : i32
    %dma_start3A_106 = arith.constant 256 : i32
    %dma_start3A_107 = arith.constant 0 : i32
    %dma_start3A_108 = tpu.memref_slice %arg6[%dma_start3A_106, %dma_start3A_107] : memref<512x128xf32, #tpu.memory_space<vmem>> -> memref<128x128xf32, #tpu.memory_space<vmem>>
    %dma_start3A_109 = arith.constant 0 : i32
    %dma_start3A_110 = tpu.memref_slice %arg5[%dma_start3A_105, %dma_start3A_109] : memref<8x128xi32, #tpu.memory_space<vmem>> -> memref<1x128xi32, #tpu.memory_space<vmem>>
    %dma_start3A_111 = tpu.memref_squeeze %dma_start3A_110 : memref<1x128xi32, #tpu.memory_space<vmem>> -> memref<128xi32, #tpu.memory_space<vmem>>
    %dma_start3A_112 = arith.constant 0 : i32
    %dma_start3A_113 = arith.constant 0 : i32
    %dma_start3A_114 = tpu.memref_slice %arg2[%dma_start3A_112, %dma_start3A_113] : memref<1024x128xf32, #tpu.memory_space<hbm>> -> memref<1024x128xf32, #tpu.memory_space<hbm>>
    tpu.enqueue_indirect_dma source(%dma_start3A_114 : memref<1024x128xf32, #tpu.memory_space<hbm>>) target(%dma_start3A_108 : memref<128x128xf32, #tpu.memory_space<vmem>>) offsets(%dma_start3A_111 : memref<128xi32, #tpu.memory_space<vmem>>) semaphore(%arg7 : memref<!tpu.dma_semaphore, #tpu.memory_space<semaphore_mem>>)
    %dma_start3A_115 = arith.constant 7 : i32
    %dma_start3A_116 = arith.constant 384 : i32
    %dma_start3A_117 = arith.constant 0 : i32
    %dma_start3A_118 = tpu.memref_slice %arg6[%dma_start3A_116, %dma_start3A_117] : memref<512x128xf32, #tpu.memory_space<vmem>> -> memref<128x128xf32, #tpu.memory_space<vmem>>
    %dma_start3A_119 = arith.constant 0 : i32
    %dma_start3A_120 = tpu.memref_slice %arg5[%dma_start3A_115, %dma_start3A_119] : memref<8x128xi32, #tpu.memory_space<vmem>> -> memref<1x128xi32, #tpu.memory_space<vmem>>
    %dma_start3A_121 = tpu.memref_squeeze %dma_start3A_120 : memref<1x128xi32, #tpu.memory_space<vmem>> -> memref<128xi32, #tpu.memory_space<vmem>>
    %dma_start3A_122 = arith.constant 0 : i32
    %dma_start3A_123 = arith.constant 0 : i32
    %dma_start3A_124 = tpu.memref_slice %arg2[%dma_start3A_122, %dma_start3A_123] : memref<1024x128xf32, #tpu.memory_space<hbm>> -> memref<1024x128xf32, #tpu.memory_space<hbm>>
    tpu.enqueue_indirect_dma source(%dma_start3A_124 : memref<1024x128xf32, #tpu.memory_space<hbm>>) target(%dma_start3A_118 : memref<128x128xf32, #tpu.memory_space<vmem>>) offsets(%dma_start3A_121 : memref<128xi32, #tpu.memory_space<vmem>>) semaphore(%arg7 : memref<!tpu.dma_semaphore, #tpu.memory_space<semaphore_mem>>)
    %dma_wait3A_125 = arith.constant 4 : i32
    %dma_wait3A_126 = arith.constant 0 : i32
    %dma_wait3A_127 = arith.constant 0 : i32
    %dma_wait3A_128 = tpu.memref_slice %arg6[%dma_wait3A_126, %dma_wait3A_127] : memref<512x128xf32, #tpu.memory_space<vmem>> -> memref<128x128xf32, #tpu.memory_space<vmem>>
    %dma_wait3A_129 = arith.constant 0 : i32
    %dma_wait3A_130 = tpu.memref_slice %arg5[%dma_wait3A_125, %dma_wait3A_129] : memref<8x128xi32, #tpu.memory_space<vmem>> -> memref<1x128xi32, #tpu.memory_space<vmem>>
    %dma_wait3A_131 = tpu.memref_squeeze %dma_wait3A_130 : memref<1x128xi32, #tpu.memory_space<vmem>> -> memref<128xi32, #tpu.memory_space<vmem>>
    %dma_wait3A_132 = arith.constant 0 : i32
    %dma_wait3A_133 = arith.constant 0 : i32
    %dma_wait3A_134 = tpu.memref_slice %arg2[%dma_wait3A_132, %dma_wait3A_133] : memref<1024x128xf32, #tpu.memory_space<hbm>> -> memref<1024x128xf32, #tpu.memory_space<hbm>>
    tpu.wait_indirect_dma semaphore(%arg7 : memref<!tpu.dma_semaphore, #tpu.memory_space<semaphore_mem>>) src(%dma_wait3A_134 : memref<1024x128xf32, #tpu.memory_space<hbm>>) dst(%dma_wait3A_128 : memref<128x128xf32, #tpu.memory_space<vmem>>)
    %dma_wait3A_135 = arith.constant 5 : i32
    %dma_wait3A_136 = arith.constant 128 : i32
    %dma_wait3A_137 = arith.constant 0 : i32
    %dma_wait3A_138 = tpu.memref_slice %arg6[%dma_wait3A_136, %dma_wait3A_137] : memref<512x128xf32, #tpu.memory_space<vmem>> -> memref<128x128xf32, #tpu.memory_space<vmem>>
    %dma_wait3A_139 = arith.constant 0 : i32
    %dma_wait3A_140 = tpu.memref_slice %arg5[%dma_wait3A_135, %dma_wait3A_139] : memref<8x128xi32, #tpu.memory_space<vmem>> -> memref<1x128xi32, #tpu.memory_space<vmem>>
    %dma_wait3A_141 = tpu.memref_squeeze %dma_wait3A_140 : memref<1x128xi32, #tpu.memory_space<vmem>> -> memref<128xi32, #tpu.memory_space<vmem>>
    %dma_wait3A_142 = arith.constant 0 : i32
    %dma_wait3A_143 = arith.constant 0 : i32
    %dma_wait3A_144 = tpu.memref_slice %arg2[%dma_wait3A_142, %dma_wait3A_143] : memref<1024x128xf32, #tpu.memory_space<hbm>> -> memref<1024x128xf32, #tpu.memory_space<hbm>>
    tpu.wait_indirect_dma semaphore(%arg7 : memref<!tpu.dma_semaphore, #tpu.memory_space<semaphore_mem>>) src(%dma_wait3A_144 : memref<1024x128xf32, #tpu.memory_space<hbm>>) dst(%dma_wait3A_138 : memref<128x128xf32, #tpu.memory_space<vmem>>)
    %dma_wait3A_145 = arith.constant 6 : i32
    %dma_wait3A_146 = arith.constant 256 : i32
    %dma_wait3A_147 = arith.constant 0 : i32
    %dma_wait3A_148 = tpu.memref_slice %arg6[%dma_wait3A_146, %dma_wait3A_147] : memref<512x128xf32, #tpu.memory_space<vmem>> -> memref<128x128xf32, #tpu.memory_space<vmem>>
    %dma_wait3A_149 = arith.constant 0 : i32
    %dma_wait3A_150 = tpu.memref_slice %arg5[%dma_wait3A_145, %dma_wait3A_149] : memref<8x128xi32, #tpu.memory_space<vmem>> -> memref<1x128xi32, #tpu.memory_space<vmem>>
    %dma_wait3A_151 = tpu.memref_squeeze %dma_wait3A_150 : memref<1x128xi32, #tpu.memory_space<vmem>> -> memref<128xi32, #tpu.memory_space<vmem>>
    %dma_wait3A_152 = arith.constant 0 : i32
    %dma_wait3A_153 = arith.constant 0 : i32
    %dma_wait3A_154 = tpu.memref_slice %arg2[%dma_wait3A_152, %dma_wait3A_153] : memref<1024x128xf32, #tpu.memory_space<hbm>> -> memref<1024x128xf32, #tpu.memory_space<hbm>>
    tpu.wait_indirect_dma semaphore(%arg7 : memref<!tpu.dma_semaphore, #tpu.memory_space<semaphore_mem>>) src(%dma_wait3A_154 : memref<1024x128xf32, #tpu.memory_space<hbm>>) dst(%dma_wait3A_148 : memref<128x128xf32, #tpu.memory_space<vmem>>)
    %dma_wait3A_155 = arith.constant 7 : i32
    %dma_wait3A_156 = arith.constant 384 : i32
    %dma_wait3A_157 = arith.constant 0 : i32
    %dma_wait3A_158 = tpu.memref_slice %arg6[%dma_wait3A_156, %dma_wait3A_157] : memref<512x128xf32, #tpu.memory_space<vmem>> -> memref<128x128xf32, #tpu.memory_space<vmem>>
    %dma_wait3A_159 = arith.constant 0 : i32
    %dma_wait3A_160 = tpu.memref_slice %arg5[%dma_wait3A_155, %dma_wait3A_159] : memref<8x128xi32, #tpu.memory_space<vmem>> -> memref<1x128xi32, #tpu.memory_space<vmem>>
    %dma_wait3A_161 = tpu.memref_squeeze %dma_wait3A_160 : memref<1x128xi32, #tpu.memory_space<vmem>> -> memref<128xi32, #tpu.memory_space<vmem>>
    %dma_wait3A_162 = arith.constant 0 : i32
    %dma_wait3A_163 = arith.constant 0 : i32
    %dma_wait3A_164 = tpu.memref_slice %arg2[%dma_wait3A_162, %dma_wait3A_163] : memref<1024x128xf32, #tpu.memory_space<hbm>> -> memref<1024x128xf32, #tpu.memory_space<hbm>>
    tpu.wait_indirect_dma semaphore(%arg7 : memref<!tpu.dma_semaphore, #tpu.memory_space<semaphore_mem>>) src(%dma_wait3A_164 : memref<1024x128xf32, #tpu.memory_space<hbm>>) dst(%dma_wait3A_158 : memref<128x128xf32, #tpu.memory_space<vmem>>)
    %add3A_165 = arith.constant 512 : i32
    %add3A_166 = arith.addi %mul3A_2, %add3A_165 : i32
    "tpu.region"() ({
      %run_scoped3A = tpu.sem_alloc : memref<!tpu.dma_semaphore, #tpu.memory_space<semaphore_mem>>
      %dma_start3A_167 = arith.constant 0 : i32
      %dma_start3A_168 = tpu.memref_slice %arg4[%add3A_166, %dma_start3A_167] : memref<32768x128xf32, #tpu.memory_space<hbm>> -> memref<512x128xf32, #tpu.memory_space<hbm>>
      %dma_start3A_169 = arith.constant 0 : i32
      %dma_start3A_170 = tpu.memref_slice %arg4[%add3A_166, %dma_start3A_169] : memref<32768x128xf32, #tpu.memory_space<hbm>> -> memref<512x128xf32, #tpu.memory_space<hbm>>
      tpu.enqueue_dma source(%arg6 : memref<512x128xf32, #tpu.memory_space<vmem>>) target(%dma_start3A_170 : memref<512x128xf32, #tpu.memory_space<hbm>>) target_semaphore(%run_scoped3A : memref<!tpu.dma_semaphore, #tpu.memory_space<semaphore_mem>>)
      %dma_wait3A_171 = arith.constant 0 : i32
      %dma_wait3A_172 = tpu.memref_slice %arg4[%add3A_166, %dma_wait3A_171] : memref<32768x128xf32, #tpu.memory_space<hbm>> -> memref<512x128xf32, #tpu.memory_space<hbm>>
      %dma_wait3A_173 = arith.constant 0 : i32
      %dma_wait3A_174 = tpu.memref_slice %arg4[%add3A_166, %dma_wait3A_173] : memref<32768x128xf32, #tpu.memory_space<hbm>> -> memref<512x128xf32, #tpu.memory_space<hbm>>
      tpu.wait_dma2 semaphore(%run_scoped3A : memref<!tpu.dma_semaphore, #tpu.memory_space<semaphore_mem>>) src(%arg6 : memref<512x128xf32, #tpu.memory_space<vmem>>) dst(%dma_wait3A_174 : memref<512x128xf32, #tpu.memory_space<hbm>>)
      tpu.yield
    }) : () -> ()
    return
  }
}

module attributes {stable_mosaic.version = 14 : i64} {
  func.func @_level0_body(%arg0: i32, %arg1: memref<256x64xf32, #tpu.memory_space<vmem>>, %arg2: memref<1024x64xf32, #tpu.memory_space<vmem>>, %arg3: memref<256xi32, #tpu.memory_space<vmem>>, %arg4: memref<256x64xf32, #tpu.memory_space<vmem>>, %arg5: memref<1024xf32, #tpu.memory_space<vmem>>) attributes {dimension_semantics = [#tpu.dimension_semantics<arbitrary>], iteration_bounds = array<i64: 128>, scalar_prefetch = 0 : i64, scratch_operands = 1 : i64, tpu.core_type = #tpu.core_type<tc>, window_params = [{transform_indices = @transform_0, window_bounds = array<i64: 256, 64>}, {pipeline_mode = #tpu.pipeline_mode<synchronous>, transform_indices = @transform_1, window_bounds = array<i64: 1024, 64>}, {transform_indices = @transform_2, window_bounds = array<i64: 256>}, {transform_indices = @transform_3, window_bounds = array<i64: 256, 64>}]} {
    %get3A = arith.constant 0 : index
    %get3A_0 = arith.constant 0 : index
    %get3A_1 = vector.load %arg1[%get3A, %get3A_0] : memref<256x64xf32, #tpu.memory_space<vmem>>, vector<256x64xf32>
    %iota3A = tpu.iota {dimensions = array<i32: 1>} : vector<1x1024xi32>
    %eq3A = arith.constant 0 : i32
    %eq3A_2 = arith.cmpi eq, %arg0, %eq3A : i32
    %convert_element_type3A = arith.extui %eq3A_2 : i1 to i32
    %cond3A = arith.constant 0 : i32
    %cond3A_3 = arith.cmpi ne, %convert_element_type3A, %cond3A : i32
    scf.if %cond3A_3 {
      %get3A_30 = arith.constant 0 : index
      %get3A_31 = arith.constant 0 : index
      %get3A_32 = vector.load %arg2[%get3A_30, %get3A_31] : memref<1024x64xf32, #tpu.memory_space<vmem>>, vector<1024x64xf32>
      %mul3A_33 = arith.mulf %get3A_32, %get3A_32 : vector<1024x64xf32>
      %reduce_sum3A_34 = arith.constant dense<0.000000e+00> : vector<1024xf32>
      %reduce_sum3A_35 = vector.multi_reduction <add>, %mul3A_33, %reduce_sum3A_34 [1] : vector<1024x64xf32> to vector<1024xf32>
      %swap3A_36 = arith.constant 0 : index
      %swap3A_37 = vector.load %arg5[%swap3A_36] : memref<1024xf32, #tpu.memory_space<vmem>>, vector<1024xf32>
      tpu.vector_store %arg5[%swap3A_36], %reduce_sum3A_35 {strides = array<i32>} : memref<1024xf32, #tpu.memory_space<vmem>>, vector<1024xf32>,
    } else {
    }
    %get3A_4 = arith.constant 0 : index
    %get3A_5 = arith.constant 0 : index
    %get3A_6 = vector.load %arg2[%get3A_4, %get3A_5] : memref<1024x64xf32, #tpu.memory_space<vmem>>, vector<1024x64xf32>
    %get3A_7 = arith.constant 0 : index
    %get3A_8 = vector.load %arg5[%get3A_7] : memref<1024xf32, #tpu.memory_space<vmem>>, vector<1024xf32>
    %broadcast_in_dim3A = vector.shape_cast %get3A_8 : vector<1024xf32> to vector<1x1024xf32>
    %mul3A = arith.mulf %get3A_1, %get3A_1 : vector<256x64xf32>
    %reduce_sum3A = arith.constant dense<0.000000e+00> : vector<256xf32>
    %reduce_sum3A_9 = vector.multi_reduction <add>, %mul3A, %reduce_sum3A [1] : vector<256x64xf32> to vector<256xf32>
    %broadcast_in_dim3A_10 = vector.shape_cast %reduce_sum3A_9 : vector<256xf32> to vector<256x1xf32>
    %dot_general3A = arith.constant dense<0.000000e+00> : vector<256x1024xf32>
    %dot_general3A_11 = tpu.matmul %get3A_1, %get3A_6, %dot_general3A {dimension_numbers = #tpu.dot_dimension_numbers<[1], [1], [0], [0], [0, 0, 1, 0], [], []>, transpose_lhs_hint = false} : vector<256x64xf32>, vector<1024x64xf32>, vector<256x1024xf32> -> vector<256x1024xf32>
    %mul3A_12 = arith.constant 2.000000e+00 : f32
    %mul3A_13 = vector.broadcast %mul3A_12 : f32 to vector<256x1024xf32>
    %mul3A_14 = arith.mulf %mul3A_13, %dot_general3A_11 : vector<256x1024xf32>
    %sub3A = vector.broadcast %broadcast_in_dim3A_10 : vector<256x1xf32> to vector<256x1024xf32>
    %sub3A_15 = arith.subf %sub3A, %mul3A_14 : vector<256x1024xf32>
    %add3A = vector.broadcast %broadcast_in_dim3A : vector<1x1024xf32> to vector<256x1024xf32>
    %add3A_16 = arith.addf %sub3A_15, %add3A : vector<256x1024xf32>
    %reduce_min3A = arith.constant dense<0x7F800000> : vector<256xf32>
    %reduce_min3A_17 = vector.multi_reduction <minimumf>, %add3A_16, %reduce_min3A [1] : vector<256x1024xf32> to vector<256xf32>
    %broadcast_in_dim3A_18 = vector.shape_cast %reduce_min3A_17 : vector<256xf32> to vector<256x1xf32>
    %eq3A_19 = vector.broadcast %broadcast_in_dim3A_18 : vector<256x1xf32> to vector<256x1024xf32>
    %eq3A_20 = arith.cmpf oeq, %add3A_16, %eq3A_19 : vector<256x1024xf32>
    %jit3A = arith.constant 1024 : i32
    %broadcast_in_dim3A_21 = vector.shape_cast %iota3A : vector<1x1024xi32> to vector<1x1024xi32>
    %broadcast_in_dim3A_22 = vector.broadcast %broadcast_in_dim3A_21 : vector<1x1024xi32> to vector<256x1024xi32>
    %broadcast_in_dim3A_23 = vector.broadcast %jit3A : i32 to vector<256x1024xi32>
    %select_n3A = arith.select %eq3A_20, %broadcast_in_dim3A_22, %broadcast_in_dim3A_23 : vector<256x1024xi1>, vector<256x1024xi32>
    %reduce_min3A_24 = arith.constant dense<2147483647> : vector<256xi32>
    %reduce_min3A_25 = vector.multi_reduction <minsi>, %select_n3A, %reduce_min3A_24 [1] : vector<256x1024xi32> to vector<256xi32>
    %swap3A = arith.constant 0 : index
    %swap3A_26 = vector.load %arg3[%swap3A] : memref<256xi32, #tpu.memory_space<vmem>>, vector<256xi32>
    tpu.vector_store %arg3[%swap3A], %reduce_min3A_25 {strides = array<i32>} : memref<256xi32, #tpu.memory_space<vmem>>, vector<256xi32>,
    %swap3A_27 = arith.constant 0 : index
    %swap3A_28 = arith.constant 0 : index
    %swap3A_29 = vector.load %arg4[%swap3A_27, %swap3A_28] : memref<256x64xf32, #tpu.memory_space<vmem>>, vector<256x64xf32>
    tpu.vector_store %arg4[%swap3A_27, %swap3A_28], %get3A_1 {strides = array<i32>} : memref<256x64xf32, #tpu.memory_space<vmem>>, vector<256x64xf32>,
    return
  }
  func.func @transform_0(%arg0: i32) -> (i32, i32) {
    %c0_i32 = arith.constant 0 : i32
    %c0_i32_0 = arith.constant 0 : i32
    return %arg0, %c0_i32 : i32, i32
  }
  func.func @transform_1(%arg0: i32) -> (i32, i32) {
    %c0_i32 = arith.constant 0 : i32
    %c0_i32_0 = arith.constant 0 : i32
    %c0_i32_1 = arith.constant 0 : i32
    return %c0_i32, %c0_i32_0 : i32, i32
  }
  func.func @transform_2(%arg0: i32) -> i32 {
    %c0_i32 = arith.constant 0 : i32
    return %arg0 : i32
  }
  func.func @transform_3(%arg0: i32) -> (i32, i32) {
    %c0_i32 = arith.constant 0 : i32
    %c0_i32_0 = arith.constant 0 : i32
    return %arg0, %c0_i32 : i32, i32
  }
}

module attributes {stable_mosaic.version = 14 : i64} {
  func.func @_level_body(%arg0: i32, %arg1: memref<256x64xf32, #tpu.memory_space<vmem>>, %arg2: memref<256x128xf32, #tpu.memory_space<vmem>>, %arg3: memref<1024x64xf32, #tpu.memory_space<vmem>>, %arg4: memref<256xi32, #tpu.memory_space<vmem>>, %arg5: memref<256x64xf32, #tpu.memory_space<vmem>>, %arg6: memref<1024xf32, #tpu.memory_space<vmem>>) attributes {dimension_semantics = [#tpu.dimension_semantics<arbitrary>], iteration_bounds = array<i64: 128>, scalar_prefetch = 0 : i64, scratch_operands = 1 : i64, tpu.core_type = #tpu.core_type<tc>, window_params = [{transform_indices = @transform_0, window_bounds = array<i64: 256, 64>}, {transform_indices = @transform_1, window_bounds = array<i64: 256, 128>}, {pipeline_mode = #tpu.pipeline_mode<synchronous>, transform_indices = @transform_2, window_bounds = array<i64: 1024, 64>}, {transform_indices = @transform_3, window_bounds = array<i64: 256>}, {transform_indices = @transform_4, window_bounds = array<i64: 256, 64>}]} {
    %get3A = arith.constant 0 : index
    %get3A_0 = arith.constant 0 : index
    %get3A_1 = vector.load %arg1[%get3A, %get3A_0] : memref<256x64xf32, #tpu.memory_space<vmem>>, vector<256x64xf32>
    %get3A_2 = arith.constant 0 : index
    %get3A_3 = arith.constant 0 : index
    %get3A_4 = vector.load %arg2[%get3A_2, %get3A_3] : memref<256x128xf32, #tpu.memory_space<vmem>>, vector<256x64xf32>
    %sub3A = arith.subf %get3A_1, %get3A_4 : vector<256x64xf32>
    %iota3A = tpu.iota {dimensions = array<i32: 1>} : vector<1x1024xi32>
    %eq3A = arith.constant 0 : i32
    %eq3A_5 = arith.cmpi eq, %arg0, %eq3A : i32
    %convert_element_type3A = arith.extui %eq3A_5 : i1 to i32
    %cond3A = arith.constant 0 : i32
    %cond3A_6 = arith.cmpi ne, %convert_element_type3A, %cond3A : i32
    scf.if %cond3A_6 {
      %get3A_34 = arith.constant 0 : index
      %get3A_35 = arith.constant 0 : index
      %get3A_36 = vector.load %arg3[%get3A_34, %get3A_35] : memref<1024x64xf32, #tpu.memory_space<vmem>>, vector<1024x64xf32>
      %mul3A_37 = arith.mulf %get3A_36, %get3A_36 : vector<1024x64xf32>
      %reduce_sum3A_38 = arith.constant dense<0.000000e+00> : vector<1024xf32>
      %reduce_sum3A_39 = vector.multi_reduction <add>, %mul3A_37, %reduce_sum3A_38 [1] : vector<1024x64xf32> to vector<1024xf32>
      %swap3A_40 = arith.constant 0 : index
      %swap3A_41 = vector.load %arg6[%swap3A_40] : memref<1024xf32, #tpu.memory_space<vmem>>, vector<1024xf32>
      tpu.vector_store %arg6[%swap3A_40], %reduce_sum3A_39 {strides = array<i32>} : memref<1024xf32, #tpu.memory_space<vmem>>, vector<1024xf32>,
    } else {
    }
    %get3A_7 = arith.constant 0 : index
    %get3A_8 = arith.constant 0 : index
    %get3A_9 = vector.load %arg3[%get3A_7, %get3A_8] : memref<1024x64xf32, #tpu.memory_space<vmem>>, vector<1024x64xf32>
    %get3A_10 = arith.constant 0 : index
    %get3A_11 = vector.load %arg6[%get3A_10] : memref<1024xf32, #tpu.memory_space<vmem>>, vector<1024xf32>
    %broadcast_in_dim3A = vector.shape_cast %get3A_11 : vector<1024xf32> to vector<1x1024xf32>
    %mul3A = arith.mulf %sub3A, %sub3A : vector<256x64xf32>
    %reduce_sum3A = arith.constant dense<0.000000e+00> : vector<256xf32>
    %reduce_sum3A_12 = vector.multi_reduction <add>, %mul3A, %reduce_sum3A [1] : vector<256x64xf32> to vector<256xf32>
    %broadcast_in_dim3A_13 = vector.shape_cast %reduce_sum3A_12 : vector<256xf32> to vector<256x1xf32>
    %dot_general3A = arith.constant dense<0.000000e+00> : vector<256x1024xf32>
    %dot_general3A_14 = tpu.matmul %sub3A, %get3A_9, %dot_general3A {dimension_numbers = #tpu.dot_dimension_numbers<[1], [1], [0], [0], [0, 0, 1, 0], [], []>, transpose_lhs_hint = false} : vector<256x64xf32>, vector<1024x64xf32>, vector<256x1024xf32> -> vector<256x1024xf32>
    %mul3A_15 = arith.constant 2.000000e+00 : f32
    %mul3A_16 = vector.broadcast %mul3A_15 : f32 to vector<256x1024xf32>
    %mul3A_17 = arith.mulf %mul3A_16, %dot_general3A_14 : vector<256x1024xf32>
    %sub3A_18 = vector.broadcast %broadcast_in_dim3A_13 : vector<256x1xf32> to vector<256x1024xf32>
    %sub3A_19 = arith.subf %sub3A_18, %mul3A_17 : vector<256x1024xf32>
    %add3A = vector.broadcast %broadcast_in_dim3A : vector<1x1024xf32> to vector<256x1024xf32>
    %add3A_20 = arith.addf %sub3A_19, %add3A : vector<256x1024xf32>
    %reduce_min3A = arith.constant dense<0x7F800000> : vector<256xf32>
    %reduce_min3A_21 = vector.multi_reduction <minimumf>, %add3A_20, %reduce_min3A [1] : vector<256x1024xf32> to vector<256xf32>
    %broadcast_in_dim3A_22 = vector.shape_cast %reduce_min3A_21 : vector<256xf32> to vector<256x1xf32>
    %eq3A_23 = vector.broadcast %broadcast_in_dim3A_22 : vector<256x1xf32> to vector<256x1024xf32>
    %eq3A_24 = arith.cmpf oeq, %add3A_20, %eq3A_23 : vector<256x1024xf32>
    %jit3A = arith.constant 1024 : i32
    %broadcast_in_dim3A_25 = vector.shape_cast %iota3A : vector<1x1024xi32> to vector<1x1024xi32>
    %broadcast_in_dim3A_26 = vector.broadcast %broadcast_in_dim3A_25 : vector<1x1024xi32> to vector<256x1024xi32>
    %broadcast_in_dim3A_27 = vector.broadcast %jit3A : i32 to vector<256x1024xi32>
    %select_n3A = arith.select %eq3A_24, %broadcast_in_dim3A_26, %broadcast_in_dim3A_27 : vector<256x1024xi1>, vector<256x1024xi32>
    %reduce_min3A_28 = arith.constant dense<2147483647> : vector<256xi32>
    %reduce_min3A_29 = vector.multi_reduction <minsi>, %select_n3A, %reduce_min3A_28 [1] : vector<256x1024xi32> to vector<256xi32>
    %swap3A = arith.constant 0 : index
    %swap3A_30 = vector.load %arg4[%swap3A] : memref<256xi32, #tpu.memory_space<vmem>>, vector<256xi32>
    tpu.vector_store %arg4[%swap3A], %reduce_min3A_29 {strides = array<i32>} : memref<256xi32, #tpu.memory_space<vmem>>, vector<256xi32>,
    %swap3A_31 = arith.constant 0 : index
    %swap3A_32 = arith.constant 0 : index
    %swap3A_33 = vector.load %arg5[%swap3A_31, %swap3A_32] : memref<256x64xf32, #tpu.memory_space<vmem>>, vector<256x64xf32>
    tpu.vector_store %arg5[%swap3A_31, %swap3A_32], %sub3A {strides = array<i32>} : memref<256x64xf32, #tpu.memory_space<vmem>>, vector<256x64xf32>,
    return
  }
  func.func @transform_0(%arg0: i32) -> (i32, i32) {
    %c0_i32 = arith.constant 0 : i32
    %c0_i32_0 = arith.constant 0 : i32
    return %arg0, %c0_i32 : i32, i32
  }
  func.func @transform_1(%arg0: i32) -> (i32, i32) {
    %c0_i32 = arith.constant 0 : i32
    %c0_i32_0 = arith.constant 0 : i32
    return %arg0, %c0_i32 : i32, i32
  }
  func.func @transform_2(%arg0: i32) -> (i32, i32) {
    %c0_i32 = arith.constant 0 : i32
    %c0_i32_0 = arith.constant 0 : i32
    %c0_i32_1 = arith.constant 0 : i32
    return %c0_i32, %c0_i32_0 : i32, i32
  }
  func.func @transform_3(%arg0: i32) -> i32 {
    %c0_i32 = arith.constant 0 : i32
    return %arg0 : i32
  }
  func.func @transform_4(%arg0: i32) -> (i32, i32) {
    %c0_i32 = arith.constant 0 : i32
    %c0_i32_0 = arith.constant 0 : i32
    return %arg0, %c0_i32 : i32, i32
  }
}

module attributes {stable_mosaic.version = 14 : i64} {
  func.func @_zq_body(%arg0: i32, %arg1: memref<1024x128xf32, #tpu.memory_space<vmem>>, %arg2: memref<1024x128xf32, #tpu.memory_space<vmem>>, %arg3: memref<1024x128xf32, #tpu.memory_space<vmem>>, %arg4: memref<1024x128xf32, #tpu.memory_space<vmem>>, %arg5: memref<1024x64xf32, #tpu.memory_space<vmem>>) attributes {dimension_semantics = [#tpu.dimension_semantics<arbitrary>], iteration_bounds = array<i64: 32>, scalar_prefetch = 0 : i64, scratch_operands = 0 : i64, tpu.core_type = #tpu.core_type<tc>, window_params = [{transform_indices = @transform_0, window_bounds = array<i64: 1024, 128>}, {transform_indices = @transform_1, window_bounds = array<i64: 1024, 128>}, {transform_indices = @transform_2, window_bounds = array<i64: 1024, 128>}, {transform_indices = @transform_3, window_bounds = array<i64: 1024, 128>}, {transform_indices = @transform_4, window_bounds = array<i64: 1024, 64>}]} {
    %get3A = arith.constant 0 : index
    %get3A_0 = arith.constant 0 : index
    %get3A_1 = vector.load %arg1[%get3A, %get3A_0] : memref<1024x128xf32, #tpu.memory_space<vmem>>, vector<1024x64xf32>
    %get3A_2 = arith.constant 0 : index
    %get3A_3 = arith.constant 0 : index
    %get3A_4 = vector.load %arg2[%get3A_2, %get3A_3] : memref<1024x128xf32, #tpu.memory_space<vmem>>, vector<1024x64xf32>
    %add3A = arith.addf %get3A_1, %get3A_4 : vector<1024x64xf32>
    %get3A_5 = arith.constant 0 : index
    %get3A_6 = arith.constant 0 : index
    %get3A_7 = vector.load %arg3[%get3A_5, %get3A_6] : memref<1024x128xf32, #tpu.memory_space<vmem>>, vector<1024x64xf32>
    %add3A_8 = arith.addf %add3A, %get3A_7 : vector<1024x64xf32>
    %get3A_9 = arith.constant 0 : index
    %get3A_10 = arith.constant 0 : index
    %get3A_11 = vector.load %arg4[%get3A_9, %get3A_10] : memref<1024x128xf32, #tpu.memory_space<vmem>>, vector<1024x64xf32>
    %add3A_12 = arith.addf %add3A_8, %get3A_11 : vector<1024x64xf32>
    %swap3A = arith.constant 0 : index
    %swap3A_13 = arith.constant 0 : index
    %swap3A_14 = vector.load %arg5[%swap3A, %swap3A_13] : memref<1024x64xf32, #tpu.memory_space<vmem>>, vector<1024x64xf32>
    tpu.vector_store %arg5[%swap3A, %swap3A_13], %add3A_12 {strides = array<i32>} : memref<1024x64xf32, #tpu.memory_space<vmem>>, vector<1024x64xf32>,
    return
  }
  func.func @transform_0(%arg0: i32) -> (i32, i32) {
    %c0_i32 = arith.constant 0 : i32
    %c0_i32_0 = arith.constant 0 : i32
    return %arg0, %c0_i32 : i32, i32
  }
  func.func @transform_1(%arg0: i32) -> (i32, i32) {
    %c0_i32 = arith.constant 0 : i32
    %c0_i32_0 = arith.constant 0 : i32
    return %arg0, %c0_i32 : i32, i32
  }
  func.func @transform_2(%arg0: i32) -> (i32, i32) {
    %c0_i32 = arith.constant 0 : i32
    %c0_i32_0 = arith.constant 0 : i32
    return %arg0, %c0_i32 : i32, i32
  }
  func.func @transform_3(%arg0: i32) -> (i32, i32) {
    %c0_i32 = arith.constant 0 : i32
    %c0_i32_0 = arith.constant 0 : i32
    return %arg0, %c0_i32 : i32, i32
  }
  func.func @transform_4(%arg0: i32) -> (i32, i32) {
    %c0_i32 = arith.constant 0 : i32
    %c0_i32_0 = arith.constant 0 : i32
    return %arg0, %c0_i32 : i32, i32
  }
}

</mosaic_0001>

<sc_bundles>
// kernel: kernel.11.cloned.1.call-start
scs
__scs_entry_jumppad:
0x0: {  	(pc) =	sbr.rel $0x88, $3  }
0x1: {  	(tag) =	ssettag $0x0;
	lr =	simm.s32 $0x1  }
0x2: {  	[smem:$0x3F9C] =	sst lr;
	_ =	strace $0xD0000000  }
0x3: {  	_ = 	snop  }
0x4: {  	_ = 	snop  }
0x5: {  	_ = 	snop  }
0x6: {  	_ = 	snop  }
0x7: {  	_ = 	snop  }
__scs_overlays_trampoline_lowered:
0x8: {  	[smem:$0x3FAB] =	sst s0  }
0x9: {  	[smem:$0x3FAC] =	sst s1  }
0xa: {  	[smem:$0x3FAD] =	sst s2  }
0xb: {  	[smem:$0x3FAE] =	sst s3  }
0xc: {  	[smem:$0x3FAF] =	sst s4  }
0xd: {  	[smem:$0x3FB0] =	sst s5  }
0xe: {  	[smem:$0x3FB1] =	sst s6  }
0xf: {  	[smem:$0x3FB2] =	sst s7  }
0x10: {  	[smem:$0x3FB3] =	sst s8  }
0x11: {  	[smem:$0x3FB4] =	sst s9;
	s0 =	simm.s32 @!p0 $0x0  }
0x12: {  	s1 =	sld [smem:$0x3F9A];
	s0 =	simm.s32 @p0 $0x1  }
0x13: {  	[smem:$0x3FB5] =	sst s0;
	s0 =	simm.s32 @!p1 $0x0  }
0x14: {  	s2 =	sld [smem:$0x3F99];
	s0 =	simm.s32 @p1 $0x1  }
0x15: {  	[smem:$0x3FB6] =	sst s0;
	s0 =	simm.s32 @!p2 $0x0  }
0x16: {  	s3 =	sld [smem:$0x3FDB];
	s0 =	simm.s32 @p2 $0x1  }
0x17: {  	s4 =	simm.s32 $0x1BF5;
	[smem:$0x3FB8] =	sst s0  }
0x18: {  	s0 =	sld [smem:$0x3F9B];
	_ =	swait.ge [sflag:s4], $0x0  }
0x19: {  	s7 =	sld [smem:$0x3F9C]  }
0x1a: {  	s8 =	sadd.s32 $0xFFFFE003, lr  }
0x1b: {  	s9 =	sadd.s32 $0xFFFFFEF7, lr;
	s5 =	simm.s32 $0xFFFFFFFF;
	p2 =	slt.u32 s8, $0xFFFFF086  }
0x1c: {  	p1 =	slt.u32 s9, $0xF7A;
	s5 =	simm.s32 @!p2 $0x0  }
0x1d: {  	s5 =	simm.s32 @p1 $0x1;
	p0 =	seq.s32 s7, s2  }
0x1e: {  	s7 =	smul.u32 @!p0 $0xF7A, s2;
	p2 =	seq.s32 @!p0 s5, $0x0  }
0x1f: {  	s9 =	smul.u32 $0xF7A, s1;
	s8 =	simm.s32 @!p0 $0x1BF5;
	p2 =	por !p2, p0  }
0x20: {  	[sflag:s8] =	ssyncset.s32 @!p0 $0xFFFFF086;
	s6 =	sadd.s32 @!p0 s3, s7;
	s7 =	simm.s32 @!p0 $0x108  }
0x21: {  	s3 =	sadd.s32 s3, s9;
	s6 =	sadd.s32 @!p0 $0x88, s6;
	s7 =	simm.s32 @p2 $0x1082  }
0x22: {  	[simem:s7], [sflag:s8] =	dma.local @!p0 [hbm:s6], $0xF7A  }
0x23: {  	s9 =	sor.u32 $0xD0000000, s2;
	s6 =	simm.s32 $0x108;
	_ =	swait.ge @!p0 [sflag:s8], $0x0  }
0x24: {  	s3 =	sadd.s32 $0x88, s3;
	s6 =	simm.s32 @!p1 $0x1082;
	[sflag:s4] =	ssyncset.s32 $0xFFFFF086  }
0x25: {  	[simem:s6], [sflag:s4] =	dma.local [hbm:s3], $0xF7A  }
0x26: {  	[smem:$0x3F9C] =	sst s1;
	(tag) =	ssettag s2;
	_ =	strace s9  }
0x27: {  	s1 =	sld [smem:$0x3FAC]  }
0x28: {  	s2 =	sld [smem:$0x3FAD]  }
0x29: {  	s4 =	sld [smem:$0x3FAF]  }
0x2a: {  	p0 =	seq.s32 s5, $0x0;
	s5 =	sld [smem:$0x3FB0]  }
0x2b: {  	s6 =	sld [smem:$0x3FB1]  }
0x2c: {  	s7 =	sld [smem:$0x3FB2]  }
0x2d: {  	s3 =	simm.s32 $0x108;
	s8 =	sld [smem:$0x3FB3]  }
0x2e: {  	s3 =	simm.s32 @!p0 $0x1082;
	s9 =	sld [smem:$0x3FB4]  }
0x2f: {  	lr =	sadd.s32 s0, s3;
	s0 =	sld [smem:$0x3FAB]  }
0x30: {  	s3 =	sld [smem:$0x3FAE]  }
0x31: {  	[smem:$0x3FB7] =	sst s10  }
0x32: {  	s10 =	sld [smem:$0x3FB5];
	_ =	sdelay $0x3  }
0x33: {  	p0 =	seq.s32 s10, $0x1;
	s10 =	sld [smem:$0x3FB7];
	_ =	sdelay $0x3  }
0x34: {  	[smem:$0x3FB7] =	sst s10  }
0x35: {  	s10 =	sld [smem:$0x3FB6];
	_ =	sdelay $0x3  }
0x36: {  	p1 =	seq.s32 s10, $0x1;
	s10 =	sld [smem:$0x3FB7];
	_ =	sdelay $0x3  }
0x37: {  	[smem:$0x3FB7] =	sst s10  }
0x38: {  	s10 =	sld [smem:$0x3FB8]  }
0x39: {  	_ = 	snop;
	(pc) =	sbr.ind lr, $3  }
0x3a: {  	_ = 	snop  }
0x3b: {  	_ = 	snop  }
0x3c: {  	p2 =	seq.s32 s10, $0x1;
	s10 =	sld [smem:$0x3FB7]  }
0x3d: {  	_ =	shalt  }
0x3e: {  	_ =	shalt  }
0x3f: {  	_ =	shalt  }
0x40: {  	_ =	shalt  }
0x41: {  	_ =	shalt  }
0x42: {  	_ =	shalt  }
0x43: {  	_ =	shalt  }
0x44: {  	_ =	shalt  }
0x45: {  	_ =	shalt  }
0x46: {  	_ =	shalt  }
0x47: {  	_ =	shalt  }
0x48: {  	_ =	shalt  }
0x49: {  	_ =	shalt  }
0x4a: {  	_ =	shalt  }
0x4b: {  	_ =	shalt  }
0x4c: {  	_ =	shalt  }
0x4d: {  	_ =	shalt  }
0x4e: {  	_ =	shalt  }
0x4f: {  	_ =	shalt  }
0x50: {  	_ =	shalt  }
0x51: {  	_ =	shalt  }
0x52: {  	_ =	shalt  }
0x53: {  	_ =	shalt  }
0x54: {  	_ =	shalt  }
0x55: {  	_ =	shalt  }
0x56: {  	_ =	shalt  }
0x57: {  	_ =	shalt  }
0x58: {  	_ =	shalt  }
0x59: {  	_ =	shalt  }
0x5a: {  	_ =	shalt  }
0x5b: {  	_ =	shalt  }
0x5c: {  	_ =	shalt  }
0x5d: {  	_ =	shalt  }
0x5e: {  	_ =	shalt  }
0x5f: {  	_ =	shalt  }
0x60: {  	_ =	shalt  }
0x61: {  	_ =	shalt  }
0x62: {  	_ =	shalt  }
0x63: {  	_ =	shalt  }
0x64: {  	_ =	shalt  }
0x65: {  	_ =	shalt  }
0x66: {  	_ =	shalt  }
0x67: {  	_ =	shalt  }
0x68: {  	_ =	shalt  }
0x69: {  	_ =	shalt  }
0x6a: {  	_ =	shalt  }
0x6b: {  	_ =	shalt  }
0x6c: {  	_ =	shalt  }
0x6d: {  	_ =	shalt  }
0x6e: {  	_ =	shalt  }
0x6f: {  	_ =	shalt  }
0x70: {  	_ =	shalt  }
0x71: {  	_ =	shalt  }
0x72: {  	_ =	shalt  }
0x73: {  	_ =	shalt  }
0x74: {  	_ =	shalt  }
0x75: {  	_ =	shalt  }
0x76: {  	_ =	shalt  }
0x77: {  	_ =	shalt  }
0x78: {  	_ =	shalt  }
0x79: {  	_ =	shalt  }
0x7a: {  	_ =	shalt  }
0x7b: {  	_ =	shalt  }
0x7c: {  	_ =	shalt  }
0x7d: {  	_ =	shalt  }
0x7e: {  	_ =	shalt  }
0x7f: {  	_ =	shalt  }
0x80: {  	_ =	shalt  }
0x81: {  	_ =	shalt  }
0x82: {  	_ =	shalt  }
0x83: {  	_ =	shalt  }
0x84: {  	_ =	shalt  }
0x85: {  	_ =	shalt  }
0x86: {  	_ =	shalt  }
0x87: {  	_ =	shalt  }
.Lfunc_end0:
.L_simem_size_0:
called_computation.2_lowered:
.L_overlay_start_0:
0x88: {  	s2 =	sld [smem:$0x3FD9]  }
0x89: {  	s3 =	sld [smem:$0x3FFE];
	_ =	sdelay $0x1  }
0x8a: {  	s1 =	srdreg.scid  }
0x8b: {  	s0 =	sand.u32 $0x1, s1  }
0x8c: {  	s14 =	sshll.u32 s0, $0xA;
	s2 =	sadd.s32 s3, s2  }
0x8d: {  	s2 =	sadd.s32 s2, s14  }
0x8e: {  	[smem:$0x3FC3] =	sst s2  }
0x8f: {  	_ = 	snop  }
0x90: {  	s2 =	sld [smem:$0x3FD0];
	_ =	sdelay $0x2  }
0x91: {  	s15 =	simm.s32 $0xB;
	s4 =	simm.s32 $0x10  }
0x92: {  	[smem:s4], [sflag:s15] =	dma.local [hbm:s2], $0x1  }
0x93: {  	_ =	swait.eq [sflag:s15], $0x1  }
0x94: {  	[sflag:s15] =	ssyncset.done $0x0  }
0x95: {  	[sflag:s15] =	ssyncadd.s32 $0xFFFFFFFF  }
0x96: {  	s16 =	sld [smem:$0x11];
	(tm) =	ssettm $0x1  }
0x97: {  	s17 =	sld [smem:$0x3FFB];
	_ =	sdelay $0x3  }
0x98: {  	_ =	strace s17  }
0x99: {  	s3 =	sld [smem:$0x3FFC];
	_ =	sdelay $0x3  }
0x9a: {  	_ =	strace s3  }
0x9b: {  	s3 =	sld [smem:$0x3FFD];
	_ =	sdelay $0x3  }
0x9c: {  	_ =	strace s3  }
0x9d: {  	_ =	strace $0x8FFFFFFF  }
0x9e: {  	s18 =	sld [smem:$0x3FDB];
	_ =	sdelay $0x1  }
0x9f: {  	s19 =	simm.s32 $_scs_section_size  }
0xa0: {  	s5 =	simm.s32 $_size__tile_overlayer_lowered;
	s6 =	simm.s32 $_tile_overlayer_lowered  }
0xa1: {  	s22 =	simm.s32 $0x1BFF;
	s21 =	sshll.u32 s6, $0x1;
	s3 =	sadd.s32 s19, s18  }
0xa2: {  	s7 =	simm.s32 $0x0;
	s20 =	sshll.u32 s5, $0x1;
	s5 =	sadd.s32 s21, s3  }
0xa3: {  	[timem:s7], [sflag:s22] =	dma.local [hbm:s5], s20  }
0xa4: {  	_ =	swait.ge [sflag:s22], s20  }
0xa5: {  	s4 =	ssub.s32 $0x0, s20;
	[sflag:s22] =	ssyncset.done $0x0  }
0xa6: {  	[sflag:s22] =	ssyncadd.s32 s4;
	_ =	sdelay $0x1  }
0xa7: {  	s23 =	simm.s32 $0x1B8B  }
0xa8: {  	_ =	swait.ge [sflag:s23], $0x1  }
0xa9: {  	[sflag:s23] =	ssyncset.done $0x0  }
0xaa: {  	s25 =	simm.s32 $0x1B8E;
	s24 =	sld [smem:$0x3FFE];
	[sflag:s23] =	ssyncadd.s32 $0xFFFFFFFF  }
0xab: {  	s26 =	simm.s32 $execute0_lowered;
	[smem:$0x3FD2] =	sst s25  }
0xac: {  	s5 =	sshll.u32 s26, $0x1;
	_ =	strace $0x80000046;
	[dreg:$0x1] =	wrdreg $0xFFFFFFFF  }
0xad: {  	s28 =	simm.s32 $_size_execute0_lowered;
	s3 =	sadd.s32 s3, s5;
	[dreg:$0x0] =	wrdreg $0x0  }
0xae: {  	s5 =	sshll.u32 s28, $0x1;
	[dreg:$0x2] =	wrdreg s3  }
0xaf: {  	[dreg:$0x3] =	wrdreg s5  }
0xb0: {  	[dreg:$0x4] =	wrdreg $0xC0  }
0xb1: {  	_ =	task [dreg:s7], $0x5FFFF  }
0xb2: {  	[dreg:$0x1] =	wrdreg $0xFFFFFFFF  }
0xb3: {  	[dreg:$0x0] =	wrdreg $0x60  }
0xb4: {  	[dreg:$0x2] =	wrdreg s16  }
0xb5: {  	[dreg:$0x3] =	wrdreg s24  }
0xb6: {  	[dreg:$0x4] =	wrdreg $0x9  }
0xb7: {  	_ =	task.clear_ibuf [dreg:s7], $0x5FFFF;
	_ =	strace $0x90000046  }
0xb8: {  	s29 =	simm.s32 $0x9;
	_ =	strace $0x80000048  }
0xb9: {  	_ =	swait.ge [sflag:s29], $0x1  }
0xba: {  	[sflag:s29] =	ssyncadd.s32 $0xFFFFFFFF  }
0xbb: {  	_ =	strace $0x90000048  }
0xbc: {  	_ =	sfence  }
0xbd: {  	s30 =	sld [smem:$0x0];
	_ =	sdelay $0x2  }
0xbe: {  	s31 =	sshll.u32 s1, $0xD;
	s1 =	sshrl.u32 s1, $0x2  }
0xbf: {  	s3 =	sand.u32 $0x4000, s31;
	s1 =	sadd.s32 s1, s30  }
0xc0: {  	s0 =	sor.u32 s3, s0;
	s1 =	sshll.u32 s1, $0x11  }
0xc1: {  	s0 =	sor.u32 s1, s0  }
0xc2: {  	s0 =	sadd.s32 $0x8F2B, s0  }
0xc3: {  	[sflag:s0] =	ssyncadd.remote.s32 $0x1  }
0xc4: {  	_ =	sfence.sel $0xFFFF  }
0xc5: {  	[dreg:$0x0] =	wrdreg $0xFFFFFFFF;
	(pc) =	sbr.abs _section_cstart, $3  }
0xc6: {  	[dreg:$0x1] =	wrdreg $0xFFFFFFFF  }
0xc7: {  	_ =	task.clear_ibuf [dreg:s7], $0x2FFFF;
	_ =	strace $0x9FFFFFFF  }
0xc8: {  	(tm) =	ssettm $0x7FFFFFFF  }
0xc9: {  	_ =	shalt  }
tec
execute0_lowered:
.L_overlay_start_1:
0x0: {  	(tag) =	ssettag $0x1  }
0x1: {  	s1 =	srdreg.scid;
	s0 =	stileid.u32  }
0x2: {  	s2 =	rddreg [dreg:$0x0];
	s19 =	sand.u32 $0x1, s1;
	s30 =	sshll.u32 s0, $0x1  }
0x3: {  	s14 =	rddreg [dreg:$0x1];
	s15 =	sor.u32 s19, s30  }
0x4: {  	s3 =	simm.s32 $0x0;
	s1 =	rddreg [dreg:$0x2];
	s4 =	sshll.u32 s15, $0x7  }
0x5: {  	[smem:$0x7FF] =	sst s3;
	s4 =	sadd.s32 s4, s14  }
0x6: {  	_ =	strace $0x80000047;
	s5 =	sadd.s32 $0x6400, s4;
	s4 =	simm.s32 $0x2  }
0x7: {  	[tilespmem:s3], [sflag:$0x2] =	stream.linear.gather [hbm4b:s5+s3], $0x400, $0x38;
	[tilespmem:$0x10400] =	vst v63  }
0x8: {  	_ =	swait.ge [sflag:s4], $0x400  }
0x9: {  	[sflag:s4] =	ssyncset.done $0x0  }
0xa: {  	s6 =	simm.s32 $0x80;
	s7 =	simm.s32 $0x400;
	[sflag:s4] =	ssyncadd.s32 $0xFFFFFC00  }
0xb: {  	[tilespmem:s7], [sflag:$0x1] =	stream.indirect.gather [hbm4b:s2+s6], $0x80, s3, s6, $0xb8;
	[tilespmem:$0x10400] =	vst v63  }
0xc: {  	s8 =	simm.s32 $0x4400  }
0xd: {  	[tilespmem:s8], [sflag:$0x1] =	stream.indirect.gather [hbm4b:s2+s6], $0x80, s6, s6, $0xb8;
	[tilespmem:$0x10400] =	vst v63  }
0xe: {  	s9 =	simm.s32 $0x100;
	s10 =	simm.s32 $0x8400  }
0xf: {  	[tilespmem:s10], [sflag:$0x1] =	stream.indirect.gather [hbm4b:s2+s6], $0x80, s9, s6, $0xb8;
	[tilespmem:$0x10400] =	vst v63  }
0x10: {  	s11 =	simm.s32 $0x180;
	s12 =	simm.s32 $0xC400;
	s13 =	simm.s32 $0x1  }
0x11: {  	[tilespmem:s12], [sflag:$0x1] =	stream.indirect.gather [hbm4b:s2+s6], $0x80, s11, s6, $0xb8;
	[tilespmem:$0x10400] =	vst v63  }
0x12: {  	_ =	swait.ge [sflag:s13], $0x4000  }
0x13: {  	[sflag:s13] =	ssyncset.done $0x0  }
0x14: {  	[sflag:s13] =	ssyncadd.s32 $0xFFFFC000  }
0x15: {  	_ =	swait.ge [sflag:s13], $0x4000  }
0x16: {  	[sflag:s13] =	ssyncset.done $0x0  }
0x17: {  	[sflag:s13] =	ssyncadd.s32 $0xFFFFC000  }
0x18: {  	_ =	swait.ge [sflag:s13], $0x4000  }
0x19: {  	[sflag:s13] =	ssyncset.done $0x0  }
0x1a: {  	[sflag:s13] =	ssyncadd.s32 $0xFFFFC000  }
0x1b: {  	s15 =	sshll.u32 s15, $0xE;
	_ =	swait.ge [sflag:s13], $0x4000  }
0x1c: {  	s20 =	sadd.s32 s15, s14;
	[sflag:s13] =	ssyncset.done $0x0  }
0x1d: {  	s14 =	sadd.s32 $0x7400, s20;
	[sflag:s13] =	ssyncadd.s32 $0xFFFFC000  }
0x1e: {  	[hbm4b:s14+s3] =	stream.linear.scatter [tilespmem:s7], [sflag:$0x2], $0x10000, $0x38;
	[tilespmem:$0x10400] =	vst v63  }
0x1f: {  	_ =	swait.ge [sflag:s4], $0x10000  }
0x20: {  	[sflag:s4] =	ssyncset.done $0x0  }
0x21: {  	s15 =	simm.s32 $0x200;
	[sflag:s4] =	ssyncadd.s32 $0xFFFF0000  }
0x22: {  	[tilespmem:s7], [sflag:$0x1] =	stream.indirect.gather [hbm4b:s2+s6], $0x80, s15, s6, $0xb8;
	[tilespmem:$0x10400] =	vst v63  }
0x23: {  	s16 =	simm.s32 $0x280  }
0x24: {  	[tilespmem:s8], [sflag:$0x1] =	stream.indirect.gather [hbm4b:s2+s6], $0x80, s16, s6, $0xb8;
	[tilespmem:$0x10400] =	vst v63  }
0x25: {  	s17 =	simm.s32 $0x300  }
0x26: {  	[tilespmem:s10], [sflag:$0x1] =	stream.indirect.gather [hbm4b:s2+s6], $0x80, s17, s6, $0xb8;
	[tilespmem:$0x10400] =	vst v63  }
0x27: {  	s18 =	simm.s32 $0x380  }
0x28: {  	[tilespmem:s12], [sflag:$0x1] =	stream.indirect.gather [hbm4b:s2+s6], $0x80, s18, s6, $0xb8;
	[tilespmem:$0x10400] =	vst v63  }
0x29: {  	_ =	swait.ge [sflag:s13], $0x4000  }
0x2a: {  	[sflag:s13] =	ssyncset.done $0x0  }
0x2b: {  	[sflag:s13] =	ssyncadd.s32 $0xFFFFC000  }
0x2c: {  	_ =	swait.ge [sflag:s13], $0x4000  }
0x2d: {  	[sflag:s13] =	ssyncset.done $0x0  }
0x2e: {  	s19 =	ssub.s32 $0x2, s19;
	[sflag:s13] =	ssyncadd.s32 $0xFFFFC000  }
0x2f: {  	s21 =	sshrl.u32 s19, $0x1;
	_ =	swait.ge [sflag:s13], $0x4000  }
0x30: {  	s21 =	ssub.s32 s19, s21;
	[sflag:s13] =	ssyncset.done $0x0  }
0x31: {  	s31 =	smax.u32 s21, $0x1;
	[sflag:s13] =	ssyncadd.s32 $0xFFFFC000  }
0x32: {  	p0 =	sne.s32 s31, $0x1;
	_ =	swait.ge [sflag:s13], $0x4000  }
.Ltmp0:
0x33: {  	[sflag:s13] =	ssyncset.done $0x0;
	(pc) =	sbr.rel @!p0 .LBB2_2-.Ltmp0, $4  }
0x34: {  	s19 =	sadd.s32 $0x9400, s20;
	[sflag:s13] =	ssyncadd.s32 $0xFFFFC000  }
0x35: {  	[hbm4b:s19+s3] =	stream.linear.scatter [tilespmem:s7], [sflag:$0x2], $0x10000, $0x38;
	[tilespmem:$0x10400] =	vst v63  }
0x36: {  	_ =	swait.ge [sflag:s4], $0x10000  }
0x37: {  	s20 =	sadd.s32 $0xFFFFFFFF, s31;
	[sflag:s4] =	ssyncset.done $0x0  }
.LBB2_1:
0x38: {  	p0 =	sne.s32 s20, $0x1;
	s20 =	sadd.s32 $0xFFFFFFFF, s20;
	[sflag:s4] =	ssyncadd.s32 $0xFFFF0000  }
0x39: {  	[tilespmem:s3], [sflag:$0x2] =	stream.linear.gather [hbm4b:s5+s3], $0x400, $0x38;
	[tilespmem:$0x10400] =	vst v63  }
0x3a: {  	_ =	swait.ge [sflag:s4], $0x400  }
0x3b: {  	[sflag:s4] =	ssyncset.done $0x0  }
0x3c: {  	[sflag:s4] =	ssyncadd.s32 $0xFFFFFC00  }
0x3d: {  	[tilespmem:s7], [sflag:$0x1] =	stream.indirect.gather [hbm4b:s2+s6], $0x80, s3, s6, $0xb8;
	[tilespmem:$0x10400] =	vst v63  }
0x3e: {  	_ = 	snop  }
0x3f: {  	[tilespmem:s8], [sflag:$0x1] =	stream.indirect.gather [hbm4b:s2+s6], $0x80, s6, s6, $0xb8;
	[tilespmem:$0x10400] =	vst v63  }
0x40: {  	_ = 	snop  }
0x41: {  	[tilespmem:s10], [sflag:$0x1] =	stream.indirect.gather [hbm4b:s2+s6], $0x80, s9, s6, $0xb8;
	[tilespmem:$0x10400] =	vst v63  }
0x42: {  	_ = 	snop  }
0x43: {  	[tilespmem:s12], [sflag:$0x1] =	stream.indirect.gather [hbm4b:s2+s6], $0x80, s11, s6, $0xb8;
	[tilespmem:$0x10400] =	vst v63  }
0x44: {  	_ =	swait.ge [sflag:s13], $0x4000  }
0x45: {  	[sflag:s13] =	ssyncset.done $0x0  }
0x46: {  	[sflag:s13] =	ssyncadd.s32 $0xFFFFC000  }
0x47: {  	_ =	swait.ge [sflag:s13], $0x4000  }
0x48: {  	[sflag:s13] =	ssyncset.done $0x0  }
0x49: {  	[sflag:s13] =	ssyncadd.s32 $0xFFFFC000  }
0x4a: {  	_ =	swait.ge [sflag:s13], $0x4000  }
0x4b: {  	[sflag:s13] =	ssyncset.done $0x0  }
0x4c: {  	[sflag:s13] =	ssyncadd.s32 $0xFFFFC000  }
0x4d: {  	_ =	swait.ge [sflag:s13], $0x4000  }
0x4e: {  	[sflag:s13] =	ssyncset.done $0x0  }
0x4f: {  	[sflag:s13] =	ssyncadd.s32 $0xFFFFC000  }
0x50: {  	[hbm4b:s14+s3] =	stream.linear.scatter [tilespmem:s7], [sflag:$0x2], $0x10000, $0x38;
	[tilespmem:$0x10400] =	vst v63  }
0x51: {  	_ =	swait.ge [sflag:s4], $0x10000  }
0x52: {  	[sflag:s4] =	ssyncset.done $0x0  }
0x53: {  	[sflag:s4] =	ssyncadd.s32 $0xFFFF0000  }
0x54: {  	[tilespmem:s7], [sflag:$0x1] =	stream.indirect.gather [hbm4b:s2+s6], $0x80, s15, s6, $0xb8;
	[tilespmem:$0x10400] =	vst v63  }
0x55: {  	_ = 	snop  }
0x56: {  	[tilespmem:s8], [sflag:$0x1] =	stream.indirect.gather [hbm4b:s2+s6], $0x80, s16, s6, $0xb8;
	[tilespmem:$0x10400] =	vst v63  }
0x57: {  	_ = 	snop  }
0x58: {  	[tilespmem:s10], [sflag:$0x1] =	stream.indirect.gather [hbm4b:s2+s6], $0x80, s17, s6, $0xb8;
	[tilespmem:$0x10400] =	vst v63  }
0x59: {  	_ = 	snop  }
0x5a: {  	[tilespmem:s12], [sflag:$0x1] =	stream.indirect.gather [hbm4b:s2+s6], $0x80, s18, s6, $0xb8;
	[tilespmem:$0x10400] =	vst v63  }
0x5b: {  	_ =	swait.ge [sflag:s13], $0x4000  }
0x5c: {  	[sflag:s13] =	ssyncset.done $0x0  }
0x5d: {  	[sflag:s13] =	ssyncadd.s32 $0xFFFFC000  }
0x5e: {  	_ =	swait.ge [sflag:s13], $0x4000  }
0x5f: {  	[sflag:s13] =	ssyncset.done $0x0  }
0x60: {  	[sflag:s13] =	ssyncadd.s32 $0xFFFFC000  }
0x61: {  	_ =	swait.ge [sflag:s13], $0x4000  }
0x62: {  	[sflag:s13] =	ssyncset.done $0x0  }
0x63: {  	[sflag:s13] =	ssyncadd.s32 $0xFFFFC000  }
0x64: {  	_ =	swait.ge [sflag:s13], $0x4000  }
.Ltmp1:
0x65: {  	[sflag:s13] =	ssyncset.done $0x0;
	(pc) =	sbr.rel @p0 .LBB2_1-.Ltmp1, $4  }
0x66: {  	[sflag:s13] =	ssyncadd.s32 $0xFFFFC000  }
0x67: {  	[hbm4b:s19+s3] =	stream.linear.scatter [tilespmem:s7], [sflag:$0x2], $0x10000, $0x38;
	[tilespmem:$0x10400] =	vst v63  }
0x68: {  	_ =	swait.ge [sflag:s4], $0x10000  }
0x69: {  	[sflag:s4] =	ssyncset.done $0x0  }
.LBB2_2:
0x6a: {  	[sflag:s4] =	ssyncadd.s32 $0xFFFF0000  }
0x6b: {  	_ =	sfence.sel $0x180000  }
0x6c: {  	[bflag:$0x0] =	sbarrier.arrive $0xFFFF  }
0x6d: {  	p0 =	sne.s32 s0, $0x0;
	_ =	strace $0x90000047  }
0x6e: {  	s0 =	sadd.s32 @!p0 $0x100000, s1;
	[bflag:$0x2] =	sbarrier.arrive $0xFFFF  }
0x6f: {  	[sflag:s0] =	ssyncadd.tile.s32 @!p0 $0x1;
	_ =	shalt  }
.Lfunc_end2:
_tile_overlayer_lowered:
.L_overlay_start_2:
0x70: {  	(tag) =	ssettag $0x2  }
0x71: {  	s0 =	rddreg [dreg:$0x0];
	s2 =	stileid.u32  }
0x72: {  	s1 =	rddreg [dreg:$0x1];
	p0 =	sne.s32 s2, $0x0  }
0x73: {  	s3 =	rddreg [dreg:$0x2];
	[bflag:$0x3] =	sbarrier.arrive $0xFFFF;
	s2 =	simm.s32 @!p0 $0x1C02  }
0x74: {  	[timem:s3], [sflag:s2] =	dma.local @!p0 [hbm:s0], s1  }
0x75: {  	s0 =	simm.s32 @!p0 $0x2  }
0x76: {  	_ =	swait.ge @!p0 [sflag:s0], s1  }
0x77: {  	s1 =	ssub.s32 @!p0 $0x0, s1;
	[sflag:s0] =	ssyncset.done @!p0 $0x0  }
0x78: {  	[sflag:s0] =	ssyncadd.s32 @!p0 s1  }
0x79: {  	[bflag:$0x3] =	sbarrier.arrive $0xFFFF  }
0x7a: {  	_ =	shalt  }

// kernel: kernel.14.cloned.1.call-start
scs
__scs_entry_jumppad:
0x0: {  	(pc) =	sbr.rel $0x88, $3  }
0x1: {  	(tag) =	ssettag $0x0;
	lr =	simm.s32 $0x1  }
0x2: {  	[smem:$0x3F9C] =	sst lr;
	_ =	strace $0xD0000000  }
0x3: {  	_ = 	snop  }
0x4: {  	_ = 	snop  }
0x5: {  	_ = 	snop  }
0x6: {  	_ = 	snop  }
0x7: {  	_ = 	snop  }
__scs_overlays_trampoline_lowered:
0x8: {  	[smem:$0x3FAB] =	sst s0  }
0x9: {  	[smem:$0x3FAC] =	sst s1  }
0xa: {  	[smem:$0x3FAD] =	sst s2  }
0xb: {  	[smem:$0x3FAE] =	sst s3  }
0xc: {  	[smem:$0x3FAF] =	sst s4  }
0xd: {  	[smem:$0x3FB0] =	sst s5  }
0xe: {  	[smem:$0x3FB1] =	sst s6  }
0xf: {  	[smem:$0x3FB2] =	sst s7  }
0x10: {  	[smem:$0x3FB3] =	sst s8  }
0x11: {  	[smem:$0x3FB4] =	sst s9;
	s0 =	simm.s32 @!p0 $0x0  }
0x12: {  	s1 =	sld [smem:$0x3F9A];
	s0 =	simm.s32 @p0 $0x1  }
0x13: {  	[smem:$0x3FB5] =	sst s0;
	s0 =	simm.s32 @!p1 $0x0  }
0x14: {  	s2 =	sld [smem:$0x3F99];
	s0 =	simm.s32 @p1 $0x1  }
0x15: {  	[smem:$0x3FB6] =	sst s0;
	s0 =	simm.s32 @!p2 $0x0  }
0x16: {  	s3 =	sld [smem:$0x3FDB];
	s0 =	simm.s32 @p2 $0x1  }
0x17: {  	s4 =	simm.s32 $0x1BF5;
	[smem:$0x3FB8] =	sst s0  }
0x18: {  	s0 =	sld [smem:$0x3F9B];
	_ =	swait.ge [sflag:s4], $0x0  }
0x19: {  	s7 =	sld [smem:$0x3F9C]  }
0x1a: {  	s8 =	sadd.s32 $0xFFFFE003, lr  }
0x1b: {  	s9 =	sadd.s32 $0xFFFFFEF7, lr;
	s5 =	simm.s32 $0xFFFFFFFF;
	p2 =	slt.u32 s8, $0xFFFFF086  }
0x1c: {  	p1 =	slt.u32 s9, $0xF7A;
	s5 =	simm.s32 @!p2 $0x0  }
0x1d: {  	s5 =	simm.s32 @p1 $0x1;
	p0 =	seq.s32 s7, s2  }
0x1e: {  	s7 =	smul.u32 @!p0 $0xF7A, s2;
	p2 =	seq.s32 @!p0 s5, $0x0  }
0x1f: {  	s9 =	smul.u32 $0xF7A, s1;
	s8 =	simm.s32 @!p0 $0x1BF5;
	p2 =	por !p2, p0  }
0x20: {  	[sflag:s8] =	ssyncset.s32 @!p0 $0xFFFFF086;
	s6 =	sadd.s32 @!p0 s3, s7;
	s7 =	simm.s32 @!p0 $0x108  }
0x21: {  	s3 =	sadd.s32 s3, s9;
	s6 =	sadd.s32 @!p0 $0x88, s6;
	s7 =	simm.s32 @p2 $0x1082  }
0x22: {  	[simem:s7], [sflag:s8] =	dma.local @!p0 [hbm:s6], $0xF7A  }
0x23: {  	s9 =	sor.u32 $0xD0000000, s2;
	s6 =	simm.s32 $0x108;
	_ =	swait.ge @!p0 [sflag:s8], $0x0  }
0x24: {  	s3 =	sadd.s32 $0x88, s3;
	s6 =	simm.s32 @!p1 $0x1082;
	[sflag:s4] =	ssyncset.s32 $0xFFFFF086  }
0x25: {  	[simem:s6], [sflag:s4] =	dma.local [hbm:s3], $0xF7A  }
0x26: {  	[smem:$0x3F9C] =	sst s1;
	(tag) =	ssettag s2;
	_ =	strace s9  }
0x27: {  	s1 =	sld [smem:$0x3FAC]  }
0x28: {  	s2 =	sld [smem:$0x3FAD]  }
0x29: {  	s4 =	sld [smem:$0x3FAF]  }
0x2a: {  	p0 =	seq.s32 s5, $0x0;
	s5 =	sld [smem:$0x3FB0]  }
0x2b: {  	s6 =	sld [smem:$0x3FB1]  }
0x2c: {  	s7 =	sld [smem:$0x3FB2]  }
0x2d: {  	s3 =	simm.s32 $0x108;
	s8 =	sld [smem:$0x3FB3]  }
0x2e: {  	s3 =	simm.s32 @!p0 $0x1082;
	s9 =	sld [smem:$0x3FB4]  }
0x2f: {  	lr =	sadd.s32 s0, s3;
	s0 =	sld [smem:$0x3FAB]  }
0x30: {  	s3 =	sld [smem:$0x3FAE]  }
0x31: {  	[smem:$0x3FB7] =	sst s10  }
0x32: {  	s10 =	sld [smem:$0x3FB5];
	_ =	sdelay $0x3  }
0x33: {  	p0 =	seq.s32 s10, $0x1;
	s10 =	sld [smem:$0x3FB7];
	_ =	sdelay $0x3  }
0x34: {  	[smem:$0x3FB7] =	sst s10  }
0x35: {  	s10 =	sld [smem:$0x3FB6];
	_ =	sdelay $0x3  }
0x36: {  	p1 =	seq.s32 s10, $0x1;
	s10 =	sld [smem:$0x3FB7];
	_ =	sdelay $0x3  }
0x37: {  	[smem:$0x3FB7] =	sst s10  }
0x38: {  	s10 =	sld [smem:$0x3FB8]  }
0x39: {  	_ = 	snop;
	(pc) =	sbr.ind lr, $3  }
0x3a: {  	_ = 	snop  }
0x3b: {  	_ = 	snop  }
0x3c: {  	p2 =	seq.s32 s10, $0x1;
	s10 =	sld [smem:$0x3FB7]  }
0x3d: {  	_ =	shalt  }
0x3e: {  	_ =	shalt  }
0x3f: {  	_ =	shalt  }
0x40: {  	_ =	shalt  }
0x41: {  	_ =	shalt  }
0x42: {  	_ =	shalt  }
0x43: {  	_ =	shalt  }
0x44: {  	_ =	shalt  }
0x45: {  	_ =	shalt  }
0x46: {  	_ =	shalt  }
0x47: {  	_ =	shalt  }
0x48: {  	_ =	shalt  }
0x49: {  	_ =	shalt  }
0x4a: {  	_ =	shalt  }
0x4b: {  	_ =	shalt  }
0x4c: {  	_ =	shalt  }
0x4d: {  	_ =	shalt  }
0x4e: {  	_ =	shalt  }
0x4f: {  	_ =	shalt  }
0x50: {  	_ =	shalt  }
0x51: {  	_ =	shalt  }
0x52: {  	_ =	shalt  }
0x53: {  	_ =	shalt  }
0x54: {  	_ =	shalt  }
0x55: {  	_ =	shalt  }
0x56: {  	_ =	shalt  }
0x57: {  	_ =	shalt  }
0x58: {  	_ =	shalt  }
0x59: {  	_ =	shalt  }
0x5a: {  	_ =	shalt  }
0x5b: {  	_ =	shalt  }
0x5c: {  	_ =	shalt  }
0x5d: {  	_ =	shalt  }
0x5e: {  	_ =	shalt  }
0x5f: {  	_ =	shalt  }
0x60: {  	_ =	shalt  }
0x61: {  	_ =	shalt  }
0x62: {  	_ =	shalt  }
0x63: {  	_ =	shalt  }
0x64: {  	_ =	shalt  }
0x65: {  	_ =	shalt  }
0x66: {  	_ =	shalt  }
0x67: {  	_ =	shalt  }
0x68: {  	_ =	shalt  }
0x69: {  	_ =	shalt  }
0x6a: {  	_ =	shalt  }
0x6b: {  	_ =	shalt  }
0x6c: {  	_ =	shalt  }
0x6d: {  	_ =	shalt  }
0x6e: {  	_ =	shalt  }
0x6f: {  	_ =	shalt  }
0x70: {  	_ =	shalt  }
0x71: {  	_ =	shalt  }
0x72: {  	_ =	shalt  }
0x73: {  	_ =	shalt  }
0x74: {  	_ =	shalt  }
0x75: {  	_ =	shalt  }
0x76: {  	_ =	shalt  }
0x77: {  	_ =	shalt  }
0x78: {  	_ =	shalt  }
0x79: {  	_ =	shalt  }
0x7a: {  	_ =	shalt  }
0x7b: {  	_ =	shalt  }
0x7c: {  	_ =	shalt  }
0x7d: {  	_ =	shalt  }
0x7e: {  	_ =	shalt  }
0x7f: {  	_ =	shalt  }
0x80: {  	_ =	shalt  }
0x81: {  	_ =	shalt  }
0x82: {  	_ =	shalt  }
0x83: {  	_ =	shalt  }
0x84: {  	_ =	shalt  }
0x85: {  	_ =	shalt  }
0x86: {  	_ =	shalt  }
0x87: {  	_ =	shalt  }
.Lfunc_end0:
.L_simem_size_0:
called_computation.3_lowered:
.L_overlay_start_0:
0x88: {  	s2 =	sld [smem:$0x3FD9]  }
0x89: {  	s3 =	sld [smem:$0x3FFE];
	_ =	sdelay $0x1  }
0x8a: {  	s1 =	srdreg.scid  }
0x8b: {  	s0 =	sand.u32 $0x1, s1  }
0x8c: {  	s14 =	sshll.u32 s0, $0xA;
	s2 =	sadd.s32 s3, s2  }
0x8d: {  	s2 =	sadd.s32 s2, s14  }
0x8e: {  	[smem:$0x3FC3] =	sst s2  }
0x8f: {  	_ = 	snop  }
0x90: {  	s2 =	sld [smem:$0x3FD0];
	_ =	sdelay $0x2  }
0x91: {  	s15 =	simm.s32 $0xB;
	s4 =	simm.s32 $0x10  }
0x92: {  	[smem:s4], [sflag:s15] =	dma.local [hbm:s2], $0x1  }
0x93: {  	_ =	swait.eq [sflag:s15], $0x1  }
0x94: {  	[sflag:s15] =	ssyncset.done $0x0  }
0x95: {  	[sflag:s15] =	ssyncadd.s32 $0xFFFFFFFF  }
0x96: {  	s16 =	sld [smem:$0x10];
	(tm) =	ssettm $0x1  }
0x97: {  	s17 =	sld [smem:$0x3FFB];
	_ =	sdelay $0x3  }
0x98: {  	_ =	strace s17  }
0x99: {  	s3 =	sld [smem:$0x3FFC];
	_ =	sdelay $0x3  }
0x9a: {  	_ =	strace s3  }
0x9b: {  	s3 =	sld [smem:$0x3FFD];
	_ =	sdelay $0x3  }
0x9c: {  	_ =	strace s3  }
0x9d: {  	_ =	strace $0x8FFFFFFF  }
0x9e: {  	s18 =	sld [smem:$0x3FDB];
	_ =	sdelay $0x1  }
0x9f: {  	s19 =	simm.s32 $_scs_section_size  }
0xa0: {  	s5 =	simm.s32 $_size__tile_overlayer_lowered;
	s6 =	simm.s32 $_tile_overlayer_lowered  }
0xa1: {  	s22 =	simm.s32 $0x1BFF;
	s21 =	sshll.u32 s6, $0x1;
	s3 =	sadd.s32 s19, s18  }
0xa2: {  	s7 =	simm.s32 $0x0;
	s20 =	sshll.u32 s5, $0x1;
	s5 =	sadd.s32 s21, s3  }
0xa3: {  	[timem:s7], [sflag:s22] =	dma.local [hbm:s5], s20  }
0xa4: {  	_ =	swait.ge [sflag:s22], s20  }
0xa5: {  	s4 =	ssub.s32 $0x0, s20;
	[sflag:s22] =	ssyncset.done $0x0  }
0xa6: {  	[sflag:s22] =	ssyncadd.s32 s4;
	_ =	sdelay $0x1  }
0xa7: {  	s23 =	simm.s32 $0x1B8B  }
0xa8: {  	_ =	swait.ge [sflag:s23], $0x1  }
0xa9: {  	[sflag:s23] =	ssyncset.done $0x0  }
0xaa: {  	s25 =	simm.s32 $0x1B8E;
	s24 =	sld [smem:$0x3FFE];
	[sflag:s23] =	ssyncadd.s32 $0xFFFFFFFF  }
0xab: {  	s26 =	simm.s32 $execute0_lowered;
	[smem:$0x3FD2] =	sst s25  }
0xac: {  	s5 =	sshll.u32 s26, $0x1;
	_ =	strace $0x80000049;
	[dreg:$0x1] =	wrdreg $0xFFFFFFFF  }
0xad: {  	s28 =	simm.s32 $_size_execute0_lowered;
	s3 =	sadd.s32 s3, s5;
	[dreg:$0x0] =	wrdreg $0x0  }
0xae: {  	s5 =	sshll.u32 s28, $0x1;
	[dreg:$0x2] =	wrdreg s3  }
0xaf: {  	[dreg:$0x3] =	wrdreg s5  }
0xb0: {  	[dreg:$0x4] =	wrdreg $0xC0  }
0xb1: {  	_ =	task [dreg:s7], $0x5FFFF  }
0xb2: {  	[dreg:$0x1] =	wrdreg $0xFFFFFFFF  }
0xb3: {  	[dreg:$0x0] =	wrdreg $0x60  }
0xb4: {  	[dreg:$0x2] =	wrdreg s16  }
0xb5: {  	[dreg:$0x3] =	wrdreg s24  }
0xb6: {  	[dreg:$0x4] =	wrdreg $0x9  }
0xb7: {  	_ =	task.clear_ibuf [dreg:s7], $0x5FFFF;
	_ =	strace $0x90000049  }
0xb8: {  	s29 =	simm.s32 $0x9;
	_ =	strace $0x8000004B  }
0xb9: {  	_ =	swait.ge [sflag:s29], $0x1  }
0xba: {  	[sflag:s29] =	ssyncadd.s32 $0xFFFFFFFF  }
0xbb: {  	_ =	strace $0x9000004B  }
0xbc: {  	_ =	sfence  }
0xbd: {  	s30 =	sld [smem:$0x0];
	_ =	sdelay $0x2  }
0xbe: {  	s31 =	sshll.u32 s1, $0xD;
	s1 =	sshrl.u32 s1, $0x2  }
0xbf: {  	s3 =	sand.u32 $0x4000, s31;
	s1 =	sadd.s32 s1, s30  }
0xc0: {  	s0 =	sor.u32 s3, s0;
	s1 =	sshll.u32 s1, $0x11  }
0xc1: {  	s0 =	sor.u32 s1, s0  }
0xc2: {  	s0 =	sadd.s32 $0x8F2B, s0  }
0xc3: {  	[sflag:s0] =	ssyncadd.remote.s32 $0x1  }
0xc4: {  	_ =	sfence.sel $0xFFFF  }
0xc5: {  	[dreg:$0x0] =	wrdreg $0xFFFFFFFF;
	(pc) =	sbr.abs _section_cstart, $3  }
0xc6: {  	[dreg:$0x1] =	wrdreg $0xFFFFFFFF  }
0xc7: {  	_ =	task.clear_ibuf [dreg:s7], $0x2FFFF;
	_ =	strace $0x9FFFFFFF  }
0xc8: {  	(tm) =	ssettm $0x7FFFFFFF  }
0xc9: {  	_ =	shalt  }
tec
execute0_lowered:
.L_overlay_start_1:
0x0: {  	(tag) =	ssettag $0x1  }
0x1: {  	s1 =	srdreg.scid;
	s0 =	stileid.u32  }
0x2: {  	s2 =	rddreg [dreg:$0x0];
	s19 =	sand.u32 $0x1, s1;
	s30 =	sshll.u32 s0, $0x1  }
0x3: {  	s14 =	rddreg [dreg:$0x1];
	s15 =	sor.u32 s19, s30  }
0x4: {  	s3 =	simm.s32 $0x0;
	s1 =	rddreg [dreg:$0x2];
	s4 =	sshll.u32 s15, $0x7  }
0x5: {  	[smem:$0x7FF] =	sst s3;
	s4 =	sadd.s32 s4, s14  }
0x6: {  	_ =	strace $0x8000004A;
	s5 =	sadd.s32 $0x87400, s4;
	s4 =	simm.s32 $0x2  }
0x7: {  	[tilespmem:s3], [sflag:$0x2] =	stream.linear.gather [hbm4b:s5+s3], $0x400, $0x38;
	[tilespmem:$0x10400] =	vst v63  }
0x8: {  	_ =	swait.ge [sflag:s4], $0x400  }
0x9: {  	[sflag:s4] =	ssyncset.done $0x0  }
0xa: {  	s6 =	simm.s32 $0x80;
	s7 =	simm.s32 $0x400;
	[sflag:s4] =	ssyncadd.s32 $0xFFFFFC00  }
0xb: {  	[tilespmem:s7], [sflag:$0x1] =	stream.indirect.gather [hbm4b:s2+s6], $0x80, s3, s6, $0xb8;
	[tilespmem:$0x10400] =	vst v63  }
0xc: {  	s8 =	simm.s32 $0x4400  }
0xd: {  	[tilespmem:s8], [sflag:$0x1] =	stream.indirect.gather [hbm4b:s2+s6], $0x80, s6, s6, $0xb8;
	[tilespmem:$0x10400] =	vst v63  }
0xe: {  	s9 =	simm.s32 $0x100;
	s10 =	simm.s32 $0x8400  }
0xf: {  	[tilespmem:s10], [sflag:$0x1] =	stream.indirect.gather [hbm4b:s2+s6], $0x80, s9, s6, $0xb8;
	[tilespmem:$0x10400] =	vst v63  }
0x10: {  	s11 =	simm.s32 $0x180;
	s12 =	simm.s32 $0xC400;
	s13 =	simm.s32 $0x1  }
0x11: {  	[tilespmem:s12], [sflag:$0x1] =	stream.indirect.gather [hbm4b:s2+s6], $0x80, s11, s6, $0xb8;
	[tilespmem:$0x10400] =	vst v63  }
0x12: {  	_ =	swait.ge [sflag:s13], $0x4000  }
0x13: {  	[sflag:s13] =	ssyncset.done $0x0  }
0x14: {  	[sflag:s13] =	ssyncadd.s32 $0xFFFFC000  }
0x15: {  	_ =	swait.ge [sflag:s13], $0x4000  }
0x16: {  	[sflag:s13] =	ssyncset.done $0x0  }
0x17: {  	[sflag:s13] =	ssyncadd.s32 $0xFFFFC000  }
0x18: {  	_ =	swait.ge [sflag:s13], $0x4000  }
0x19: {  	[sflag:s13] =	ssyncset.done $0x0  }
0x1a: {  	[sflag:s13] =	ssyncadd.s32 $0xFFFFC000  }
0x1b: {  	s15 =	sshll.u32 s15, $0xE;
	_ =	swait.ge [sflag:s13], $0x4000  }
0x1c: {  	s20 =	sadd.s32 s15, s14;
	[sflag:s13] =	ssyncset.done $0x0  }
0x1d: {  	s14 =	sadd.s32 $0x88400, s20;
	[sflag:s13] =	ssyncadd.s32 $0xFFFFC000  }
0x1e: {  	[hbm4b:s14+s3] =	stream.linear.scatter [tilespmem:s7], [sflag:$0x2], $0x10000, $0x38;
	[tilespmem:$0x10400] =	vst v63  }
0x1f: {  	_ =	swait.ge [sflag:s4], $0x10000  }
0x20: {  	[sflag:s4] =	ssyncset.done $0x0  }
0x21: {  	s15 =	simm.s32 $0x200;
	[sflag:s4] =	ssyncadd.s32 $0xFFFF0000  }
0x22: {  	[tilespmem:s7], [sflag:$0x1] =	stream.indirect.gather [hbm4b:s2+s6], $0x80, s15, s6, $0xb8;
	[tilespmem:$0x10400] =	vst v63  }
0x23: {  	s16 =	simm.s32 $0x280  }
0x24: {  	[tilespmem:s8], [sflag:$0x1] =	stream.indirect.gather [hbm4b:s2+s6], $0x80, s16, s6, $0xb8;
	[tilespmem:$0x10400] =	vst v63  }
0x25: {  	s17 =	simm.s32 $0x300  }
0x26: {  	[tilespmem:s10], [sflag:$0x1] =	stream.indirect.gather [hbm4b:s2+s6], $0x80, s17, s6, $0xb8;
	[tilespmem:$0x10400] =	vst v63  }
0x27: {  	s18 =	simm.s32 $0x380  }
0x28: {  	[tilespmem:s12], [sflag:$0x1] =	stream.indirect.gather [hbm4b:s2+s6], $0x80, s18, s6, $0xb8;
	[tilespmem:$0x10400] =	vst v63  }
0x29: {  	_ =	swait.ge [sflag:s13], $0x4000  }
0x2a: {  	[sflag:s13] =	ssyncset.done $0x0  }
0x2b: {  	[sflag:s13] =	ssyncadd.s32 $0xFFFFC000  }
0x2c: {  	_ =	swait.ge [sflag:s13], $0x4000  }
0x2d: {  	[sflag:s13] =	ssyncset.done $0x0  }
0x2e: {  	s19 =	ssub.s32 $0x2, s19;
	[sflag:s13] =	ssyncadd.s32 $0xFFFFC000  }
0x2f: {  	s21 =	sshrl.u32 s19, $0x1;
	_ =	swait.ge [sflag:s13], $0x4000  }
0x30: {  	s21 =	ssub.s32 s19, s21;
	[sflag:s13] =	ssyncset.done $0x0  }
0x31: {  	s31 =	smax.u32 s21, $0x1;
	[sflag:s13] =	ssyncadd.s32 $0xFFFFC000  }
0x32: {  	p0 =	sne.s32 s31, $0x1;
	_ =	swait.ge [sflag:s13], $0x4000  }
.Ltmp0:
0x33: {  	[sflag:s13] =	ssyncset.done $0x0;
	(pc) =	sbr.rel @!p0 .LBB2_2-.Ltmp0, $4  }
0x34: {  	s19 =	sadd.s32 $0x8A400, s20;
	[sflag:s13] =	ssyncadd.s32 $0xFFFFC000  }
0x35: {  	[hbm4b:s19+s3] =	stream.linear.scatter [tilespmem:s7], [sflag:$0x2], $0x10000, $0x38;
	[tilespmem:$0x10400] =	vst v63  }
0x36: {  	_ =	swait.ge [sflag:s4], $0x10000  }
0x37: {  	s20 =	sadd.s32 $0xFFFFFFFF, s31;
	[sflag:s4] =	ssyncset.done $0x0  }
.LBB2_1:
0x38: {  	p0 =	sne.s32 s20, $0x1;
	s20 =	sadd.s32 $0xFFFFFFFF, s20;
	[sflag:s4] =	ssyncadd.s32 $0xFFFF0000  }
0x39: {  	[tilespmem:s3], [sflag:$0x2] =	stream.linear.gather [hbm4b:s5+s3], $0x400, $0x38;
	[tilespmem:$0x10400] =	vst v63  }
0x3a: {  	_ =	swait.ge [sflag:s4], $0x400  }
0x3b: {  	[sflag:s4] =	ssyncset.done $0x0  }
0x3c: {  	[sflag:s4] =	ssyncadd.s32 $0xFFFFFC00  }
0x3d: {  	[tilespmem:s7], [sflag:$0x1] =	stream.indirect.gather [hbm4b:s2+s6], $0x80, s3, s6, $0xb8;
	[tilespmem:$0x10400] =	vst v63  }
0x3e: {  	_ = 	snop  }
0x3f: {  	[tilespmem:s8], [sflag:$0x1] =	stream.indirect.gather [hbm4b:s2+s6], $0x80, s6, s6, $0xb8;
	[tilespmem:$0x10400] =	vst v63  }
0x40: {  	_ = 	snop  }
0x41: {  	[tilespmem:s10], [sflag:$0x1] =	stream.indirect.gather [hbm4b:s2+s6], $0x80, s9, s6, $0xb8;
	[tilespmem:$0x10400] =	vst v63  }
0x42: {  	_ = 	snop  }
0x43: {  	[tilespmem:s12], [sflag:$0x1] =	stream.indirect.gather [hbm4b:s2+s6], $0x80, s11, s6, $0xb8;
	[tilespmem:$0x10400] =	vst v63  }
0x44: {  	_ =	swait.ge [sflag:s13], $0x4000  }
0x45: {  	[sflag:s13] =	ssyncset.done $0x0  }
0x46: {  	[sflag:s13] =	ssyncadd.s32 $0xFFFFC000  }
0x47: {  	_ =	swait.ge [sflag:s13], $0x4000  }
0x48: {  	[sflag:s13] =	ssyncset.done $0x0  }
0x49: {  	[sflag:s13] =	ssyncadd.s32 $0xFFFFC000  }
0x4a: {  	_ =	swait.ge [sflag:s13], $0x4000  }
0x4b: {  	[sflag:s13] =	ssyncset.done $0x0  }
0x4c: {  	[sflag:s13] =	ssyncadd.s32 $0xFFFFC000  }
0x4d: {  	_ =	swait.ge [sflag:s13], $0x4000  }
0x4e: {  	[sflag:s13] =	ssyncset.done $0x0  }
0x4f: {  	[sflag:s13] =	ssyncadd.s32 $0xFFFFC000  }
0x50: {  	[hbm4b:s14+s3] =	stream.linear.scatter [tilespmem:s7], [sflag:$0x2], $0x10000, $0x38;
	[tilespmem:$0x10400] =	vst v63  }
0x51: {  	_ =	swait.ge [sflag:s4], $0x10000  }
0x52: {  	[sflag:s4] =	ssyncset.done $0x0  }
0x53: {  	[sflag:s4] =	ssyncadd.s32 $0xFFFF0000  }
0x54: {  	[tilespmem:s7], [sflag:$0x1] =	stream.indirect.gather [hbm4b:s2+s6], $0x80, s15, s6, $0xb8;
	[tilespmem:$0x10400] =	vst v63  }
0x55: {  	_ = 	snop  }
0x56: {  	[tilespmem:s8], [sflag:$0x1] =	stream.indirect.gather [hbm4b:s2+s6], $0x80, s16, s6, $0xb8;
	[tilespmem:$0x10400] =	vst v63  }
0x57: {  	_ = 	snop  }
0x58: {  	[tilespmem:s10], [sflag:$0x1] =	stream.indirect.gather [hbm4b:s2+s6], $0x80, s17, s6, $0xb8;
	[tilespmem:$0x10400] =	vst v63  }
0x59: {  	_ = 	snop  }
0x5a: {  	[tilespmem:s12], [sflag:$0x1] =	stream.indirect.gather [hbm4b:s2+s6], $0x80, s18, s6, $0xb8;
	[tilespmem:$0x10400] =	vst v63  }
0x5b: {  	_ =	swait.ge [sflag:s13], $0x4000  }
0x5c: {  	[sflag:s13] =	ssyncset.done $0x0  }
0x5d: {  	[sflag:s13] =	ssyncadd.s32 $0xFFFFC000  }
0x5e: {  	_ =	swait.ge [sflag:s13], $0x4000  }
0x5f: {  	[sflag:s13] =	ssyncset.done $0x0  }
0x60: {  	[sflag:s13] =	ssyncadd.s32 $0xFFFFC000  }
0x61: {  	_ =	swait.ge [sflag:s13], $0x4000  }
0x62: {  	[sflag:s13] =	ssyncset.done $0x0  }
0x63: {  	[sflag:s13] =	ssyncadd.s32 $0xFFFFC000  }
0x64: {  	_ =	swait.ge [sflag:s13], $0x4000  }
.Ltmp1:
0x65: {  	[sflag:s13] =	ssyncset.done $0x0;
	(pc) =	sbr.rel @p0 .LBB2_1-.Ltmp1, $4  }
0x66: {  	[sflag:s13] =	ssyncadd.s32 $0xFFFFC000  }
0x67: {  	[hbm4b:s19+s3] =	stream.linear.scatter [tilespmem:s7], [sflag:$0x2], $0x10000, $0x38;
	[tilespmem:$0x10400] =	vst v63  }
0x68: {  	_ =	swait.ge [sflag:s4], $0x10000  }
0x69: {  	[sflag:s4] =	ssyncset.done $0x0  }
.LBB2_2:
0x6a: {  	[sflag:s4] =	ssyncadd.s32 $0xFFFF0000  }
0x6b: {  	_ =	sfence.sel $0x180000  }
0x6c: {  	[bflag:$0x0] =	sbarrier.arrive $0xFFFF  }
0x6d: {  	p0 =	sne.s32 s0, $0x0;
	_ =	strace $0x9000004A  }
0x6e: {  	s0 =	sadd.s32 @!p0 $0x100000, s1;
	[bflag:$0x2] =	sbarrier.arrive $0xFFFF  }
0x6f: {  	[sflag:s0] =	ssyncadd.tile.s32 @!p0 $0x1;
	_ =	shalt  }
.Lfunc_end2:
_tile_overlayer_lowered:
.L_overlay_start_2:
0x70: {  	(tag) =	ssettag $0x2  }
0x71: {  	s0 =	rddreg [dreg:$0x0];
	s2 =	stileid.u32  }
0x72: {  	s1 =	rddreg [dreg:$0x1];
	p0 =	sne.s32 s2, $0x0  }
0x73: {  	s3 =	rddreg [dreg:$0x2];
	[bflag:$0x3] =	sbarrier.arrive $0xFFFF;
	s2 =	simm.s32 @!p0 $0x1C02  }
0x74: {  	[timem:s3], [sflag:s2] =	dma.local @!p0 [hbm:s0], s1  }
0x75: {  	s0 =	simm.s32 @!p0 $0x2  }
0x76: {  	_ =	swait.ge @!p0 [sflag:s0], s1  }
0x77: {  	s1 =	ssub.s32 @!p0 $0x0, s1;
	[sflag:s0] =	ssyncset.done @!p0 $0x0  }
0x78: {  	[sflag:s0] =	ssyncadd.s32 @!p0 s1  }
0x79: {  	[bflag:$0x3] =	sbarrier.arrive $0xFFFF  }
0x7a: {  	_ =	shalt  }

// kernel: kernel.17.cloned.1.call-start
scs
__scs_entry_jumppad:
0x0: {  	(pc) =	sbr.rel $0x88, $3  }
0x1: {  	(tag) =	ssettag $0x0;
	lr =	simm.s32 $0x1  }
0x2: {  	[smem:$0x3F9C] =	sst lr;
	_ =	strace $0xD0000000  }
0x3: {  	_ = 	snop  }
0x4: {  	_ = 	snop  }
0x5: {  	_ = 	snop  }
0x6: {  	_ = 	snop  }
0x7: {  	_ = 	snop  }
__scs_overlays_trampoline_lowered:
0x8: {  	[smem:$0x3FAB] =	sst s0  }
0x9: {  	[smem:$0x3FAC] =	sst s1  }
0xa: {  	[smem:$0x3FAD] =	sst s2  }
0xb: {  	[smem:$0x3FAE] =	sst s3  }
0xc: {  	[smem:$0x3FAF] =	sst s4  }
0xd: {  	[smem:$0x3FB0] =	sst s5  }
0xe: {  	[smem:$0x3FB1] =	sst s6  }
0xf: {  	[smem:$0x3FB2] =	sst s7  }
0x10: {  	[smem:$0x3FB3] =	sst s8  }
0x11: {  	[smem:$0x3FB4] =	sst s9;
	s0 =	simm.s32 @!p0 $0x0  }
0x12: {  	s1 =	sld [smem:$0x3F9A];
	s0 =	simm.s32 @p0 $0x1  }
0x13: {  	[smem:$0x3FB5] =	sst s0;
	s0 =	simm.s32 @!p1 $0x0  }
0x14: {  	s2 =	sld [smem:$0x3F99];
	s0 =	simm.s32 @p1 $0x1  }
0x15: {  	[smem:$0x3FB6] =	sst s0;
	s0 =	simm.s32 @!p2 $0x0  }
0x16: {  	s3 =	sld [smem:$0x3FDB];
	s0 =	simm.s32 @p2 $0x1  }
0x17: {  	s4 =	simm.s32 $0x1BF5;
	[smem:$0x3FB8] =	sst s0  }
0x18: {  	s0 =	sld [smem:$0x3F9B];
	_ =	swait.ge [sflag:s4], $0x0  }
0x19: {  	s7 =	sld [smem:$0x3F9C]  }
0x1a: {  	s8 =	sadd.s32 $0xFFFFE003, lr  }
0x1b: {  	s9 =	sadd.s32 $0xFFFFFEF7, lr;
	s5 =	simm.s32 $0xFFFFFFFF;
	p2 =	slt.u32 s8, $0xFFFFF086  }
0x1c: {  	p1 =	slt.u32 s9, $0xF7A;
	s5 =	simm.s32 @!p2 $0x0  }
0x1d: {  	s5 =	simm.s32 @p1 $0x1;
	p0 =	seq.s32 s7, s2  }
0x1e: {  	s7 =	smul.u32 @!p0 $0xF7A, s2;
	p2 =	seq.s32 @!p0 s5, $0x0  }
0x1f: {  	s9 =	smul.u32 $0xF7A, s1;
	s8 =	simm.s32 @!p0 $0x1BF5;
	p2 =	por !p2, p0  }
0x20: {  	[sflag:s8] =	ssyncset.s32 @!p0 $0xFFFFF086;
	s6 =	sadd.s32 @!p0 s3, s7;
	s7 =	simm.s32 @!p0 $0x108  }
0x21: {  	s3 =	sadd.s32 s3, s9;
	s6 =	sadd.s32 @!p0 $0x88, s6;
	s7 =	simm.s32 @p2 $0x1082  }
0x22: {  	[simem:s7], [sflag:s8] =	dma.local @!p0 [hbm:s6], $0xF7A  }
0x23: {  	s9 =	sor.u32 $0xD0000000, s2;
	s6 =	simm.s32 $0x108;
	_ =	swait.ge @!p0 [sflag:s8], $0x0  }
0x24: {  	s3 =	sadd.s32 $0x88, s3;
	s6 =	simm.s32 @!p1 $0x1082;
	[sflag:s4] =	ssyncset.s32 $0xFFFFF086  }
0x25: {  	[simem:s6], [sflag:s4] =	dma.local [hbm:s3], $0xF7A  }
0x26: {  	[smem:$0x3F9C] =	sst s1;
	(tag) =	ssettag s2;
	_ =	strace s9  }
0x27: {  	s1 =	sld [smem:$0x3FAC]  }
0x28: {  	s2 =	sld [smem:$0x3FAD]  }
0x29: {  	s4 =	sld [smem:$0x3FAF]  }
0x2a: {  	p0 =	seq.s32 s5, $0x0;
	s5 =	sld [smem:$0x3FB0]  }
0x2b: {  	s6 =	sld [smem:$0x3FB1]  }
0x2c: {  	s7 =	sld [smem:$0x3FB2]  }
0x2d: {  	s3 =	simm.s32 $0x108;
	s8 =	sld [smem:$0x3FB3]  }
0x2e: {  	s3 =	simm.s32 @!p0 $0x1082;
	s9 =	sld [smem:$0x3FB4]  }
0x2f: {  	lr =	sadd.s32 s0, s3;
	s0 =	sld [smem:$0x3FAB]  }
0x30: {  	s3 =	sld [smem:$0x3FAE]  }
0x31: {  	[smem:$0x3FB7] =	sst s10  }
0x32: {  	s10 =	sld [smem:$0x3FB5];
	_ =	sdelay $0x3  }
0x33: {  	p0 =	seq.s32 s10, $0x1;
	s10 =	sld [smem:$0x3FB7];
	_ =	sdelay $0x3  }
0x34: {  	[smem:$0x3FB7] =	sst s10  }
0x35: {  	s10 =	sld [smem:$0x3FB6];
	_ =	sdelay $0x3  }
0x36: {  	p1 =	seq.s32 s10, $0x1;
	s10 =	sld [smem:$0x3FB7];
	_ =	sdelay $0x3  }
0x37: {  	[smem:$0x3FB7] =	sst s10  }
0x38: {  	s10 =	sld [smem:$0x3FB8]  }
0x39: {  	_ = 	snop;
	(pc) =	sbr.ind lr, $3  }
0x3a: {  	_ = 	snop  }
0x3b: {  	_ = 	snop  }
0x3c: {  	p2 =	seq.s32 s10, $0x1;
	s10 =	sld [smem:$0x3FB7]  }
0x3d: {  	_ =	shalt  }
0x3e: {  	_ =	shalt  }
0x3f: {  	_ =	shalt  }
0x40: {  	_ =	shalt  }
0x41: {  	_ =	shalt  }
0x42: {  	_ =	shalt  }
0x43: {  	_ =	shalt  }
0x44: {  	_ =	shalt  }
0x45: {  	_ =	shalt  }
0x46: {  	_ =	shalt  }
0x47: {  	_ =	shalt  }
0x48: {  	_ =	shalt  }
0x49: {  	_ =	shalt  }
0x4a: {  	_ =	shalt  }
0x4b: {  	_ =	shalt  }
0x4c: {  	_ =	shalt  }
0x4d: {  	_ =	shalt  }
0x4e: {  	_ =	shalt  }
0x4f: {  	_ =	shalt  }
0x50: {  	_ =	shalt  }
0x51: {  	_ =	shalt  }
0x52: {  	_ =	shalt  }
0x53: {  	_ =	shalt  }
0x54: {  	_ =	shalt  }
0x55: {  	_ =	shalt  }
0x56: {  	_ =	shalt  }
0x57: {  	_ =	shalt  }
0x58: {  	_ =	shalt  }
0x59: {  	_ =	shalt  }
0x5a: {  	_ =	shalt  }
0x5b: {  	_ =	shalt  }
0x5c: {  	_ =	shalt  }
0x5d: {  	_ =	shalt  }
0x5e: {  	_ =	shalt  }
0x5f: {  	_ =	shalt  }
0x60: {  	_ =	shalt  }
0x61: {  	_ =	shalt  }
0x62: {  	_ =	shalt  }
0x63: {  	_ =	shalt  }
0x64: {  	_ =	shalt  }
0x65: {  	_ =	shalt  }
0x66: {  	_ =	shalt  }
0x67: {  	_ =	shalt  }
0x68: {  	_ =	shalt  }
0x69: {  	_ =	shalt  }
0x6a: {  	_ =	shalt  }
0x6b: {  	_ =	shalt  }
0x6c: {  	_ =	shalt  }
0x6d: {  	_ =	shalt  }
0x6e: {  	_ =	shalt  }
0x6f: {  	_ =	shalt  }
0x70: {  	_ =	shalt  }
0x71: {  	_ =	shalt  }
0x72: {  	_ =	shalt  }
0x73: {  	_ =	shalt  }
0x74: {  	_ =	shalt  }
0x75: {  	_ =	shalt  }
0x76: {  	_ =	shalt  }
0x77: {  	_ =	shalt  }
0x78: {  	_ =	shalt  }
0x79: {  	_ =	shalt  }
0x7a: {  	_ =	shalt  }
0x7b: {  	_ =	shalt  }
0x7c: {  	_ =	shalt  }
0x7d: {  	_ =	shalt  }
0x7e: {  	_ =	shalt  }
0x7f: {  	_ =	shalt  }
0x80: {  	_ =	shalt  }
0x81: {  	_ =	shalt  }
0x82: {  	_ =	shalt  }
0x83: {  	_ =	shalt  }
0x84: {  	_ =	shalt  }
0x85: {  	_ =	shalt  }
0x86: {  	_ =	shalt  }
0x87: {  	_ =	shalt  }
.Lfunc_end0:
.L_simem_size_0:
called_computation.4_lowered:
.L_overlay_start_0:
0x88: {  	s2 =	sld [smem:$0x3FD9]  }
0x89: {  	s3 =	sld [smem:$0x3FFE];
	_ =	sdelay $0x1  }
0x8a: {  	s1 =	srdreg.scid  }
0x8b: {  	s0 =	sand.u32 $0x1, s1  }
0x8c: {  	s14 =	sshll.u32 s0, $0xA;
	s2 =	sadd.s32 s3, s2  }
0x8d: {  	s2 =	sadd.s32 s2, s14  }
0x8e: {  	[smem:$0x3FC3] =	sst s2  }
0x8f: {  	_ = 	snop  }
0x90: {  	s2 =	sld [smem:$0x3FD0];
	_ =	sdelay $0x2  }
0x91: {  	s15 =	simm.s32 $0xB;
	s4 =	simm.s32 $0x10  }
0x92: {  	[smem:s4], [sflag:s15] =	dma.local [hbm:s2], $0x1  }
0x93: {  	_ =	swait.eq [sflag:s15], $0x1  }
0x94: {  	[sflag:s15] =	ssyncset.done $0x0  }
0x95: {  	[sflag:s15] =	ssyncadd.s32 $0xFFFFFFFF  }
0x96: {  	s16 =	sld [smem:$0x11];
	(tm) =	ssettm $0x1  }
0x97: {  	s17 =	sld [smem:$0x3FFB];
	_ =	sdelay $0x3  }
0x98: {  	_ =	strace s17  }
0x99: {  	s3 =	sld [smem:$0x3FFC];
	_ =	sdelay $0x3  }
0x9a: {  	_ =	strace s3  }
0x9b: {  	s3 =	sld [smem:$0x3FFD];
	_ =	sdelay $0x3  }
0x9c: {  	_ =	strace s3  }
0x9d: {  	_ =	strace $0x8FFFFFFF  }
0x9e: {  	s18 =	sld [smem:$0x3FDB];
	_ =	sdelay $0x1  }
0x9f: {  	s19 =	simm.s32 $_scs_section_size  }
0xa0: {  	s5 =	simm.s32 $_size__tile_overlayer_lowered;
	s6 =	simm.s32 $_tile_overlayer_lowered  }
0xa1: {  	s22 =	simm.s32 $0x1BFF;
	s21 =	sshll.u32 s6, $0x1;
	s3 =	sadd.s32 s19, s18  }
0xa2: {  	s7 =	simm.s32 $0x0;
	s20 =	sshll.u32 s5, $0x1;
	s5 =	sadd.s32 s21, s3  }
0xa3: {  	[timem:s7], [sflag:s22] =	dma.local [hbm:s5], s20  }
0xa4: {  	_ =	swait.ge [sflag:s22], s20  }
0xa5: {  	s4 =	ssub.s32 $0x0, s20;
	[sflag:s22] =	ssyncset.done $0x0  }
0xa6: {  	[sflag:s22] =	ssyncadd.s32 s4;
	_ =	sdelay $0x1  }
0xa7: {  	s23 =	simm.s32 $0x1B8B  }
0xa8: {  	_ =	swait.ge [sflag:s23], $0x1  }
0xa9: {  	[sflag:s23] =	ssyncset.done $0x0  }
0xaa: {  	s25 =	simm.s32 $0x1B8E;
	s24 =	sld [smem:$0x3FFE];
	[sflag:s23] =	ssyncadd.s32 $0xFFFFFFFF  }
0xab: {  	s26 =	simm.s32 $execute0_lowered;
	[smem:$0x3FD2] =	sst s25  }
0xac: {  	s5 =	sshll.u32 s26, $0x1;
	_ =	strace $0x8000004C;
	[dreg:$0x1] =	wrdreg $0xFFFFFFFF  }
0xad: {  	s28 =	simm.s32 $_size_execute0_lowered;
	s3 =	sadd.s32 s3, s5;
	[dreg:$0x0] =	wrdreg $0x0  }
0xae: {  	s5 =	sshll.u32 s28, $0x1;
	[dreg:$0x2] =	wrdreg s3  }
0xaf: {  	[dreg:$0x3] =	wrdreg s5  }
0xb0: {  	[dreg:$0x4] =	wrdreg $0xC0  }
0xb1: {  	_ =	task [dreg:s7], $0x5FFFF  }
0xb2: {  	[dreg:$0x1] =	wrdreg $0xFFFFFFFF  }
0xb3: {  	[dreg:$0x0] =	wrdreg $0x60  }
0xb4: {  	[dreg:$0x2] =	wrdreg s16  }
0xb5: {  	[dreg:$0x3] =	wrdreg s24  }
0xb6: {  	[dreg:$0x4] =	wrdreg $0x9  }
0xb7: {  	_ =	task.clear_ibuf [dreg:s7], $0x5FFFF;
	_ =	strace $0x9000004C  }
0xb8: {  	s29 =	simm.s32 $0x9;
	_ =	strace $0x8000004E  }
0xb9: {  	_ =	swait.ge [sflag:s29], $0x1  }
0xba: {  	[sflag:s29] =	ssyncadd.s32 $0xFFFFFFFF  }
0xbb: {  	_ =	strace $0x9000004E  }
0xbc: {  	_ =	sfence  }
0xbd: {  	s30 =	sld [smem:$0x0];
	_ =	sdelay $0x2  }
0xbe: {  	s31 =	sshll.u32 s1, $0xD;
	s1 =	sshrl.u32 s1, $0x2  }
0xbf: {  	s3 =	sand.u32 $0x4000, s31;
	s1 =	sadd.s32 s1, s30  }
0xc0: {  	s0 =	sor.u32 s3, s0;
	s1 =	sshll.u32 s1, $0x11  }
0xc1: {  	s0 =	sor.u32 s1, s0  }
0xc2: {  	s0 =	sadd.s32 $0x8F2B, s0  }
0xc3: {  	[sflag:s0] =	ssyncadd.remote.s32 $0x1  }
0xc4: {  	_ =	sfence.sel $0xFFFF  }
0xc5: {  	[dreg:$0x0] =	wrdreg $0xFFFFFFFF;
	(pc) =	sbr.abs _section_cstart, $3  }
0xc6: {  	[dreg:$0x1] =	wrdreg $0xFFFFFFFF  }
0xc7: {  	_ =	task.clear_ibuf [dreg:s7], $0x2FFFF;
	_ =	strace $0x9FFFFFFF  }
0xc8: {  	(tm) =	ssettm $0x7FFFFFFF  }
0xc9: {  	_ =	shalt  }
tec
execute0_lowered:
.L_overlay_start_1:
0x0: {  	(tag) =	ssettag $0x1  }
0x1: {  	s1 =	srdreg.scid;
	s0 =	stileid.u32  }
0x2: {  	s2 =	rddreg [dreg:$0x0];
	s19 =	sand.u32 $0x1, s1;
	s30 =	sshll.u32 s0, $0x1  }
0x3: {  	s14 =	rddreg [dreg:$0x1];
	s15 =	sor.u32 s19, s30  }
0x4: {  	s3 =	simm.s32 $0x0;
	s1 =	rddreg [dreg:$0x2];
	s4 =	sshll.u32 s15, $0x7  }
0x5: {  	[smem:$0x7FF] =	sst s3;
	s4 =	sadd.s32 s4, s14  }
0x6: {  	_ =	strace $0x8000004D;
	s5 =	sadd.s32 $0x108400, s4;
	s4 =	simm.s32 $0x2  }
0x7: {  	[tilespmem:s3], [sflag:$0x2] =	stream.linear.gather [hbm4b:s5+s3], $0x400, $0x38;
	[tilespmem:$0x10400] =	vst v63  }
0x8: {  	_ =	swait.ge [sflag:s4], $0x400  }
0x9: {  	[sflag:s4] =	ssyncset.done $0x0  }
0xa: {  	s6 =	simm.s32 $0x80;
	s7 =	simm.s32 $0x400;
	[sflag:s4] =	ssyncadd.s32 $0xFFFFFC00  }
0xb: {  	[tilespmem:s7], [sflag:$0x1] =	stream.indirect.gather [hbm4b:s2+s6], $0x80, s3, s6, $0xb8;
	[tilespmem:$0x10400] =	vst v63  }
0xc: {  	s8 =	simm.s32 $0x4400  }
0xd: {  	[tilespmem:s8], [sflag:$0x1] =	stream.indirect.gather [hbm4b:s2+s6], $0x80, s6, s6, $0xb8;
	[tilespmem:$0x10400] =	vst v63  }
0xe: {  	s9 =	simm.s32 $0x100;
	s10 =	simm.s32 $0x8400  }
0xf: {  	[tilespmem:s10], [sflag:$0x1] =	stream.indirect.gather [hbm4b:s2+s6], $0x80, s9, s6, $0xb8;
	[tilespmem:$0x10400] =	vst v63  }
0x10: {  	s11 =	simm.s32 $0x180;
	s12 =	simm.s32 $0xC400;
	s13 =	simm.s32 $0x1  }
0x11: {  	[tilespmem:s12], [sflag:$0x1] =	stream.indirect.gather [hbm4b:s2+s6], $0x80, s11, s6, $0xb8;
	[tilespmem:$0x10400] =	vst v63  }
0x12: {  	_ =	swait.ge [sflag:s13], $0x4000  }
0x13: {  	[sflag:s13] =	ssyncset.done $0x0  }
0x14: {  	[sflag:s13] =	ssyncadd.s32 $0xFFFFC000  }
0x15: {  	_ =	swait.ge [sflag:s13], $0x4000  }
0x16: {  	[sflag:s13] =	ssyncset.done $0x0  }
0x17: {  	[sflag:s13] =	ssyncadd.s32 $0xFFFFC000  }
0x18: {  	_ =	swait.ge [sflag:s13], $0x4000  }
0x19: {  	[sflag:s13] =	ssyncset.done $0x0  }
0x1a: {  	[sflag:s13] =	ssyncadd.s32 $0xFFFFC000  }
0x1b: {  	s15 =	sshll.u32 s15, $0xE;
	_ =	swait.ge [sflag:s13], $0x4000  }
0x1c: {  	s20 =	sadd.s32 s15, s14;
	[sflag:s13] =	ssyncset.done $0x0  }
0x1d: {  	s14 =	sadd.s32 $0x189400, s20;
	[sflag:s13] =	ssyncadd.s32 $0xFFFFC000  }
0x1e: {  	[hbm4b:s14+s3] =	stream.linear.scatter [tilespmem:s7], [sflag:$0x2], $0x10000, $0x38;
	[tilespmem:$0x10400] =	vst v63  }
0x1f: {  	_ =	swait.ge [sflag:s4], $0x10000  }
0x20: {  	[sflag:s4] =	ssyncset.done $0x0  }
0x21: {  	s15 =	simm.s32 $0x200;
	[sflag:s4] =	ssyncadd.s32 $0xFFFF0000  }
0x22: {  	[tilespmem:s7], [sflag:$0x1] =	stream.indirect.gather [hbm4b:s2+s6], $0x80, s15, s6, $0xb8;
	[tilespmem:$0x10400] =	vst v63  }
0x23: {  	s16 =	simm.s32 $0x280  }
0x24: {  	[tilespmem:s8], [sflag:$0x1] =	stream.indirect.gather [hbm4b:s2+s6], $0x80, s16, s6, $0xb8;
	[tilespmem:$0x10400] =	vst v63  }
0x25: {  	s17 =	simm.s32 $0x300  }
0x26: {  	[tilespmem:s10], [sflag:$0x1] =	stream.indirect.gather [hbm4b:s2+s6], $0x80, s17, s6, $0xb8;
	[tilespmem:$0x10400] =	vst v63  }
0x27: {  	s18 =	simm.s32 $0x380  }
0x28: {  	[tilespmem:s12], [sflag:$0x1] =	stream.indirect.gather [hbm4b:s2+s6], $0x80, s18, s6, $0xb8;
	[tilespmem:$0x10400] =	vst v63  }
0x29: {  	_ =	swait.ge [sflag:s13], $0x4000  }
0x2a: {  	[sflag:s13] =	ssyncset.done $0x0  }
0x2b: {  	[sflag:s13] =	ssyncadd.s32 $0xFFFFC000  }
0x2c: {  	_ =	swait.ge [sflag:s13], $0x4000  }
0x2d: {  	[sflag:s13] =	ssyncset.done $0x0  }
0x2e: {  	s19 =	ssub.s32 $0x2, s19;
	[sflag:s13] =	ssyncadd.s32 $0xFFFFC000  }
0x2f: {  	s21 =	sshrl.u32 s19, $0x1;
	_ =	swait.ge [sflag:s13], $0x4000  }
0x30: {  	s21 =	ssub.s32 s19, s21;
	[sflag:s13] =	ssyncset.done $0x0  }
0x31: {  	s31 =	smax.u32 s21, $0x1;
	[sflag:s13] =	ssyncadd.s32 $0xFFFFC000  }
0x32: {  	p0 =	sne.s32 s31, $0x1;
	_ =	swait.ge [sflag:s13], $0x4000  }
.Ltmp0:
0x33: {  	[sflag:s13] =	ssyncset.done $0x0;
	(pc) =	sbr.rel @!p0 .LBB2_2-.Ltmp0, $4  }
0x34: {  	s19 =	sadd.s32 $0x18B400, s20;
	[sflag:s13] =	ssyncadd.s32 $0xFFFFC000  }
0x35: {  	[hbm4b:s19+s3] =	stream.linear.scatter [tilespmem:s7], [sflag:$0x2], $0x10000, $0x38;
	[tilespmem:$0x10400] =	vst v63  }
0x36: {  	_ =	swait.ge [sflag:s4], $0x10000  }
0x37: {  	s20 =	sadd.s32 $0xFFFFFFFF, s31;
	[sflag:s4] =	ssyncset.done $0x0  }
.LBB2_1:
0x38: {  	p0 =	sne.s32 s20, $0x1;
	s20 =	sadd.s32 $0xFFFFFFFF, s20;
	[sflag:s4] =	ssyncadd.s32 $0xFFFF0000  }
0x39: {  	[tilespmem:s3], [sflag:$0x2] =	stream.linear.gather [hbm4b:s5+s3], $0x400, $0x38;
	[tilespmem:$0x10400] =	vst v63  }
0x3a: {  	_ =	swait.ge [sflag:s4], $0x400  }
0x3b: {  	[sflag:s4] =	ssyncset.done $0x0  }
0x3c: {  	[sflag:s4] =	ssyncadd.s32 $0xFFFFFC00  }
0x3d: {  	[tilespmem:s7], [sflag:$0x1] =	stream.indirect.gather [hbm4b:s2+s6], $0x80, s3, s6, $0xb8;
	[tilespmem:$0x10400] =	vst v63  }
0x3e: {  	_ = 	snop  }
0x3f: {  	[tilespmem:s8], [sflag:$0x1] =	stream.indirect.gather [hbm4b:s2+s6], $0x80, s6, s6, $0xb8;
	[tilespmem:$0x10400] =	vst v63  }
0x40: {  	_ = 	snop  }
0x41: {  	[tilespmem:s10], [sflag:$0x1] =	stream.indirect.gather [hbm4b:s2+s6], $0x80, s9, s6, $0xb8;
	[tilespmem:$0x10400] =	vst v63  }
0x42: {  	_ = 	snop  }
0x43: {  	[tilespmem:s12], [sflag:$0x1] =	stream.indirect.gather [hbm4b:s2+s6], $0x80, s11, s6, $0xb8;
	[tilespmem:$0x10400] =	vst v63  }
0x44: {  	_ =	swait.ge [sflag:s13], $0x4000  }
0x45: {  	[sflag:s13] =	ssyncset.done $0x0  }
0x46: {  	[sflag:s13] =	ssyncadd.s32 $0xFFFFC000  }
0x47: {  	_ =	swait.ge [sflag:s13], $0x4000  }
0x48: {  	[sflag:s13] =	ssyncset.done $0x0  }
0x49: {  	[sflag:s13] =	ssyncadd.s32 $0xFFFFC000  }
0x4a: {  	_ =	swait.ge [sflag:s13], $0x4000  }
0x4b: {  	[sflag:s13] =	ssyncset.done $0x0  }
0x4c: {  	[sflag:s13] =	ssyncadd.s32 $0xFFFFC000  }
0x4d: {  	_ =	swait.ge [sflag:s13], $0x4000  }
0x4e: {  	[sflag:s13] =	ssyncset.done $0x0  }
0x4f: {  	[sflag:s13] =	ssyncadd.s32 $0xFFFFC000  }
0x50: {  	[hbm4b:s14+s3] =	stream.linear.scatter [tilespmem:s7], [sflag:$0x2], $0x10000, $0x38;
	[tilespmem:$0x10400] =	vst v63  }
0x51: {  	_ =	swait.ge [sflag:s4], $0x10000  }
0x52: {  	[sflag:s4] =	ssyncset.done $0x0  }
0x53: {  	[sflag:s4] =	ssyncadd.s32 $0xFFFF0000  }
0x54: {  	[tilespmem:s7], [sflag:$0x1] =	stream.indirect.gather [hbm4b:s2+s6], $0x80, s15, s6, $0xb8;
	[tilespmem:$0x10400] =	vst v63  }
0x55: {  	_ = 	snop  }
0x56: {  	[tilespmem:s8], [sflag:$0x1] =	stream.indirect.gather [hbm4b:s2+s6], $0x80, s16, s6, $0xb8;
	[tilespmem:$0x10400] =	vst v63  }
0x57: {  	_ = 	snop  }
0x58: {  	[tilespmem:s10], [sflag:$0x1] =	stream.indirect.gather [hbm4b:s2+s6], $0x80, s17, s6, $0xb8;
	[tilespmem:$0x10400] =	vst v63  }
0x59: {  	_ = 	snop  }
0x5a: {  	[tilespmem:s12], [sflag:$0x1] =	stream.indirect.gather [hbm4b:s2+s6], $0x80, s18, s6, $0xb8;
	[tilespmem:$0x10400] =	vst v63  }
0x5b: {  	_ =	swait.ge [sflag:s13], $0x4000  }
0x5c: {  	[sflag:s13] =	ssyncset.done $0x0  }
0x5d: {  	[sflag:s13] =	ssyncadd.s32 $0xFFFFC000  }
0x5e: {  	_ =	swait.ge [sflag:s13], $0x4000  }
0x5f: {  	[sflag:s13] =	ssyncset.done $0x0  }
0x60: {  	[sflag:s13] =	ssyncadd.s32 $0xFFFFC000  }
0x61: {  	_ =	swait.ge [sflag:s13], $0x4000  }
0x62: {  	[sflag:s13] =	ssyncset.done $0x0  }
0x63: {  	[sflag:s13] =	ssyncadd.s32 $0xFFFFC000  }
0x64: {  	_ =	swait.ge [sflag:s13], $0x4000  }
.Ltmp1:
0x65: {  	[sflag:s13] =	ssyncset.done $0x0;
	(pc) =	sbr.rel @p0 .LBB2_1-.Ltmp1, $4  }
0x66: {  	[sflag:s13] =	ssyncadd.s32 $0xFFFFC000  }
0x67: {  	[hbm4b:s19+s3] =	stream.linear.scatter [tilespmem:s7], [sflag:$0x2], $0x10000, $0x38;
	[tilespmem:$0x10400] =	vst v63  }
0x68: {  	_ =	swait.ge [sflag:s4], $0x10000  }
0x69: {  	[sflag:s4] =	ssyncset.done $0x0  }
.LBB2_2:
0x6a: {  	[sflag:s4] =	ssyncadd.s32 $0xFFFF0000  }
0x6b: {  	_ =	sfence.sel $0x180000  }
0x6c: {  	[bflag:$0x0] =	sbarrier.arrive $0xFFFF  }
0x6d: {  	p0 =	sne.s32 s0, $0x0;
	_ =	strace $0x9000004D  }
0x6e: {  	s0 =	sadd.s32 @!p0 $0x100000, s1;
	[bflag:$0x2] =	sbarrier.arrive $0xFFFF  }
0x6f: {  	[sflag:s0] =	ssyncadd.tile.s32 @!p0 $0x1;
	_ =	shalt  }
.Lfunc_end2:
_tile_overlayer_lowered:
.L_overlay_start_2:
0x70: {  	(tag) =	ssettag $0x2  }
0x71: {  	s0 =	rddreg [dreg:$0x0];
	s2 =	stileid.u32  }
0x72: {  	s1 =	rddreg [dreg:$0x1];
	p0 =	sne.s32 s2, $0x0  }
0x73: {  	s3 =	rddreg [dreg:$0x2];
	[bflag:$0x3] =	sbarrier.arrive $0xFFFF;
	s2 =	simm.s32 @!p0 $0x1C02  }
0x74: {  	[timem:s3], [sflag:s2] =	dma.local @!p0 [hbm:s0], s1  }
0x75: {  	s0 =	simm.s32 @!p0 $0x2  }
0x76: {  	_ =	swait.ge @!p0 [sflag:s0], s1  }
0x77: {  	s1 =	ssub.s32 @!p0 $0x0, s1;
	[sflag:s0] =	ssyncset.done @!p0 $0x0  }
0x78: {  	[sflag:s0] =	ssyncadd.s32 @!p0 s1  }
0x79: {  	[bflag:$0x3] =	sbarrier.arrive $0xFFFF  }
0x7a: {  	_ =	shalt  }

// kernel: kernel.20.cloned.1.call-start
scs
__scs_entry_jumppad:
0x0: {  	(pc) =	sbr.rel $0x88, $3  }
0x1: {  	(tag) =	ssettag $0x0;
	lr =	simm.s32 $0x1  }
0x2: {  	[smem:$0x3F9C] =	sst lr;
	_ =	strace $0xD0000000  }
0x3: {  	_ = 	snop  }
0x4: {  	_ = 	snop  }
0x5: {  	_ = 	snop  }
0x6: {  	_ = 	snop  }
0x7: {  	_ = 	snop  }
__scs_overlays_trampoline_lowered:
0x8: {  	[smem:$0x3FAB] =	sst s0  }
0x9: {  	[smem:$0x3FAC] =	sst s1  }
0xa: {  	[smem:$0x3FAD] =	sst s2  }
0xb: {  	[smem:$0x3FAE] =	sst s3  }
0xc: {  	[smem:$0x3FAF] =	sst s4  }
0xd: {  	[smem:$0x3FB0] =	sst s5  }
0xe: {  	[smem:$0x3FB1] =	sst s6  }
0xf: {  	[smem:$0x3FB2] =	sst s7  }
0x10: {  	[smem:$0x3FB3] =	sst s8  }
0x11: {  	[smem:$0x3FB4] =	sst s9;
	s0 =	simm.s32 @!p0 $0x0  }
0x12: {  	s1 =	sld [smem:$0x3F9A];
	s0 =	simm.s32 @p0 $0x1  }
0x13: {  	[smem:$0x3FB5] =	sst s0;
	s0 =	simm.s32 @!p1 $0x0  }
0x14: {  	s2 =	sld [smem:$0x3F99];
	s0 =	simm.s32 @p1 $0x1  }
0x15: {  	[smem:$0x3FB6] =	sst s0;
	s0 =	simm.s32 @!p2 $0x0  }
0x16: {  	s3 =	sld [smem:$0x3FDB];
	s0 =	simm.s32 @p2 $0x1  }
0x17: {  	s4 =	simm.s32 $0x1BF5;
	[smem:$0x3FB8] =	sst s0  }
0x18: {  	s0 =	sld [smem:$0x3F9B];
	_ =	swait.ge [sflag:s4], $0x0  }
0x19: {  	s7 =	sld [smem:$0x3F9C]  }
0x1a: {  	s8 =	sadd.s32 $0xFFFFE003, lr  }
0x1b: {  	s9 =	sadd.s32 $0xFFFFFEF7, lr;
	s5 =	simm.s32 $0xFFFFFFFF;
	p2 =	slt.u32 s8, $0xFFFFF086  }
0x1c: {  	p1 =	slt.u32 s9, $0xF7A;
	s5 =	simm.s32 @!p2 $0x0  }
0x1d: {  	s5 =	simm.s32 @p1 $0x1;
	p0 =	seq.s32 s7, s2  }
0x1e: {  	s7 =	smul.u32 @!p0 $0xF7A, s2;
	p2 =	seq.s32 @!p0 s5, $0x0  }
0x1f: {  	s9 =	smul.u32 $0xF7A, s1;
	s8 =	simm.s32 @!p0 $0x1BF5;
	p2 =	por !p2, p0  }
0x20: {  	[sflag:s8] =	ssyncset.s32 @!p0 $0xFFFFF086;
	s6 =	sadd.s32 @!p0 s3, s7;
	s7 =	simm.s32 @!p0 $0x108  }
0x21: {  	s3 =	sadd.s32 s3, s9;
	s6 =	sadd.s32 @!p0 $0x88, s6;
	s7 =	simm.s32 @p2 $0x1082  }
0x22: {  	[simem:s7], [sflag:s8] =	dma.local @!p0 [hbm:s6], $0xF7A  }
0x23: {  	s9 =	sor.u32 $0xD0000000, s2;
	s6 =	simm.s32 $0x108;
	_ =	swait.ge @!p0 [sflag:s8], $0x0  }
0x24: {  	s3 =	sadd.s32 $0x88, s3;
	s6 =	simm.s32 @!p1 $0x1082;
	[sflag:s4] =	ssyncset.s32 $0xFFFFF086  }
0x25: {  	[simem:s6], [sflag:s4] =	dma.local [hbm:s3], $0xF7A  }
0x26: {  	[smem:$0x3F9C] =	sst s1;
	(tag) =	ssettag s2;
	_ =	strace s9  }
0x27: {  	s1 =	sld [smem:$0x3FAC]  }
0x28: {  	s2 =	sld [smem:$0x3FAD]  }
0x29: {  	s4 =	sld [smem:$0x3FAF]  }
0x2a: {  	p0 =	seq.s32 s5, $0x0;
	s5 =	sld [smem:$0x3FB0]  }
0x2b: {  	s6 =	sld [smem:$0x3FB1]  }
0x2c: {  	s7 =	sld [smem:$0x3FB2]  }
0x2d: {  	s3 =	simm.s32 $0x108;
	s8 =	sld [smem:$0x3FB3]  }
0x2e: {  	s3 =	simm.s32 @!p0 $0x1082;
	s9 =	sld [smem:$0x3FB4]  }
0x2f: {  	lr =	sadd.s32 s0, s3;
	s0 =	sld [smem:$0x3FAB]  }
0x30: {  	s3 =	sld [smem:$0x3FAE]  }
0x31: {  	[smem:$0x3FB7] =	sst s10  }
0x32: {  	s10 =	sld [smem:$0x3FB5];
	_ =	sdelay $0x3  }
0x33: {  	p0 =	seq.s32 s10, $0x1;
	s10 =	sld [smem:$0x3FB7];
	_ =	sdelay $0x3  }
0x34: {  	[smem:$0x3FB7] =	sst s10  }
0x35: {  	s10 =	sld [smem:$0x3FB6];
	_ =	sdelay $0x3  }
0x36: {  	p1 =	seq.s32 s10, $0x1;
	s10 =	sld [smem:$0x3FB7];
	_ =	sdelay $0x3  }
0x37: {  	[smem:$0x3FB7] =	sst s10  }
0x38: {  	s10 =	sld [smem:$0x3FB8]  }
0x39: {  	_ = 	snop;
	(pc) =	sbr.ind lr, $3  }
0x3a: {  	_ = 	snop  }
0x3b: {  	_ = 	snop  }
0x3c: {  	p2 =	seq.s32 s10, $0x1;
	s10 =	sld [smem:$0x3FB7]  }
0x3d: {  	_ =	shalt  }
0x3e: {  	_ =	shalt  }
0x3f: {  	_ =	shalt  }
0x40: {  	_ =	shalt  }
0x41: {  	_ =	shalt  }
0x42: {  	_ =	shalt  }
0x43: {  	_ =	shalt  }
0x44: {  	_ =	shalt  }
0x45: {  	_ =	shalt  }
0x46: {  	_ =	shalt  }
0x47: {  	_ =	shalt  }
0x48: {  	_ =	shalt  }
0x49: {  	_ =	shalt  }
0x4a: {  	_ =	shalt  }
0x4b: {  	_ =	shalt  }
0x4c: {  	_ =	shalt  }
0x4d: {  	_ =	shalt  }
0x4e: {  	_ =	shalt  }
0x4f: {  	_ =	shalt  }
0x50: {  	_ =	shalt  }
0x51: {  	_ =	shalt  }
0x52: {  	_ =	shalt  }
0x53: {  	_ =	shalt  }
0x54: {  	_ =	shalt  }
0x55: {  	_ =	shalt  }
0x56: {  	_ =	shalt  }
0x57: {  	_ =	shalt  }
0x58: {  	_ =	shalt  }
0x59: {  	_ =	shalt  }
0x5a: {  	_ =	shalt  }
0x5b: {  	_ =	shalt  }
0x5c: {  	_ =	shalt  }
0x5d: {  	_ =	shalt  }
0x5e: {  	_ =	shalt  }
0x5f: {  	_ =	shalt  }
0x60: {  	_ =	shalt  }
0x61: {  	_ =	shalt  }
0x62: {  	_ =	shalt  }
0x63: {  	_ =	shalt  }
0x64: {  	_ =	shalt  }
0x65: {  	_ =	shalt  }
0x66: {  	_ =	shalt  }
0x67: {  	_ =	shalt  }
0x68: {  	_ =	shalt  }
0x69: {  	_ =	shalt  }
0x6a: {  	_ =	shalt  }
0x6b: {  	_ =	shalt  }
0x6c: {  	_ =	shalt  }
0x6d: {  	_ =	shalt  }
0x6e: {  	_ =	shalt  }
0x6f: {  	_ =	shalt  }
0x70: {  	_ =	shalt  }
0x71: {  	_ =	shalt  }
0x72: {  	_ =	shalt  }
0x73: {  	_ =	shalt  }
0x74: {  	_ =	shalt  }
0x75: {  	_ =	shalt  }
0x76: {  	_ =	shalt  }
0x77: {  	_ =	shalt  }
0x78: {  	_ =	shalt  }
0x79: {  	_ =	shalt  }
0x7a: {  	_ =	shalt  }
0x7b: {  	_ =	shalt  }
0x7c: {  	_ =	shalt  }
0x7d: {  	_ =	shalt  }
0x7e: {  	_ =	shalt  }
0x7f: {  	_ =	shalt  }
0x80: {  	_ =	shalt  }
0x81: {  	_ =	shalt  }
0x82: {  	_ =	shalt  }
0x83: {  	_ =	shalt  }
0x84: {  	_ =	shalt  }
0x85: {  	_ =	shalt  }
0x86: {  	_ =	shalt  }
0x87: {  	_ =	shalt  }
.Lfunc_end0:
.L_simem_size_0:
called_computation.5_lowered:
.L_overlay_start_0:
0x88: {  	s2 =	sld [smem:$0x3FD9]  }
0x89: {  	s3 =	sld [smem:$0x3FFE];
	_ =	sdelay $0x1  }
0x8a: {  	s1 =	srdreg.scid  }
0x8b: {  	s0 =	sand.u32 $0x1, s1  }
0x8c: {  	s14 =	sshll.u32 s0, $0xA;
	s2 =	sadd.s32 s3, s2  }
0x8d: {  	s2 =	sadd.s32 s2, s14  }
0x8e: {  	[smem:$0x3FC3] =	sst s2  }
0x8f: {  	_ = 	snop  }
0x90: {  	s2 =	sld [smem:$0x3FD0];
	_ =	sdelay $0x2  }
0x91: {  	s15 =	simm.s32 $0xB;
	s4 =	simm.s32 $0x10  }
0x92: {  	[smem:s4], [sflag:s15] =	dma.local [hbm:s2], $0x1  }
0x93: {  	_ =	swait.eq [sflag:s15], $0x1  }
0x94: {  	[sflag:s15] =	ssyncset.done $0x0  }
0x95: {  	s16 =	sld [smem:$0x10];
	[sflag:s15] =	ssyncadd.s32 $0xFFFFFFFF  }
0x96: {  	s17 =	sld [smem:$0x11];
	(tm) =	ssettm $0x1  }
0x97: {  	s18 =	sld [smem:$0x3FFB];
	_ =	sdelay $0x3  }
0x98: {  	_ =	strace s18  }
0x99: {  	s4 =	sld [smem:$0x3FFC];
	_ =	sdelay $0x3  }
0x9a: {  	_ =	strace s4  }
0x9b: {  	s4 =	sld [smem:$0x3FFD];
	_ =	sdelay $0x3  }
0x9c: {  	_ =	strace s4  }
0x9d: {  	_ =	strace $0x8FFFFFFF  }
0x9e: {  	s19 =	sld [smem:$0x3FDB];
	_ =	sdelay $0x1  }
0x9f: {  	s5 =	simm.s32 $_scs_section_size  }
0xa0: {  	s6 =	simm.s32 $_size__tile_overlayer_lowered;
	s7 =	simm.s32 $_tile_overlayer_lowered  }
0xa1: {  	s22 =	simm.s32 $0x1BFF;
	s21 =	sshll.u32 s7, $0x1;
	s4 =	sadd.s32 s5, s19  }
0xa2: {  	s8 =	simm.s32 $0x0;
	s20 =	sshll.u32 s6, $0x1;
	s6 =	sadd.s32 s21, s4  }
0xa3: {  	[timem:s8], [sflag:s22] =	dma.local [hbm:s6], s20  }
0xa4: {  	_ =	swait.ge [sflag:s22], s20  }
0xa5: {  	s5 =	ssub.s32 $0x0, s20;
	[sflag:s22] =	ssyncset.done $0x0  }
0xa6: {  	[sflag:s22] =	ssyncadd.s32 s5;
	_ =	sdelay $0x1  }
0xa7: {  	s23 =	simm.s32 $0x1B8B  }
0xa8: {  	_ =	swait.ge [sflag:s23], $0x1  }
0xa9: {  	[sflag:s23] =	ssyncset.done $0x0  }
0xaa: {  	s25 =	simm.s32 $0x1B8E;
	s24 =	sld [smem:$0x3FFE];
	[sflag:s23] =	ssyncadd.s32 $0xFFFFFFFF  }
0xab: {  	s26 =	simm.s32 $execute0_lowered;
	[smem:$0x3FD2] =	sst s25  }
0xac: {  	s6 =	sshll.u32 s26, $0x1;
	_ =	strace $0x8000004F;
	[dreg:$0x1] =	wrdreg $0xFFFFFFFF  }
0xad: {  	s28 =	simm.s32 $_size_execute0_lowered;
	s4 =	sadd.s32 s4, s6;
	[dreg:$0x0] =	wrdreg $0x0  }
0xae: {  	s6 =	sshll.u32 s28, $0x1;
	[dreg:$0x2] =	wrdreg s4  }
0xaf: {  	[dreg:$0x3] =	wrdreg s6  }
0xb0: {  	[dreg:$0x4] =	wrdreg $0xC0  }
0xb1: {  	_ =	task [dreg:s8], $0x5FFFF  }
0xb2: {  	[dreg:$0x1] =	wrdreg $0xFFFFFFFF  }
0xb3: {  	[dreg:$0x0] =	wrdreg $0x60  }
0xb4: {  	[dreg:$0x2] =	wrdreg s16  }
0xb5: {  	[dreg:$0x3] =	wrdreg s17  }
0xb6: {  	[dreg:$0x4] =	wrdreg s24  }
0xb7: {  	[dreg:$0x5] =	wrdreg $0xA  }
0xb8: {  	_ =	task.clear_ibuf [dreg:s8], $0x6FFFF;
	_ =	strace $0x9000004F  }
0xb9: {  	s29 =	simm.s32 $0xA;
	_ =	strace $0x80000051  }
0xba: {  	_ =	swait.ge [sflag:s29], $0x1  }
0xbb: {  	[sflag:s29] =	ssyncadd.s32 $0xFFFFFFFF  }
0xbc: {  	_ =	strace $0x90000051  }
0xbd: {  	_ =	sfence  }
0xbe: {  	s30 =	sld [smem:$0x0];
	_ =	sdelay $0x2  }
0xbf: {  	s31 =	sshll.u32 s1, $0xD;
	s1 =	sshrl.u32 s1, $0x2  }
0xc0: {  	s3 =	sand.u32 $0x4000, s31;
	s1 =	sadd.s32 s1, s30  }
0xc1: {  	s0 =	sor.u32 s3, s0;
	s1 =	sshll.u32 s1, $0x11  }
0xc2: {  	s0 =	sor.u32 s1, s0  }
0xc3: {  	s0 =	sadd.s32 $0x8F2B, s0  }
0xc4: {  	[sflag:s0] =	ssyncadd.remote.s32 $0x1  }
0xc5: {  	_ =	sfence.sel $0xFFFF  }
0xc6: {  	[dreg:$0x0] =	wrdreg $0xFFFFFFFF;
	(pc) =	sbr.abs _section_cstart, $3  }
0xc7: {  	[dreg:$0x1] =	wrdreg $0xFFFFFFFF  }
0xc8: {  	_ =	task.clear_ibuf [dreg:s8], $0x2FFFF;
	_ =	strace $0x9FFFFFFF  }
0xc9: {  	(tm) =	ssettm $0x7FFFFFFF  }
tec
execute0_lowered:
.L_overlay_start_1:
0x0: {  	(tag) =	ssettag $0x1  }
0x1: {  	s2 =	rddreg [dreg:$0x0]  }
0x2: {  	s4 =	rddreg [dreg:$0x1]  }
0x3: {  	s1 =	srdreg.scid;
	s0 =	stileid.u32  }
0x4: {  	s14 =	rddreg [dreg:$0x2];
	s19 =	sand.u32 $0x1, s1;
	s5 =	sshll.u32 s0, $0x1  }
0x5: {  	s3 =	simm.s32 $0x0;
	s1 =	rddreg [dreg:$0x3];
	s15 =	sor.u32 s19, s5  }
0x6: {  	[smem:$0x7FF] =	sst s3;
	s5 =	sshll.u32 s15, $0x7  }
0x7: {  	_ =	strace $0x80000050;
	s5 =	sadd.s32 s4, s5;
	s4 =	simm.s32 $0x2  }
0x8: {  	[tilespmem:s3], [sflag:$0x2] =	stream.linear.gather [hbm4b:s5+s3], $0x400, $0x38;
	[tilespmem:$0x10400] =	vst v63  }
0x9: {  	_ =	swait.ge [sflag:s4], $0x400  }
0xa: {  	[sflag:s4] =	ssyncset.done $0x0  }
0xb: {  	s6 =	simm.s32 $0x80;
	s7 =	simm.s32 $0x400;
	[sflag:s4] =	ssyncadd.s32 $0xFFFFFC00  }
0xc: {  	[tilespmem:s7], [sflag:$0x1] =	stream.indirect.gather [hbm4b:s2+s6], $0x80, s3, s6, $0xb8;
	[tilespmem:$0x10400] =	vst v63  }
0xd: {  	s8 =	simm.s32 $0x4400  }
0xe: {  	[tilespmem:s8], [sflag:$0x1] =	stream.indirect.gather [hbm4b:s2+s6], $0x80, s6, s6, $0xb8;
	[tilespmem:$0x10400] =	vst v63  }
0xf: {  	s9 =	simm.s32 $0x100;
	s10 =	simm.s32 $0x8400  }
0x10: {  	[tilespmem:s10], [sflag:$0x1] =	stream.indirect.gather [hbm4b:s2+s6], $0x80, s9, s6, $0xb8;
	[tilespmem:$0x10400] =	vst v63  }
0x11: {  	s11 =	simm.s32 $0x180;
	s12 =	simm.s32 $0xC400;
	s13 =	simm.s32 $0x1  }
0x12: {  	[tilespmem:s12], [sflag:$0x1] =	stream.indirect.gather [hbm4b:s2+s6], $0x80, s11, s6, $0xb8;
	[tilespmem:$0x10400] =	vst v63  }
0x13: {  	_ =	swait.ge [sflag:s13], $0x4000  }
0x14: {  	[sflag:s13] =	ssyncset.done $0x0  }
0x15: {  	[sflag:s13] =	ssyncadd.s32 $0xFFFFC000  }
0x16: {  	_ =	swait.ge [sflag:s13], $0x4000  }
0x17: {  	[sflag:s13] =	ssyncset.done $0x0  }
0x18: {  	[sflag:s13] =	ssyncadd.s32 $0xFFFFC000  }
0x19: {  	_ =	swait.ge [sflag:s13], $0x4000  }
0x1a: {  	[sflag:s13] =	ssyncset.done $0x0  }
0x1b: {  	[sflag:s13] =	ssyncadd.s32 $0xFFFFC000  }
0x1c: {  	s15 =	sshll.u32 s15, $0xE;
	_ =	swait.ge [sflag:s13], $0x4000  }
0x1d: {  	s20 =	sadd.s32 s15, s14;
	[sflag:s13] =	ssyncset.done $0x0  }
0x1e: {  	s14 =	sadd.s32 $0x289400, s20;
	[sflag:s13] =	ssyncadd.s32 $0xFFFFC000  }
0x1f: {  	[hbm4b:s14+s3] =	stream.linear.scatter [tilespmem:s7], [sflag:$0x2], $0x10000, $0x38;
	[tilespmem:$0x10400] =	vst v63  }
0x20: {  	_ =	swait.ge [sflag:s4], $0x10000  }
0x21: {  	[sflag:s4] =	ssyncset.done $0x0  }
0x22: {  	s15 =	simm.s32 $0x200;
	[sflag:s4] =	ssyncadd.s32 $0xFFFF0000  }
0x23: {  	[tilespmem:s7], [sflag:$0x1] =	stream.indirect.gather [hbm4b:s2+s6], $0x80, s15, s6, $0xb8;
	[tilespmem:$0x10400] =	vst v63  }
0x24: {  	s16 =	simm.s32 $0x280  }
0x25: {  	[tilespmem:s8], [sflag:$0x1] =	stream.indirect.gather [hbm4b:s2+s6], $0x80, s16, s6, $0xb8;
	[tilespmem:$0x10400] =	vst v63  }
0x26: {  	s17 =	simm.s32 $0x300  }
0x27: {  	[tilespmem:s10], [sflag:$0x1] =	stream.indirect.gather [hbm4b:s2+s6], $0x80, s17, s6, $0xb8;
	[tilespmem:$0x10400] =	vst v63  }
0x28: {  	s18 =	simm.s32 $0x380  }
0x29: {  	[tilespmem:s12], [sflag:$0x1] =	stream.indirect.gather [hbm4b:s2+s6], $0x80, s18, s6, $0xb8;
	[tilespmem:$0x10400] =	vst v63  }
0x2a: {  	_ =	swait.ge [sflag:s13], $0x4000  }
0x2b: {  	[sflag:s13] =	ssyncset.done $0x0  }
0x2c: {  	[sflag:s13] =	ssyncadd.s32 $0xFFFFC000  }
0x2d: {  	_ =	swait.ge [sflag:s13], $0x4000  }
0x2e: {  	[sflag:s13] =	ssyncset.done $0x0  }
0x2f: {  	s19 =	ssub.s32 $0x2, s19;
	[sflag:s13] =	ssyncadd.s32 $0xFFFFC000  }
0x30: {  	s21 =	sshrl.u32 s19, $0x1;
	_ =	swait.ge [sflag:s13], $0x4000  }
0x31: {  	s21 =	ssub.s32 s19, s21;
	[sflag:s13] =	ssyncset.done $0x0  }
0x32: {  	s31 =	smax.u32 s21, $0x1;
	[sflag:s13] =	ssyncadd.s32 $0xFFFFC000  }
0x33: {  	p0 =	sne.s32 s31, $0x1;
	_ =	swait.ge [sflag:s13], $0x4000  }
.Ltmp0:
0x34: {  	[sflag:s13] =	ssyncset.done $0x0;
	(pc) =	sbr.rel @!p0 .LBB2_2-.Ltmp0, $4  }
0x35: {  	s19 =	sadd.s32 $0x28B400, s20;
	[sflag:s13] =	ssyncadd.s32 $0xFFFFC000  }
0x36: {  	[hbm4b:s19+s3] =	stream.linear.scatter [tilespmem:s7], [sflag:$0x2], $0x10000, $0x38;
	[tilespmem:$0x10400] =	vst v63  }
0x37: {  	_ =	swait.ge [sflag:s4], $0x10000  }
0x38: {  	s20 =	sadd.s32 $0xFFFFFFFF, s31;
	[sflag:s4] =	ssyncset.done $0x0  }
.LBB2_1:
0x39: {  	p0 =	sne.s32 s20, $0x1;
	s20 =	sadd.s32 $0xFFFFFFFF, s20;
	[sflag:s4] =	ssyncadd.s32 $0xFFFF0000  }
0x3a: {  	[tilespmem:s3], [sflag:$0x2] =	stream.linear.gather [hbm4b:s5+s3], $0x400, $0x38;
	[tilespmem:$0x10400] =	vst v63  }
0x3b: {  	_ =	swait.ge [sflag:s4], $0x400  }
0x3c: {  	[sflag:s4] =	ssyncset.done $0x0  }
0x3d: {  	[sflag:s4] =	ssyncadd.s32 $0xFFFFFC00  }
0x3e: {  	[tilespmem:s7], [sflag:$0x1] =	stream.indirect.gather [hbm4b:s2+s6], $0x80, s3, s6, $0xb8;
	[tilespmem:$0x10400] =	vst v63  }
0x3f: {  	_ = 	snop  }
0x40: {  	[tilespmem:s8], [sflag:$0x1] =	stream.indirect.gather [hbm4b:s2+s6], $0x80, s6, s6, $0xb8;
	[tilespmem:$0x10400] =	vst v63  }
0x41: {  	_ = 	snop  }
0x42: {  	[tilespmem:s10], [sflag:$0x1] =	stream.indirect.gather [hbm4b:s2+s6], $0x80, s9, s6, $0xb8;
	[tilespmem:$0x10400] =	vst v63  }
0x43: {  	_ = 	snop  }
0x44: {  	[tilespmem:s12], [sflag:$0x1] =	stream.indirect.gather [hbm4b:s2+s6], $0x80, s11, s6, $0xb8;
	[tilespmem:$0x10400] =	vst v63  }
0x45: {  	_ =	swait.ge [sflag:s13], $0x4000  }
0x46: {  	[sflag:s13] =	ssyncset.done $0x0  }
0x47: {  	[sflag:s13] =	ssyncadd.s32 $0xFFFFC000  }
0x48: {  	_ =	swait.ge [sflag:s13], $0x4000  }
0x49: {  	[sflag:s13] =	ssyncset.done $0x0  }
0x4a: {  	[sflag:s13] =	ssyncadd.s32 $0xFFFFC000  }
0x4b: {  	_ =	swait.ge [sflag:s13], $0x4000  }
0x4c: {  	[sflag:s13] =	ssyncset.done $0x0  }
0x4d: {  	[sflag:s13] =	ssyncadd.s32 $0xFFFFC000  }
0x4e: {  	_ =	swait.ge [sflag:s13], $0x4000  }
0x4f: {  	[sflag:s13] =	ssyncset.done $0x0  }
0x50: {  	[sflag:s13] =	ssyncadd.s32 $0xFFFFC000  }
0x51: {  	[hbm4b:s14+s3] =	stream.linear.scatter [tilespmem:s7], [sflag:$0x2], $0x10000, $0x38;
	[tilespmem:$0x10400] =	vst v63  }
0x52: {  	_ =	swait.ge [sflag:s4], $0x10000  }
0x53: {  	[sflag:s4] =	ssyncset.done $0x0  }
0x54: {  	[sflag:s4] =	ssyncadd.s32 $0xFFFF0000  }
0x55: {  	[tilespmem:s7], [sflag:$0x1] =	stream.indirect.gather [hbm4b:s2+s6], $0x80, s15, s6, $0xb8;
	[tilespmem:$0x10400] =	vst v63  }
0x56: {  	_ = 	snop  }
0x57: {  	[tilespmem:s8], [sflag:$0x1] =	stream.indirect.gather [hbm4b:s2+s6], $0x80, s16, s6, $0xb8;
	[tilespmem:$0x10400] =	vst v63  }
0x58: {  	_ = 	snop  }
0x59: {  	[tilespmem:s10], [sflag:$0x1] =	stream.indirect.gather [hbm4b:s2+s6], $0x80, s17, s6, $0xb8;
	[tilespmem:$0x10400] =	vst v63  }
0x5a: {  	_ = 	snop  }
0x5b: {  	[tilespmem:s12], [sflag:$0x1] =	stream.indirect.gather [hbm4b:s2+s6], $0x80, s18, s6, $0xb8;
	[tilespmem:$0x10400] =	vst v63  }
0x5c: {  	_ =	swait.ge [sflag:s13], $0x4000  }
0x5d: {  	[sflag:s13] =	ssyncset.done $0x0  }
0x5e: {  	[sflag:s13] =	ssyncadd.s32 $0xFFFFC000  }
0x5f: {  	_ =	swait.ge [sflag:s13], $0x4000  }
0x60: {  	[sflag:s13] =	ssyncset.done $0x0  }
0x61: {  	[sflag:s13] =	ssyncadd.s32 $0xFFFFC000  }
0x62: {  	_ =	swait.ge [sflag:s13], $0x4000  }
0x63: {  	[sflag:s13] =	ssyncset.done $0x0  }
0x64: {  	[sflag:s13] =	ssyncadd.s32 $0xFFFFC000  }
0x65: {  	_ =	swait.ge [sflag:s13], $0x4000  }
.Ltmp1:
0x66: {  	[sflag:s13] =	ssyncset.done $0x0;
	(pc) =	sbr.rel @p0 .LBB2_1-.Ltmp1, $4  }
0x67: {  	[sflag:s13] =	ssyncadd.s32 $0xFFFFC000  }
0x68: {  	[hbm4b:s19+s3] =	stream.linear.scatter [tilespmem:s7], [sflag:$0x2], $0x10000, $0x38;
	[tilespmem:$0x10400] =	vst v63  }
0x69: {  	_ =	swait.ge [sflag:s4], $0x10000  }
0x6a: {  	[sflag:s4] =	ssyncset.done $0x0  }
.LBB2_2:
0x6b: {  	[sflag:s4] =	ssyncadd.s32 $0xFFFF0000  }
0x6c: {  	_ =	sfence.sel $0x180000  }
0x6d: {  	[bflag:$0x0] =	sbarrier.arrive $0xFFFF  }
0x6e: {  	p0 =	sne.s32 s0, $0x0;
	_ =	strace $0x90000050  }
0x6f: {  	s0 =	sadd.s32 @!p0 $0x100000, s1;
	[bflag:$0x2] =	sbarrier.arrive $0xFFFF  }
0x70: {  	[sflag:s0] =	ssyncadd.tile.s32 @!p0 $0x1;
	_ =	shalt  }
.Lfunc_end2:
_tile_overlayer_lowered:
.L_overlay_start_2:
0x71: {  	(tag) =	ssettag $0x2  }
0x72: {  	s0 =	rddreg [dreg:$0x0];
	s2 =	stileid.u32  }
0x73: {  	s1 =	rddreg [dreg:$0x1];
	p0 =	sne.s32 s2, $0x0  }
0x74: {  	s3 =	rddreg [dreg:$0x2];
	[bflag:$0x3] =	sbarrier.arrive $0xFFFF;
	s2 =	simm.s32 @!p0 $0x1C02  }
0x75: {  	[timem:s3], [sflag:s2] =	dma.local @!p0 [hbm:s0], s1  }
0x76: {  	s0 =	simm.s32 @!p0 $0x2  }
0x77: {  	_ =	swait.ge @!p0 [sflag:s0], s1  }
0x78: {  	s1 =	ssub.s32 @!p0 $0x0, s1;
	[sflag:s0] =	ssyncset.done @!p0 $0x0  }
0x79: {  	[sflag:s0] =	ssyncadd.s32 @!p0 s1  }
0x7a: {  	[bflag:$0x3] =	sbarrier.arrive $0xFFFF  }
0x7b: {  	_ =	shalt  }

// kernel: sparse-core-data-format-call.1.cloned.1.call-start
scs
called_computation.1_lowered:
.L_overlay_start_0:
0x0: {  	s2 =	sld [smem:$0x3FD9]  }
0x1: {  	s3 =	sld [smem:$0x3FFE];
	_ =	sdelay $0x1  }
0x2: {  	s1 =	srdreg.scid  }
0x3: {  	s0 =	sand.u32 $0x1, s1  }
0x4: {  	s16 =	sshll.u32 s0, $0xA;
	s2 =	sadd.s32 s3, s2  }
0x5: {  	s2 =	sadd.s32 s2, s16  }
0x6: {  	[smem:$0x3FC3] =	sst s2  }
0x7: {  	_ = 	snop  }
0x8: {  	s2 =	sld [smem:$0x3FD0];
	_ =	sdelay $0x2  }
0x9: {  	s17 =	simm.s32 $0xB;
	s4 =	simm.s32 $0x10  }
0xa: {  	[smem:s4], [sflag:s17] =	dma.local [hbm:s2], $0x1  }
0xb: {  	_ =	swait.eq [sflag:s17], $0x1  }
0xc: {  	[sflag:s17] =	ssyncset.done $0x0  }
0xd: {  	[sflag:s17] =	ssyncadd.s32 $0xFFFFFFFF  }
0xe: {  	s18 =	sld [smem:$0x12];
	(tm) =	ssettm $0x1  }
0xf: {  	s19 =	sld [smem:$0x3FFB];
	_ =	sdelay $0x3  }
0x10: {  	_ =	strace s19  }
0x11: {  	s2 =	sld [smem:$0x3FFC];
	_ =	sdelay $0x3  }
0x12: {  	_ =	strace s2  }
0x13: {  	s2 =	sld [smem:$0x3FFD];
	_ =	sdelay $0x3  }
0x14: {  	_ =	strace s2  }
0x15: {  	_ =	strace $0x8FFFFFFF  }
0x16: {  	s20 =	sld [smem:$0x3FDB];
	_ =	sdelay $0x1  }
0x17: {  	s21 =	simm.s32 $_scs_section_size  }
0x18: {  	s5 =	simm.s32 $_size__tile_overlayer_lowered;
	s6 =	simm.s32 $_tile_overlayer_lowered  }
0x19: {  	s7 =	simm.s32 $0x1BFF;
	s22 =	sshll.u32 s6, $0x1;
	s4 =	sadd.s32 s21, s20  }
0x1a: {  	s23 =	simm.s32 $0x0;
	s5 =	sshll.u32 s5, $0x1;
	s6 =	sadd.s32 s22, s4  }
0x1b: {  	[timem:s23], [sflag:s7] =	dma.local [hbm:s6], s5  }
0x1c: {  	_ =	swait.ge [sflag:s7], s5  }
0x1d: {  	s5 =	ssub.s32 $0x0, s5;
	[sflag:s7] =	ssyncset.done $0x0  }
0x1e: {  	[sflag:s7] =	ssyncadd.s32 s5;
	_ =	sdelay $0x1  }
0x1f: {  	s24 =	simm.s32 $0x1B8B  }
0x20: {  	_ =	swait.ge [sflag:s24], $0x1  }
0x21: {  	[sflag:s24] =	ssyncset.done $0x0  }
0x22: {  	[sflag:s24] =	ssyncadd.s32 $0xFFFFFFFF  }
0x23: {  	s5 =	sld [smem:$0x0]  }
0x24: {  	s6 =	sand.u32 $0xFFFFFFFE, s1  }
0x25: {  	p0 =	sne.s32 s1, s6  }
0x26: {  	s6 =	sshll.u32 @p0 s6, $0xE  }
0x27: {  	s6 =	sadd.s32 @p0 $0x11B8D, s6;
	s7 =	sshll.u32 @p0 s5, $0x11  }
0x28: {  	s6 =	sor.u32 @p0 s7, s6  }
0x29: {  	[sflag:s6] =	ssyncadd.remote.s32 @p0 $0x1;
	_ =	sdelay $0x1  }
0x2a: {  	s6 =	simm.s32 @p0 $0x1B8D  }
0x2b: {  	_ =	swait.eq @p0 [sflag:s6], $0x1  }
0x2c: {  	[sflag:s6] =	ssyncadd.s32 @p0 $0xFFFFFFFF  }
0x2d: {  	s7 =	sshll.u32 @!p0 s1, $0xE  }
0x2e: {  	s7 =	sor.u32 @!p0 $0x4000, s7;
	s6 =	simm.s32 @!p0 $0x1B8D  }
0x2f: {  	s5 =	sshll.u32 @!p0 s5, $0x11;
	s7 =	sadd.s32 @!p0 $0x11B8D, s7;
	_ =	swait.eq @!p0 [sflag:s6], $0x1  }
0x30: {  	s5 =	sor.u32 @!p0 s5, s7;
	[sflag:s6] =	ssyncadd.s32 @!p0 $0xFFFFFFFF  }
0x31: {  	s26 =	simm.s32 $0x1B8E;
	s25 =	sld [smem:$0x3FFE];
	[sflag:s5] =	ssyncadd.remote.s32 @!p0 $0x1  }
0x32: {  	s27 =	simm.s32 $execute0_lowered;
	[smem:$0x3FD2] =	sst s26  }
0x33: {  	s6 =	sshll.u32 s27, $0x1;
	_ =	strace $0x80000052;
	[dreg:$0x1] =	wrdreg $0xFFFFFFFF  }
0x34: {  	s28 =	simm.s32 $_size_execute0_lowered;
	s4 =	sadd.s32 s4, s6;
	[dreg:$0x0] =	wrdreg $0x0  }
0x35: {  	s6 =	sshll.u32 s28, $0x1;
	[dreg:$0x2] =	wrdreg s4  }
0x36: {  	[dreg:$0x3] =	wrdreg s6  }
0x37: {  	[dreg:$0x4] =	wrdreg $0xC0  }
0x38: {  	_ =	task [dreg:s23], $0x5FFFF  }
0x39: {  	[dreg:$0x1] =	wrdreg $0xFFFFFFFF  }
0x3a: {  	[dreg:$0x0] =	wrdreg $0x60  }
0x3b: {  	[dreg:$0x2] =	wrdreg s25  }
0x3c: {  	[dreg:$0x3] =	wrdreg s18  }
0x3d: {  	[dreg:$0x4] =	wrdreg $0x9  }
0x3e: {  	_ =	task.clear_ibuf [dreg:s23], $0x5FFFF;
	_ =	strace $0x90000052  }
0x3f: {  	s29 =	simm.s32 $0x9;
	_ =	strace $0x80000054  }
0x40: {  	_ =	swait.ge [sflag:s29], $0x1  }
0x41: {  	[sflag:s29] =	ssyncadd.s32 $0xFFFFFFFF  }
0x42: {  	_ =	strace $0x90000054  }
0x43: {  	_ =	sfence  }
0x44: {  	s30 =	sld [smem:$0x0];
	_ =	sdelay $0x2  }
0x45: {  	s31 =	sshll.u32 s1, $0xD;
	s1 =	sshrl.u32 s1, $0x2  }
0x46: {  	s4 =	sand.u32 $0x4000, s31;
	s1 =	sadd.s32 s1, s30  }
0x47: {  	s0 =	sor.u32 s4, s0;
	s1 =	sshll.u32 s1, $0x11  }
0x48: {  	s0 =	sor.u32 s1, s0  }
0x49: {  	s0 =	sadd.s32 $0x8F2B, s0  }
0x4a: {  	[sflag:s0] =	ssyncadd.remote.s32 $0x1  }
0x4b: {  	_ =	sfence.sel $0xFFFF  }
0x4c: {  	[dreg:$0x0] =	wrdreg $0xFFFFFFFF;
	(pc) =	sbr.abs _section_cstart, $3  }
0x4d: {  	[dreg:$0x1] =	wrdreg $0xFFFFFFFF  }
0x4e: {  	_ =	task.clear_ibuf [dreg:s23], $0x2FFFF;
	_ =	strace $0x9FFFFFFF  }
0x4f: {  	(tm) =	ssettm $0x7FFFFFFF  }
tec
execute0_lowered:
.L_overlay_start_1:
0x0: {  	(tag) =	ssettag $0x1  }
0x1: {  	s0 =	stileid.u32  }
0x2: {  	s1 =	srdreg.scid;
	s8 =	rddreg [dreg:$0x0];
	s31 =	simm.s32 $0x2  }
0x3: {  	s14 =	simm.s32 $0x0;
	s15 =	simm.s32 $0x0;
	s13 =	simm.s32 $0x0  }
0x4: {  	s2 =	sshll.u32 s0, $0x6;
	s1 =	sshll.u32 s1, $0xA;
	s3 =	sshll.u32 s0, $0x1  }
0x5: {  	s1 =	sor.u32 s2, s1;
	s2 =	rddreg [dreg:$0x1];
	s3 =	sand.u32 $0x2, s3  }
0x6: {  	s4 =	sand.u32 $0x780, s1;
	s1 =	rddreg [dreg:$0x2];
	s5 =	ssub.s32 $0x4, s3  }
0x7: {  	_ =	strace $0x80000053;
	s12 =	smov.u32 s3;
	s6 =	ssub.s32 $0x8000, s4  }
0x8: {  	s7 =	sshrl.u32 s5, $0x2;
	s5 =	sshrl.u32 s5, $0x1;
	s9 =	sand.u32 $0x780, s6  }
0x9: {  	s10 =	sand.u32 $0x1, s5;
	p0 =	sne.s32 s9, $0x0;
	s9 =	simm.s32 $0x1  }
.Ltmp0:
0xa: {  	s6 =	sshrl.u32 s6, $0xB;
	s9 =	simm.s32 @!p0 $0x0;
	(pc) =	sbr.rel .LBB1_1-.Ltmp0, $4  }
0xb: {  	s5 =	simm.s32 $0x1;
	s7 =	sadd.s32 s7, s10;
	s6 =	sadd.s32 s9, s6  }
0xc: {  	s11 =	smov.u32 s4;
	[sflag:s5] =	ssyncpa.u1 $0x0;
	s6 =	smul.u32 s7, s6  }
0xd: {  	s10 =	simm.s32 $0x40000;
	[sflag:s31] =	ssyncpa.u1 $0x0;
	p0 =	por $0x0, $0x0  }
0xe: {  	s7 =	sadd.s32 $0x409400, s8;
	s8 =	sadd.s32 $0x489400, s8;
	s9 =	sadd.s32 $0x1, s6  }
.LBB1_7:
0xf: {  	s16 =	sadd.s32 $0x800, s11  }
0x10: {  	s14 =	sadd.s32 $0x4, s12;
	s18 =	smov.u32 s12;
	p2 =	sgt.s32 s16, $0x7FFF  }
0x11: {  	s18 =	smov.u32 @p2 s14  }
0x12: {  	s16 =	smov.u32 @p2 s4;
	p2 =	sgt.s32 s18, $0x3  }
0x13: {  	s18 =	smov.u32 @p2 s3;
	p2 =	sne.s32 s13, s9  }
.Ltmp1:
0x14: {  	p1 =	slt.u32 s13, $0x2;
	(pc) =	sbr.rel @!p2 .LBB1_8-.Ltmp1, $4  }
0x15: {  	s17 =	simm.s32 @!p1 $0x2  }
0x16: {  	s15 =	smov.u32 s12;
	p0 =	por !p0, !p0;
	_ =	swait.ge @!p1 [sflag:s17], $0x4000  }
0x17: {  	s14 =	smov.u32 s11;
	[sflag:s17] =	ssyncset.done @!p1 $0x0;
	s11 =	smov.u32 s16  }
0x18: {  	s13 =	sadd.s32 $0x1, s13;
	[sflag:s17] =	ssyncadd.s32 @!p1 $0xFFFFC000;
	s12 =	smov.u32 s18  }
.LBB1_1:
0x19: {  	p1 =	sge.u32 s13, s6  }
0x1a: {  	s16 =	sxor.u32 @!p1 $0xFFFFFFFF, s13;
	s17 =	sshll.u32 @!p1 s12, $0x13  }
0x1b: {  	s18 =	sshll.u32 @!p1 s11, $0x4;
	s20 =	simm.s32 @!p1 $0x40;
	s21 =	simm.s32 @!p1 $0x80  }
0x1c: {  	s16 =	sshll.u32 @!p1 s16, $0xE;
	s18 =	sand.u32 @!p1 $0x7FFF0, s18;
	s19 =	sadd.s32 @!p1 s7, s17  }
0x1d: {  	s17 =	sadd.s32 @!p1 s17, s8;
	s16 =	sand.u32 @!p1 $0x4000, s16;
	s19 =	sadd.s32 @!p1 s18, s19  }
0x1e: {  	[tilespmem:s16], [sflag:$0x1] =	stream.strided.gather @!p1 [hbm4b:s19+s20], $0x2000, s21, s20, $0x38;
	[tilespmem:$0x10100] =	vst v63  }
0x1f: {  	s31 =	sadd.s32 $0xFFFFFFFF, s13;
	s17 =	sadd.s32 @!p1 s18, s17;
	s16 =	sor.u32 @!p1 $0x2000, s16  }
0x20: {  	[tilespmem:s16], [sflag:$0x1] =	stream.strided.gather @!p1 [hbm4b:s17+s20], $0x2000, s21, s20, $0x38;
	[tilespmem:$0x10100] =	vst v63  }
0x21: {  	p1 =	sge.u32 s31, s6  }
.Ltmp2:
0x22: {  	_ = 	snop;
	(pc) =	sbr.rel @p1 .LBB1_7-.Ltmp2, $1  }
0x23: {  	_ =	sdelay $0x3  }
0x24: {  	s16 =	simm.s32 $0x1;
	s18 =	sand.u32 $0x1, s13  }
0x25: {  	_ =	swait.ge [sflag:s5], $0x4000;
	s16 =	simm.s32 @!p0 $0x0;
	s18 =	smul.u32 $0x10200, s18  }
0x26: {  	p2 =	por $0x1, $0x1;
	[sflag:s5] =	ssyncset.done $0x0;
	s17 =	smul.u32 $0x10200, s16  }
0x27: {  	s19 =	sshll.u32 s16, $0x10;
	[sflag:s5] =	ssyncadd.s32 $0xFFFFC000;
	s30 =	sshrl.u32 s18, $0x2  }
0x28: {  	s31 =	sshrl.u32 s19, $0x2;
	s19 =	simm.s32 $0x0;
	s17 =	sshrl.u32 s17, $0x2  }
0x29: {  	s16 =	sor.u32 $0x8000, s30;
	s18 =	sadd.s32 $0x20, s31;
	s17 =	sor.u32 $0x8000, s17  }
.LBB1_3:
0x2a: {  	s20 =	sshll.u32 s19, $0xD  }
0x2b: {  	s20 =	sand.u32 $0x3FFFE000, s20  }
0x2c: {  	s22 =	sadd.s32 s20, s18  }
0x2d: {  	s31 =	smul.u32 $0x8100, s19;
	v3 =	vld [tilespmem:s22+$0x10]  }
0x2e: {  	v1 =	vld [tilespmem:s22+$0xFFFFFFF0]  }
0x2f: {  	s19 =	sshra.s32 s31, $0x2;
	v0 =	vld [tilespmem:s22+$0x0]  }
0x30: {  	s19 =	sadd.s32 s19, s17;
	v2 =	vld [tilespmem:s22+$0xFFFFFFE0]  }
0x31: {  	s20 =	sadd.s32 $0x0, s19  }
0x32: {  	p1 =	por p2, p2;
	s21 =	simm.s32 $0x4;
	s22 =	sadd.s32 $0x40, s22;
	[tilespmem:s20+$0x1830 ss:$0x81] =	vst.msk $0xffff, v3  }
.LBB1_4:
0x33: {  	v3 =	vld [tilespmem:s22+$0x10];
	p2 =	sne.s32 s21, $0x1FC;
	[tilespmem:s20+$0x810 ss:$0x81] =	vst.msk $0xffff, v1;
	s23 =	smov.u32 s21;
	s21 =	sadd.s32 $0x4, s21  }
.Ltmp3:
0x34: {  	v1 =	vld [tilespmem:s22+$0xFFFFFFF0];
	[tilespmem:s20+$0x1020 ss:$0x81] =	vst.msk $0xffff, v0;
	(pc) =	sbr.rel @p2 .LBB1_4-.Ltmp3, $4  }
0x35: {  	v0 =	vld [tilespmem:s22+$0x0];
	[tilespmem:s20+$0x0 ss:$0x81] =	vst.msk $0xffff, v2  }
0x36: {  	s20 =	sshra.s32 s23, $0x2;
	v2 =	vld [tilespmem:s22+$0xFFFFFFE0]  }
0x37: {  	s20 =	sadd.s32 s20, s19  }
0x38: {  	s22 =	sadd.s32 $0x40, s22;
	[tilespmem:s20+$0x1830 ss:$0x81] =	vst.msk $0xffff, v3  }
.Ltmp4:
0x39: {  	(pc) =	sbr.rel @p1 .LBB1_3-.Ltmp4, $4  }
0x3a: {  	_ = 	snop  }
0x3b: {  	[tilespmem:s20+$0x810 ss:$0x81] =	vst.msk $0xffff, v1  }
0x3c: {  	[tilespmem:s20+$0x1020 ss:$0x81] =	vst.msk $0xffff, v0  }
0x3d: {  	s19 =	simm.s32 $0x1;
	p2 =	por $0x0, $0x0;
	[tilespmem:s20+$0x0 ss:$0x81] =	vst.msk $0xffff, v2  }
0x3e: {  	s17 =	sshll.u32 s14, $0x3;
	s18 =	sand.u32 $0x78, s14;
	s15 =	sshll.u32 s15, $0x12  }
.Ltmp5:
0x3f: {  	s30 =	sand.u32 $0x3F000, s14;
	s17 =	sand.u32 $0x7C00, s17;
	(pc) =	sbr.rel .LBB1_7-.Ltmp5, $4  }
0x40: {  	s31 =	sand.u32 $0x7, s14;
	s15 =	sadd.s32 s2, s15;
	s17 =	sor.u32 s18, s17  }
0x41: {  	s14 =	sshll.u32 s31, $0x12;
	s15 =	sadd.s32 s30, s15;
	s17 =	sshrl.u32 s17, $0x3  }
0x42: {  	s14 =	sor.u32 $0x400, s14;
	s15 =	sadd.s32 s17, s15  }
0x43: {  	[hbm4b:s15+s14] =	stream.strided.scatter [tilespmem:s16], [sflag:$0x2], $0x4000, s10, s14, $0x20;
	[tilespmem:$0x10100] =	vst v63  }
.LBB1_8:
0x44: {  	_ =	sfence.sel $0x180000  }
0x45: {  	s2 =	simm.s32 $0x1;
	[bflag:$0x0] =	sbarrier.arrive $0xFFFF  }
0x46: {  	s31 =	simm.s32 $0x2;
	[sflag:s2] =	ssyncpa.u1 $0x1  }
0x47: {  	[sflag:s31] =	ssyncpa.u1 $0x1  }
0x48: {  	p0 =	sne.s32 s0, $0x0;
	_ =	strace $0x90000053  }
0x49: {  	s0 =	sadd.s32 @!p0 $0x100000, s1;
	[bflag:$0x2] =	sbarrier.arrive $0xFFFF  }
0x4a: {  	[sflag:s0] =	ssyncadd.tile.s32 @!p0 $0x1;
	_ =	shalt  }
.Lfunc_end1:
_tile_overlayer_lowered:
.L_overlay_start_2:
0x4b: {  	(tag) =	ssettag $0x2  }
0x4c: {  	s0 =	rddreg [dreg:$0x0];
	s2 =	stileid.u32  }
0x4d: {  	s1 =	rddreg [dreg:$0x1];
	p0 =	sne.s32 s2, $0x0  }
0x4e: {  	s3 =	rddreg [dreg:$0x2];
	[bflag:$0x3] =	sbarrier.arrive $0xFFFF;
	s2 =	simm.s32 @!p0 $0x1C01  }
0x4f: {  	[timem:s3], [sflag:s2] =	dma.local @!p0 [hbm:s0], s1  }
0x50: {  	s0 =	simm.s32 @!p0 $0x1  }
0x51: {  	_ =	swait.ge @!p0 [sflag:s0], s1  }
0x52: {  	s1 =	ssub.s32 @!p0 $0x0, s1;
	[sflag:s0] =	ssyncset.done @!p0 $0x0  }
0x53: {  	[sflag:s0] =	ssyncadd.s32 @!p0 s1  }
0x54: {  	[bflag:$0x3] =	sbarrier.arrive $0xFFFF  }
0x55: {  	_ =	shalt  }

// kernel: sparse-core-data-format-call.cloned.1.call-start
scs
called_computation_lowered:
.L_overlay_start_0:
0x0: {  	s2 =	sld [smem:$0x3FD9]  }
0x1: {  	s3 =	sld [smem:$0x3FFE];
	_ =	sdelay $0x1  }
0x2: {  	s1 =	srdreg.scid  }
0x3: {  	s0 =	sand.u32 $0x1, s1  }
0x4: {  	s16 =	sshll.u32 s0, $0xA;
	s2 =	sadd.s32 s3, s2  }
0x5: {  	s2 =	sadd.s32 s2, s16  }
0x6: {  	[smem:$0x3FC3] =	sst s2  }
0x7: {  	_ = 	snop  }
0x8: {  	s2 =	sld [smem:$0x3FD0];
	_ =	sdelay $0x2  }
0x9: {  	s17 =	simm.s32 $0xB;
	s4 =	simm.s32 $0x10  }
0xa: {  	[smem:s4], [sflag:s17] =	dma.local [hbm:s2], $0x1  }
0xb: {  	_ =	swait.eq [sflag:s17], $0x1  }
0xc: {  	[sflag:s17] =	ssyncset.done $0x0  }
0xd: {  	[sflag:s17] =	ssyncadd.s32 $0xFFFFFFFF  }
0xe: {  	s18 =	sld [smem:$0x13];
	(tm) =	ssettm $0x1  }
0xf: {  	s19 =	sld [smem:$0x3FFB];
	_ =	sdelay $0x3  }
0x10: {  	_ =	strace s19  }
0x11: {  	s2 =	sld [smem:$0x3FFC];
	_ =	sdelay $0x3  }
0x12: {  	_ =	strace s2  }
0x13: {  	s2 =	sld [smem:$0x3FFD];
	_ =	sdelay $0x3  }
0x14: {  	_ =	strace s2  }
0x15: {  	_ =	strace $0x8FFFFFFF  }
0x16: {  	s20 =	sld [smem:$0x3FDB];
	_ =	sdelay $0x1  }
0x17: {  	s21 =	simm.s32 $_scs_section_size  }
0x18: {  	s5 =	simm.s32 $_size__tile_overlayer_lowered;
	s6 =	simm.s32 $_tile_overlayer_lowered  }
0x19: {  	s7 =	simm.s32 $0x1BFF;
	s22 =	sshll.u32 s6, $0x1;
	s4 =	sadd.s32 s21, s20  }
0x1a: {  	s23 =	simm.s32 $0x0;
	s5 =	sshll.u32 s5, $0x1;
	s6 =	sadd.s32 s22, s4  }
0x1b: {  	[timem:s23], [sflag:s7] =	dma.local [hbm:s6], s5  }
0x1c: {  	_ =	swait.ge [sflag:s7], s5  }
0x1d: {  	s5 =	ssub.s32 $0x0, s5;
	[sflag:s7] =	ssyncset.done $0x0  }
0x1e: {  	[sflag:s7] =	ssyncadd.s32 s5;
	_ =	sdelay $0x1  }
0x1f: {  	s24 =	simm.s32 $0x1B8B  }
0x20: {  	_ =	swait.ge [sflag:s24], $0x1  }
0x21: {  	[sflag:s24] =	ssyncset.done $0x0  }
0x22: {  	[sflag:s24] =	ssyncadd.s32 $0xFFFFFFFF  }
0x23: {  	s5 =	sld [smem:$0x0]  }
0x24: {  	s6 =	sand.u32 $0xFFFFFFFE, s1  }
0x25: {  	p0 =	sne.s32 s1, s6  }
0x26: {  	s6 =	sshll.u32 @p0 s6, $0xE  }
0x27: {  	s6 =	sadd.s32 @p0 $0x11B8D, s6;
	s7 =	sshll.u32 @p0 s5, $0x11  }
0x28: {  	s6 =	sor.u32 @p0 s7, s6  }
0x29: {  	[sflag:s6] =	ssyncadd.remote.s32 @p0 $0x1;
	_ =	sdelay $0x1  }
0x2a: {  	s6 =	simm.s32 @p0 $0x1B8D  }
0x2b: {  	_ =	swait.eq @p0 [sflag:s6], $0x1  }
0x2c: {  	[sflag:s6] =	ssyncadd.s32 @p0 $0xFFFFFFFF  }
0x2d: {  	s7 =	sshll.u32 @!p0 s1, $0xE  }
0x2e: {  	s7 =	sor.u32 @!p0 $0x4000, s7;
	s6 =	simm.s32 @!p0 $0x1B8D  }
0x2f: {  	s5 =	sshll.u32 @!p0 s5, $0x11;
	s7 =	sadd.s32 @!p0 $0x11B8D, s7;
	_ =	swait.eq @!p0 [sflag:s6], $0x1  }
0x30: {  	s5 =	sor.u32 @!p0 s5, s7;
	[sflag:s6] =	ssyncadd.s32 @!p0 $0xFFFFFFFF  }
0x31: {  	s26 =	simm.s32 $0x1B8E;
	s25 =	sld [smem:$0x3FFE];
	[sflag:s5] =	ssyncadd.remote.s32 @!p0 $0x1  }
0x32: {  	s27 =	simm.s32 $execute0_lowered;
	[smem:$0x3FD2] =	sst s26  }
0x33: {  	s6 =	sshll.u32 s27, $0x1;
	_ =	strace $0x80000055;
	[dreg:$0x1] =	wrdreg $0xFFFFFFFF  }
0x34: {  	s28 =	simm.s32 $_size_execute0_lowered;
	s4 =	sadd.s32 s4, s6;
	[dreg:$0x0] =	wrdreg $0x0  }
0x35: {  	s6 =	sshll.u32 s28, $0x1;
	[dreg:$0x2] =	wrdreg s4  }
0x36: {  	[dreg:$0x3] =	wrdreg s6  }
0x37: {  	[dreg:$0x4] =	wrdreg $0xC0  }
0x38: {  	_ =	task [dreg:s23], $0x5FFFF  }
0x39: {  	[dreg:$0x1] =	wrdreg $0xFFFFFFFF  }
0x3a: {  	[dreg:$0x0] =	wrdreg $0x60  }
0x3b: {  	[dreg:$0x2] =	wrdreg s25  }
0x3c: {  	[dreg:$0x3] =	wrdreg s18  }
0x3d: {  	[dreg:$0x4] =	wrdreg $0xA  }
0x3e: {  	_ =	task.clear_ibuf [dreg:s23], $0x5FFFF;
	_ =	strace $0x90000055  }
0x3f: {  	s29 =	simm.s32 $0xA;
	_ =	strace $0x80000057  }
0x40: {  	_ =	swait.ge [sflag:s29], $0x1  }
0x41: {  	[sflag:s29] =	ssyncadd.s32 $0xFFFFFFFF  }
0x42: {  	_ =	strace $0x90000057  }
0x43: {  	_ =	sfence  }
0x44: {  	s30 =	sld [smem:$0x0];
	_ =	sdelay $0x2  }
0x45: {  	s31 =	sshll.u32 s1, $0xD;
	s1 =	sshrl.u32 s1, $0x2  }
0x46: {  	s4 =	sand.u32 $0x4000, s31;
	s1 =	sadd.s32 s1, s30  }
0x47: {  	s0 =	sor.u32 s4, s0;
	s1 =	sshll.u32 s1, $0x11  }
0x48: {  	s0 =	sor.u32 s1, s0  }
0x49: {  	s0 =	sadd.s32 $0x8F2B, s0  }
0x4a: {  	[sflag:s0] =	ssyncadd.remote.s32 $0x1  }
0x4b: {  	_ =	sfence.sel $0xFFFF  }
0x4c: {  	[dreg:$0x0] =	wrdreg $0xFFFFFFFF;
	(pc) =	sbr.abs _section_cstart, $3  }
0x4d: {  	[dreg:$0x1] =	wrdreg $0xFFFFFFFF  }
0x4e: {  	_ =	task.clear_ibuf [dreg:s23], $0x2FFFF;
	_ =	strace $0x9FFFFFFF  }
0x4f: {  	(tm) =	ssettm $0x7FFFFFFF  }
tec
execute0_lowered:
.L_overlay_start_1:
0x0: {  	(tag) =	ssettag $0x1  }
0x1: {  	s0 =	stileid.u32  }
0x2: {  	s1 =	srdreg.scid;
	s8 =	rddreg [dreg:$0x0];
	s31 =	simm.s32 $0x2  }
0x3: {  	s14 =	simm.s32 $0x0;
	s15 =	simm.s32 $0x0;
	s13 =	simm.s32 $0x0  }
0x4: {  	s2 =	sshll.u32 s0, $0x6;
	s1 =	sshll.u32 s1, $0xA;
	s3 =	sshll.u32 s0, $0x1  }
0x5: {  	s1 =	sor.u32 s2, s1;
	s2 =	rddreg [dreg:$0x1];
	s3 =	sand.u32 $0x2, s3  }
0x6: {  	s4 =	sand.u32 $0x780, s1;
	s1 =	rddreg [dreg:$0x2];
	s5 =	ssub.s32 $0x4, s3  }
0x7: {  	_ =	strace $0x80000056;
	s12 =	smov.u32 s3;
	s6 =	ssub.s32 $0x8000, s4  }
0x8: {  	s7 =	sshrl.u32 s5, $0x2;
	s5 =	sshrl.u32 s5, $0x1;
	s9 =	sand.u32 $0x780, s6  }
0x9: {  	s10 =	sand.u32 $0x1, s5;
	p0 =	sne.s32 s9, $0x0;
	s9 =	simm.s32 $0x1  }
.Ltmp0:
0xa: {  	s6 =	sshrl.u32 s6, $0xB;
	s9 =	simm.s32 @!p0 $0x0;
	(pc) =	sbr.rel .LBB1_1-.Ltmp0, $4  }
0xb: {  	s5 =	simm.s32 $0x1;
	s7 =	sadd.s32 s7, s10;
	s6 =	sadd.s32 s9, s6  }
0xc: {  	s11 =	smov.u32 s4;
	[sflag:s5] =	ssyncpa.u1 $0x0;
	s6 =	smul.u32 s7, s6  }
0xd: {  	s10 =	simm.s32 $0x40000;
	[sflag:s31] =	ssyncpa.u1 $0x0;
	p0 =	por $0x0, $0x0  }
0xe: {  	s7 =	sadd.s32 $0x609400, s8;
	s8 =	sadd.s32 $0x689400, s8;
	s9 =	sadd.s32 $0x1, s6  }
.LBB1_7:
0xf: {  	s16 =	sadd.s32 $0x800, s11  }
0x10: {  	s14 =	sadd.s32 $0x4, s12;
	s18 =	smov.u32 s12;
	p2 =	sgt.s32 s16, $0x7FFF  }
0x11: {  	s18 =	smov.u32 @p2 s14  }
0x12: {  	s16 =	smov.u32 @p2 s4;
	p2 =	sgt.s32 s18, $0x3  }
0x13: {  	s18 =	smov.u32 @p2 s3;
	p2 =	sne.s32 s13, s9  }
.Ltmp1:
0x14: {  	p1 =	slt.u32 s13, $0x2;
	(pc) =	sbr.rel @!p2 .LBB1_8-.Ltmp1, $4  }
0x15: {  	s17 =	simm.s32 @!p1 $0x2  }
0x16: {  	s15 =	smov.u32 s12;
	p0 =	por !p0, !p0;
	_ =	swait.ge @!p1 [sflag:s17], $0x4000  }
0x17: {  	s14 =	smov.u32 s11;
	[sflag:s17] =	ssyncset.done @!p1 $0x0;
	s11 =	smov.u32 s16  }
0x18: {  	s13 =	sadd.s32 $0x1, s13;
	[sflag:s17] =	ssyncadd.s32 @!p1 $0xFFFFC000;
	s12 =	smov.u32 s18  }
.LBB1_1:
0x19: {  	p1 =	sge.u32 s13, s6  }
0x1a: {  	s16 =	sxor.u32 @!p1 $0xFFFFFFFF, s13;
	s17 =	sshll.u32 @!p1 s12, $0x13  }
0x1b: {  	s18 =	sshll.u32 @!p1 s11, $0x4;
	s20 =	simm.s32 @!p1 $0x40;
	s21 =	simm.s32 @!p1 $0x80  }
0x1c: {  	s16 =	sshll.u32 @!p1 s16, $0xE;
	s18 =	sand.u32 @!p1 $0x7FFF0, s18;
	s19 =	sadd.s32 @!p1 s7, s17  }
0x1d: {  	s17 =	sadd.s32 @!p1 s17, s8;
	s16 =	sand.u32 @!p1 $0x4000, s16;
	s19 =	sadd.s32 @!p1 s18, s19  }
0x1e: {  	[tilespmem:s16], [sflag:$0x1] =	stream.strided.gather @!p1 [hbm4b:s19+s20], $0x2000, s21, s20, $0x38;
	[tilespmem:$0x10100] =	vst v63  }
0x1f: {  	s31 =	sadd.s32 $0xFFFFFFFF, s13;
	s17 =	sadd.s32 @!p1 s18, s17;
	s16 =	sor.u32 @!p1 $0x2000, s16  }
0x20: {  	[tilespmem:s16], [sflag:$0x1] =	stream.strided.gather @!p1 [hbm4b:s17+s20], $0x2000, s21, s20, $0x38;
	[tilespmem:$0x10100] =	vst v63  }
0x21: {  	p1 =	sge.u32 s31, s6  }
.Ltmp2:
0x22: {  	_ = 	snop;
	(pc) =	sbr.rel @p1 .LBB1_7-.Ltmp2, $1  }
0x23: {  	_ =	sdelay $0x3  }
0x24: {  	s16 =	simm.s32 $0x1;
	s18 =	sand.u32 $0x1, s13  }
0x25: {  	_ =	swait.ge [sflag:s5], $0x4000;
	s16 =	simm.s32 @!p0 $0x0;
	s18 =	smul.u32 $0x10200, s18  }
0x26: {  	p2 =	por $0x1, $0x1;
	[sflag:s5] =	ssyncset.done $0x0;
	s17 =	smul.u32 $0x10200, s16  }
0x27: {  	s19 =	sshll.u32 s16, $0x10;
	[sflag:s5] =	ssyncadd.s32 $0xFFFFC000;
	s30 =	sshrl.u32 s18, $0x2  }
0x28: {  	s31 =	sshrl.u32 s19, $0x2;
	s19 =	simm.s32 $0x0;
	s17 =	sshrl.u32 s17, $0x2  }
0x29: {  	s16 =	sor.u32 $0x8000, s30;
	s18 =	sadd.s32 $0x20, s31;
	s17 =	sor.u32 $0x8000, s17  }
.LBB1_3:
0x2a: {  	s20 =	sshll.u32 s19, $0xD  }
0x2b: {  	s20 =	sand.u32 $0x3FFFE000, s20  }
0x2c: {  	s22 =	sadd.s32 s20, s18  }
0x2d: {  	s31 =	smul.u32 $0x8100, s19;
	v3 =	vld [tilespmem:s22+$0x10]  }
0x2e: {  	v1 =	vld [tilespmem:s22+$0xFFFFFFF0]  }
0x2f: {  	s19 =	sshra.s32 s31, $0x2;
	v0 =	vld [tilespmem:s22+$0x0]  }
0x30: {  	s19 =	sadd.s32 s19, s17;
	v2 =	vld [tilespmem:s22+$0xFFFFFFE0]  }
0x31: {  	s20 =	sadd.s32 $0x0, s19  }
0x32: {  	p1 =	por p2, p2;
	s21 =	simm.s32 $0x4;
	s22 =	sadd.s32 $0x40, s22;
	[tilespmem:s20+$0x1830 ss:$0x81] =	vst.msk $0xffff, v3  }
.LBB1_4:
0x33: {  	v3 =	vld [tilespmem:s22+$0x10];
	p2 =	sne.s32 s21, $0x1FC;
	[tilespmem:s20+$0x810 ss:$0x81] =	vst.msk $0xffff, v1;
	s23 =	smov.u32 s21;
	s21 =	sadd.s32 $0x4, s21  }
.Ltmp3:
0x34: {  	v1 =	vld [tilespmem:s22+$0xFFFFFFF0];
	[tilespmem:s20+$0x1020 ss:$0x81] =	vst.msk $0xffff, v0;
	(pc) =	sbr.rel @p2 .LBB1_4-.Ltmp3, $4  }
0x35: {  	v0 =	vld [tilespmem:s22+$0x0];
	[tilespmem:s20+$0x0 ss:$0x81] =	vst.msk $0xffff, v2  }
0x36: {  	s20 =	sshra.s32 s23, $0x2;
	v2 =	vld [tilespmem:s22+$0xFFFFFFE0]  }
0x37: {  	s20 =	sadd.s32 s20, s19  }
0x38: {  	s22 =	sadd.s32 $0x40, s22;
	[tilespmem:s20+$0x1830 ss:$0x81] =	vst.msk $0xffff, v3  }
.Ltmp4:
0x39: {  	(pc) =	sbr.rel @p1 .LBB1_3-.Ltmp4, $4  }
0x3a: {  	_ = 	snop  }
0x3b: {  	[tilespmem:s20+$0x810 ss:$0x81] =	vst.msk $0xffff, v1  }
0x3c: {  	[tilespmem:s20+$0x1020 ss:$0x81] =	vst.msk $0xffff, v0  }
0x3d: {  	s19 =	simm.s32 $0x1;
	p2 =	por $0x0, $0x0;
	[tilespmem:s20+$0x0 ss:$0x81] =	vst.msk $0xffff, v2  }
0x3e: {  	s17 =	sshll.u32 s14, $0x3;
	s18 =	sand.u32 $0x78, s14;
	s15 =	sshll.u32 s15, $0x12  }
.Ltmp5:
0x3f: {  	s30 =	sand.u32 $0x3F000, s14;
	s17 =	sand.u32 $0x7C00, s17;
	(pc) =	sbr.rel .LBB1_7-.Ltmp5, $4  }
0x40: {  	s31 =	sand.u32 $0x7, s14;
	s15 =	sadd.s32 s2, s15;
	s17 =	sor.u32 s18, s17  }
0x41: {  	s14 =	sshll.u32 s31, $0x12;
	s15 =	sadd.s32 s30, s15;
	s17 =	sshrl.u32 s17, $0x3  }
0x42: {  	s14 =	sor.u32 $0x400, s14;
	s15 =	sadd.s32 s17, s15  }
0x43: {  	[hbm4b:s15+s14] =	stream.strided.scatter [tilespmem:s16], [sflag:$0x2], $0x4000, s10, s14, $0x20;
	[tilespmem:$0x10100] =	vst v63  }
.LBB1_8:
0x44: {  	_ =	sfence.sel $0x180000  }
0x45: {  	s2 =	simm.s32 $0x1;
	[bflag:$0x0] =	sbarrier.arrive $0xFFFF  }
0x46: {  	s31 =	simm.s32 $0x2;
	[sflag:s2] =	ssyncpa.u1 $0x1  }
0x47: {  	[sflag:s31] =	ssyncpa.u1 $0x1  }
0x48: {  	p0 =	sne.s32 s0, $0x0;
	_ =	strace $0x90000056  }
0x49: {  	s0 =	sadd.s32 @!p0 $0x100000, s1;
	[bflag:$0x2] =	sbarrier.arrive $0xFFFF  }
0x4a: {  	[sflag:s0] =	ssyncadd.tile.s32 @!p0 $0x1;
	_ =	shalt  }
.Lfunc_end1:
_tile_overlayer_lowered:
.L_overlay_start_2:
0x4b: {  	(tag) =	ssettag $0x2  }
0x4c: {  	s0 =	rddreg [dreg:$0x0];
	s2 =	stileid.u32  }
0x4d: {  	s1 =	rddreg [dreg:$0x1];
	p0 =	sne.s32 s2, $0x0  }
0x4e: {  	s3 =	rddreg [dreg:$0x2];
	[bflag:$0x3] =	sbarrier.arrive $0xFFFF;
	s2 =	simm.s32 @!p0 $0x1C01  }
0x4f: {  	[timem:s3], [sflag:s2] =	dma.local @!p0 [hbm:s0], s1  }
0x50: {  	s0 =	simm.s32 @!p0 $0x1  }
0x51: {  	_ =	swait.ge @!p0 [sflag:s0], s1  }
0x52: {  	s1 =	ssub.s32 @!p0 $0x0, s1;
	[sflag:s0] =	ssyncset.done @!p0 $0x0  }
0x53: {  	[sflag:s0] =	ssyncadd.s32 @!p0 s1  }
0x54: {  	[bflag:$0x3] =	sbarrier.arrive $0xFFFF  }
0x55: {  	_ =	shalt  }

</sc_bundles>
